<compile_context>
chip_gen: v7x
topology: tpu7x:2x2x1
jax: 0.10.2.dev20260603
libtpu: 0.0.44.dev20260713+nightly
codegen_flags: <defaults>
</compile_context>

<pallas_src>
import functools

import jax
import jax.numpy as jnp
from jax import lax
from jax.experimental import pallas as pl
from jax.experimental.pallas import tpu as pltpu
from jax.experimental.pallas import tpu_sc as plsc

_LEN_PENALTY_RATIO = 0.8
_ROW_BLOCK = 8
_BIG = 2**30


def _argmax4(y, vocab):
    ns = 4
    b0 = ((vocab // ns) // 128) * 128
    bounds = [i * b0 for i in range(ns)] + [vocab]
    vs, as_ = [], []
    for st, en in zip(bounds[:-1], bounds[1:]):
        xs = y[:, st:en]
        vs.append(jnp.max(xs, axis=1, keepdims=True))
        as_.append(jnp.argmax(xs, axis=1, keepdims=True).astype(jnp.int32) + st)
    v, a = vs[0], as_[0]
    for i in range(1, ns):
        better = vs[i] > v
        a = jnp.where(better, as_[i], a)
        v = jnp.where(better, vs[i], v)
    return v, a


def _rowtopk_body(k, rb, vocab, logits_ref, cur_ref, size_ref, eos_ref,
                  vals_ref, idxs_ref, stats_ref):
    x = logits_ref[...]
    v, a = _argmax4(x, vocab)
    s = jnp.sum(jnp.exp(x - v), axis=1, keepdims=True)
    cur = cur_ref[...]
    pen = jnp.power((size_ref[...] + 6.0) / 6.0, _LEN_PENALTY_RATIO)
    adj = cur - v - jnp.log(s)
    stats_ref[...] = jnp.concatenate(
        [adj, pen, cur, eos_ref[...], jnp.zeros((rb, 4), jnp.float32)], axis=1)

    lane = lax.broadcasted_iota(jnp.int32, (1, 128), 1)
    vals, idxs = [v], [a]
    for _ in range(1, k):
        for r in range(rb):
            ar = a[r, 0]
            base = pl.multiple_of((ar // 128) * 128, 128)
            off = ar - base
            chunk = logits_ref[pl.ds(r, 1), pl.ds(base, 128)]
            logits_ref[pl.ds(r, 1), pl.ds(base, 128)] = jnp.where(
                lane == off, -jnp.inf, chunk)
        v, a = _argmax4(logits_ref[...], vocab)
        vals.append(v)
        idxs.append(a)
    pad = jnp.zeros((rb, 8 - k), jnp.float32)
    vals_ref[...] = jnp.concatenate(vals + [pad], axis=1)
    idxs_ref[...] = jnp.concatenate(idxs + [pad.astype(jnp.int32)], axis=1)


def _sc_merge_body(k, vocab, vals_hbm, idxs_hbm, stats_hbm, tbo_hbm,
                   tops_hbm, words_hbm, rows_hbm,
                   vals_v, idxs_v, stats_v, rows_v, gidx_v,
                   tops_v, words_v, sem):
    wid = lax.axis_index("s") * 2 + lax.axis_index("c")
    h1 = pltpu.async_copy(vals_hbm, vals_v, sem)
    h2 = pltpu.async_copy(idxs_hbm, idxs_v, sem)
    h3 = pltpu.async_copy(stats_hbm, stats_v, sem)
    h1.wait()
    h2.wait()
    h3.wait()
    lane = lax.broadcasted_iota(jnp.int32, (16,), 0)
    neg = jnp.full((16,), -jnp.inf, jnp.float32)
    for bi in range(2):
        b_glob = wid * 2 + bi
        sc_chunks, fl_chunks = [], []
        for c in range(2):
            slot = lane + 16 * c
            valid = slot < (k * k)
            beam = jnp.zeros((16,), jnp.int32)
            for g in range(1, 32 // k + 1):
                beam = beam + jnp.where(slot >= g * k, 1, 0)
            beam = jnp.minimum(beam, k - 1)
            col = jnp.minimum(slot - beam * k, k - 1)
            rowv = b_glob * k + beam
            val = plsc.load_gather(vals_v, [rowv, col])
            idx = plsc.load_gather(idxs_v, [rowv, col])
            adj = plsc.load_gather(stats_v, [rowv, jnp.zeros((16,), jnp.int32)])
            pen = plsc.load_gather(stats_v, [rowv, jnp.full((16,), 1, jnp.int32)])
            cur = plsc.load_gather(stats_v, [rowv, jnp.full((16,), 2, jnp.int32)])
            eos = plsc.load_gather(stats_v, [rowv, jnp.full((16,), 3, jnp.int32)])
            word = jnp.where(eos > 0.5, slot - beam * k, idx)
            s = jnp.where(eos > 0.5, cur, val + adj) / pen
            sc_chunks.append(jnp.where(valid, s, neg))
            fl_chunks.append(jnp.where(valid, beam * vocab + word, _BIG))
        tops_vec = jnp.zeros((16,), jnp.float32)
        flat_vec = jnp.zeros((16,), jnp.int32)
        for t in range(k):
            m = jnp.maximum(jnp.max(sc_chunks[0]), jnp.max(sc_chunks[1]))
            fc0 = jnp.where(sc_chunks[0] == m, fl_chunks[0], _BIG)
            fc1 = jnp.where(sc_chunks[1] == m, fl_chunks[1], _BIG)
            am = jnp.minimum(jnp.min(fc0), jnp.min(fc1))
            sc_chunks[0] = jnp.where(fc0 == am, neg, sc_chunks[0])
            sc_chunks[1] = jnp.where(fc1 == am, neg, sc_chunks[1])
            tops_vec = jnp.where(lane == t, m, tops_vec)
            flat_vec = jnp.where(lane == t, am, flat_vec)
        beam_vec = jnp.zeros((16,), jnp.int32)
        for g in range(1, k):
            beam_vec = beam_vec + jnp.where(flat_vec >= g * vocab, 1, 0)
        word_vec = flat_vec - beam_vec * vocab
        gidx_v[...] = jnp.where(lane < k, b_glob * k + beam_vec, 0)
        pltpu.async_copy(tbo_hbm.at[gidx_v], rows_v, sem).wait()
        pltpu.sync_copy(rows_v.at[pl.ds(0, 8)], rows_hbm.at[pl.ds(b_glob * 8, 8)])
        tops_v[bi, pl.ds(0, 16)] = tops_vec
        words_v[bi, pl.ds(0, 16)] = word_vec
    pltpu.sync_copy(tops_v, tops_hbm.at[pl.ds(wid * 8, 8)])
    pltpu.sync_copy(words_v, words_hbm.at[pl.ds(wid * 8, 8)])


def kernel(logits, cur_scores, cur_size, eos_mask, top_beam_outputs, beam_width):
    Bb, k, seq_len = top_beam_outputs.shape
    rows, vocab = logits.shape
    rb = _ROW_BLOCK
    grid = rows // rb

    cur2 = cur_scores.reshape(rows, 1)
    size_f = cur_size.astype(jnp.float32).reshape(rows, 1)
    eos_f = eos_mask.astype(jnp.float32).reshape(rows, 1)

    vals, idxs, stats = pl.pallas_call(
        functools.partial(_rowtopk_body, k, rb, vocab),
        grid=(grid,),
        in_specs=[
            pl.BlockSpec((rb, vocab), lambda i: (i, 0)),
            pl.BlockSpec((rb, 1), lambda i: (i, 0)),
            pl.BlockSpec((rb, 1), lambda i: (i, 0)),
            pl.BlockSpec((rb, 1), lambda i: (i, 0)),
        ],
        out_specs=[
            pl.BlockSpec((rb, 8), lambda i: (i, 0)),
            pl.BlockSpec((rb, 8), lambda i: (i, 0)),
            pl.BlockSpec((rb, 8), lambda i: (i, 0)),
        ],
        out_shape=[
            jax.ShapeDtypeStruct((rows, 8), jnp.float32),
            jax.ShapeDtypeStruct((rows, 8), jnp.int32),
            jax.ShapeDtypeStruct((rows, 8), jnp.float32),
        ],
    )(logits, cur2, size_f, eos_f)

    nw = Bb // 2
    tbo2 = top_beam_outputs.reshape(Bb * k, seq_len).astype(jnp.int32)

    mesh = plsc.VectorSubcoreMesh(core_axis_name="c", subcore_axis_name="s")
    sc_merge = functools.partial(
        pl.kernel,
        mesh=mesh,
        compiler_params=pltpu.CompilerParams(
            needs_layout_passes=False, use_tc_tiling_on_sc=False),
        out_type=[
            jax.ShapeDtypeStruct((nw * 8, 16), jnp.float32),
            jax.ShapeDtypeStruct((nw * 8, 16), jnp.int32),
            jax.ShapeDtypeStruct((Bb * 8, seq_len), jnp.int32),
        ],
        scratch_types=[
            pltpu.VMEM((rows, 8), jnp.float32),
            pltpu.VMEM((rows, 8), jnp.int32),
            pltpu.VMEM((rows, 8), jnp.float32),
            pltpu.VMEM((16, seq_len), jnp.int32),
            pltpu.VMEM((16,), jnp.int32),
            pltpu.VMEM((8, 16), jnp.float32),
            pltpu.VMEM((8, 16), jnp.int32),
            pltpu.SemaphoreType.DMA,
        ],
    )(functools.partial(_sc_merge_body, k, vocab))
    tops_pad, words_pad, rows_out = sc_merge(vals, idxs, stats, tbo2)

    tops = tops_pad.reshape(nw, 8, 16)[:, :2, :k].reshape(Bb, k)
    words = words_pad.reshape(nw, 8, 16)[:, :2, :k].reshape(Bb, k)
    top_scores = tops + 0.0 * beam_width
    new_outputs = jnp.concatenate(
        [rows_out.reshape(Bb, 8, seq_len)[:, :k, :],
         words.astype(top_beam_outputs.dtype)[:, :, None]],
        axis=-1)
    return top_scores, new_outputs

# --- scband reference (transcript-rebuilt; emitter-appended) ---
"""Pipeline reference for scband-beam-decoder-76759655514796 (READ-ONLY COPY).

The authoritative reference and input builder live on the scoring server;
editing this copy changes nothing except your own understanding.
"""

import jax, jax.numpy as jnp
import numpy as np

B = 64
BEAM = 5
VOCAB = 100000
L = 32
LEN_PENALTY_RATIO = 0.8


def setup_inputs(seed: int = 0) -> dict:
    key = jax.random.key(seed)
    k1, k2, k3, k4 = jax.random.split(key, 4)
    logits = jax.random.normal(k1, (B * BEAM, VOCAB), dtype=jnp.float32)
    cur_scores = jax.random.normal(k2, (B * BEAM, 1), dtype=jnp.float32)
    cur_size = jax.random.randint(k3, (B * BEAM,), 0, L)
    eos_mask = jnp.zeros((B * BEAM,), dtype=bool)
    top_beam_outputs = jax.random.randint(k4, (B, BEAM, L), 0, VOCAB)
    return {
        'logits': logits,
        'cur_scores': cur_scores,
        'cur_size': cur_size,
        'eos_mask': eos_mask,
        'top_beam_outputs': top_beam_outputs,
        'beam_width': BEAM,
    }


def len_penalty(lengths):
    # (lengths + 6)/6 ** ratio, per GNMT (arXiv 1609.08144 sec 7)
    return jnp.power((lengths.astype(jnp.float32) + 6.0) / 6.0, LEN_PENALTY_RATIO)[:, None]


def reference(logits, cur_scores, cur_size, eos_mask, top_beam_outputs, beam_width):
    # One inner-loop step of BeamDecoder.forward (the top-k masking / beam
    # expansion core): log_softmax over vocab, zero out finished beams,
    # length-penalized cumulative scores, top-k over (beam*vocab), then
    # gather parent beams and append chosen tokens.
    Bb = top_beam_outputs.shape[0]
    vocab = logits.shape[-1]
    out = jax.nn.log_softmax(logits, axis=-1)
    # output[eos_mask] = 0
    out = jnp.where(eos_mask[:, None], 0.0, out)
    beam_scores = ((cur_scores + out) / len_penalty(cur_size)).reshape(Bb, -1)
    k_static = top_beam_outputs.shape[1]
    top_scores, indices = jax.lax.top_k(beam_scores, k_static)
    top_scores = top_scores + 0.0 * beam_width
    flat_word = indices % vocab
    beam_idx = indices // vocab
    # beam_to_use = top_beam_outputs.gather(1, beam_indices_to_select)
    gathered = jnp.take_along_axis(
        top_beam_outputs,
        jnp.broadcast_to(beam_idx[:, :, None], top_beam_outputs.shape),
        axis=1,
    )
    new_outputs = jnp.concatenate([gathered, flat_word[:, :, None]], axis=-1)
    return top_scores, new_outputs

if __name__ == "__main__":
    import jax
    _d = setup_inputs()
    print(jax.jit(kernel)(*tuple(_d.values())))

</pallas_src>

<mosaic_0001>
#map = affine_map<(d0, d1) -> (0, 0)>
module attributes {stable_mosaic.version = 14 : i64} {
  func.func @_sc_merge_body(%arg0: i32, %arg1: i32, %arg2: memref<320x8xf32, #tpu.memory_space<hbm>>, %arg3: memref<320x8xi32, #tpu.memory_space<hbm>>, %arg4: memref<320x8xf32, #tpu.memory_space<hbm>>, %arg5: memref<320x32xi32, #tpu.memory_space<hbm>>, %arg6: memref<256x16xf32, #tpu.memory_space<hbm>>, %arg7: memref<256x16xi32, #tpu.memory_space<hbm>>, %arg8: memref<512x32xi32, #tpu.memory_space<hbm>>, %arg9: memref<320x8xf32, #tpu.memory_space<vmem>>, %arg10: memref<320x8xi32, #tpu.memory_space<vmem>>, %arg11: memref<320x8xf32, #tpu.memory_space<vmem>>, %arg12: memref<16x32xi32, #tpu.memory_space<vmem>>, %arg13: memref<16xi32, #tpu.memory_space<vmem>>, %arg14: memref<8x16xf32, #tpu.memory_space<vmem>>, %arg15: memref<8x16xi32, #tpu.memory_space<vmem>>, %arg16: memref<!tpu.dma_semaphore, #tpu.memory_space<semaphore_mem>>) attributes {dimension_semantics = [#tpu.dimension_semantics<core_parallel>, #tpu.dimension_semantics<subcore_parallel>], iteration_bounds = array<i64: 2, 16>, scalar_prefetch = 0 : i64, scratch_operands = 8 : i64, tpu.core_type = #tpu.core_type<sc_vector_subcore>, window_params = [{transform_indices = #map}, {transform_indices = #map}, {transform_indices = #map}, {transform_indices = #map}, {transform_indices = #map}, {transform_indices = #map}, {transform_indices = #map}]} {
    %mul3A = arith.constant 2 : i32
    %mul3A_0 = arith.muli %arg1, %mul3A : i32
    %add3A = arith.addi %mul3A_0, %arg0 : i32
    tpu.enqueue_dma source(%arg2 : memref<320x8xf32, #tpu.memory_space<hbm>>) target(%arg9 : memref<320x8xf32, #tpu.memory_space<vmem>>) target_semaphore(%arg16 : memref<!tpu.dma_semaphore, #tpu.memory_space<semaphore_mem>>)
    tpu.enqueue_dma source(%arg3 : memref<320x8xi32, #tpu.memory_space<hbm>>) target(%arg10 : memref<320x8xi32, #tpu.memory_space<vmem>>) target_semaphore(%arg16 : memref<!tpu.dma_semaphore, #tpu.memory_space<semaphore_mem>>)
    tpu.enqueue_dma source(%arg4 : memref<320x8xf32, #tpu.memory_space<hbm>>) target(%arg11 : memref<320x8xf32, #tpu.memory_space<vmem>>) target_semaphore(%arg16 : memref<!tpu.dma_semaphore, #tpu.memory_space<semaphore_mem>>)
    tpu.wait_dma2 semaphore(%arg16 : memref<!tpu.dma_semaphore, #tpu.memory_space<semaphore_mem>>) src(%arg2 : memref<320x8xf32, #tpu.memory_space<hbm>>) dst(%arg9 : memref<320x8xf32, #tpu.memory_space<vmem>>)
    tpu.wait_dma2 semaphore(%arg16 : memref<!tpu.dma_semaphore, #tpu.memory_space<semaphore_mem>>) src(%arg3 : memref<320x8xi32, #tpu.memory_space<hbm>>) dst(%arg10 : memref<320x8xi32, #tpu.memory_space<vmem>>)
    tpu.wait_dma2 semaphore(%arg16 : memref<!tpu.dma_semaphore, #tpu.memory_space<semaphore_mem>>) src(%arg4 : memref<320x8xf32, #tpu.memory_space<hbm>>) dst(%arg11 : memref<320x8xf32, #tpu.memory_space<vmem>>)
    %iota3A = tpu.iota {dimensions = array<i32: 0>} : vector<16xi32>
    %broadcast_in_dim3A = arith.constant 0xFF800000 : f32
    %broadcast_in_dim3A_1 = vector.broadcast %broadcast_in_dim3A : f32 to vector<16xf32>
    %mul3A_2 = arith.constant 2 : i32
    %mul3A_3 = arith.muli %add3A, %mul3A_2 : i32
    %add3A_4 = arith.constant 0 : i32
    %add3A_5 = arith.addi %mul3A_3, %add3A_4 : i32
    %add3A_6 = arith.constant 0 : i32
    %add3A_7 = vector.broadcast %add3A_6 : i32 to vector<16xi32>
    %add3A_8 = arith.addi %iota3A, %add3A_7 : vector<16xi32>
    %lt3A = arith.constant 25 : i32
    %lt3A_9 = vector.broadcast %lt3A : i32 to vector<16xi32>
    %lt3A_10 = arith.cmpi slt, %add3A_8, %lt3A_9 : vector<16xi32>
    %broadcast_in_dim3A_11 = arith.constant 0 : i32
    %broadcast_in_dim3A_12 = vector.broadcast %broadcast_in_dim3A_11 : i32 to vector<16xi32>
    %ge3A = arith.constant 5 : i32
    %ge3A_13 = vector.broadcast %ge3A : i32 to vector<16xi32>
    %ge3A_14 = arith.cmpi sge, %add3A_8, %ge3A_13 : vector<16xi32>
    %jit3A = arith.constant 1 : i32
    %jit3A_15 = arith.constant 0 : i32
    %broadcast_in_dim3A_16 = vector.broadcast %jit3A : i32 to vector<16xi32>
    %broadcast_in_dim3A_17 = vector.broadcast %jit3A_15 : i32 to vector<16xi32>
    %select_n3A = arith.select %ge3A_14, %broadcast_in_dim3A_16, %broadcast_in_dim3A_17 : vector<16xi1>, vector<16xi32>
    %add3A_18 = arith.addi %broadcast_in_dim3A_12, %select_n3A : vector<16xi32>
    %ge3A_19 = arith.constant 10 : i32
    %ge3A_20 = vector.broadcast %ge3A_19 : i32 to vector<16xi32>
    %ge3A_21 = arith.cmpi sge, %add3A_8, %ge3A_20 : vector<16xi32>
    %jit3A_22 = arith.constant 1 : i32
    %jit3A_23 = arith.constant 0 : i32
    %broadcast_in_dim3A_24 = vector.broadcast %jit3A_22 : i32 to vector<16xi32>
    %broadcast_in_dim3A_25 = vector.broadcast %jit3A_23 : i32 to vector<16xi32>
    %select_n3A_26 = arith.select %ge3A_21, %broadcast_in_dim3A_24, %broadcast_in_dim3A_25 : vector<16xi1>, vector<16xi32>
    %add3A_27 = arith.addi %add3A_18, %select_n3A_26 : vector<16xi32>
    %ge3A_28 = arith.constant 15 : i32
    %ge3A_29 = vector.broadcast %ge3A_28 : i32 to vector<16xi32>
    %ge3A_30 = arith.cmpi sge, %add3A_8, %ge3A_29 : vector<16xi32>
    %jit3A_31 = arith.constant 1 : i32
    %jit3A_32 = arith.constant 0 : i32
    %broadcast_in_dim3A_33 = vector.broadcast %jit3A_31 : i32 to vector<16xi32>
    %broadcast_in_dim3A_34 = vector.broadcast %jit3A_32 : i32 to vector<16xi32>
    %select_n3A_35 = arith.select %ge3A_30, %broadcast_in_dim3A_33, %broadcast_in_dim3A_34 : vector<16xi1>, vector<16xi32>
    %add3A_36 = arith.addi %add3A_27, %select_n3A_35 : vector<16xi32>
    %ge3A_37 = arith.constant 20 : i32
    %ge3A_38 = vector.broadcast %ge3A_37 : i32 to vector<16xi32>
    %ge3A_39 = arith.cmpi sge, %add3A_8, %ge3A_38 : vector<16xi32>
    %jit3A_40 = arith.constant 1 : i32
    %jit3A_41 = arith.constant 0 : i32
    %broadcast_in_dim3A_42 = vector.broadcast %jit3A_40 : i32 to vector<16xi32>
    %broadcast_in_dim3A_43 = vector.broadcast %jit3A_41 : i32 to vector<16xi32>
    %select_n3A_44 = arith.select %ge3A_39, %broadcast_in_dim3A_42, %broadcast_in_dim3A_43 : vector<16xi1>, vector<16xi32>
    %add3A_45 = arith.addi %add3A_36, %select_n3A_44 : vector<16xi32>
    %ge3A_46 = arith.constant 25 : i32
    %ge3A_47 = vector.broadcast %ge3A_46 : i32 to vector<16xi32>
    %ge3A_48 = arith.cmpi sge, %add3A_8, %ge3A_47 : vector<16xi32>
    %jit3A_49 = arith.constant 1 : i32
    %jit3A_50 = arith.constant 0 : i32
    %broadcast_in_dim3A_51 = vector.broadcast %jit3A_49 : i32 to vector<16xi32>
    %broadcast_in_dim3A_52 = vector.broadcast %jit3A_50 : i32 to vector<16xi32>
    %select_n3A_53 = arith.select %ge3A_48, %broadcast_in_dim3A_51, %broadcast_in_dim3A_52 : vector<16xi1>, vector<16xi32>
    %add3A_54 = arith.addi %add3A_45, %select_n3A_53 : vector<16xi32>
    %ge3A_55 = arith.constant 30 : i32
    %ge3A_56 = vector.broadcast %ge3A_55 : i32 to vector<16xi32>
    %ge3A_57 = arith.cmpi sge, %add3A_8, %ge3A_56 : vector<16xi32>
    %jit3A_58 = arith.constant 1 : i32
    %jit3A_59 = arith.constant 0 : i32
    %broadcast_in_dim3A_60 = vector.broadcast %jit3A_58 : i32 to vector<16xi32>
    %broadcast_in_dim3A_61 = vector.broadcast %jit3A_59 : i32 to vector<16xi32>
    %select_n3A_62 = arith.select %ge3A_57, %broadcast_in_dim3A_60, %broadcast_in_dim3A_61 : vector<16xi1>, vector<16xi32>
    %add3A_63 = arith.addi %add3A_54, %select_n3A_62 : vector<16xi32>
    %min3A = arith.constant 4 : i32
    %min3A_64 = vector.broadcast %min3A : i32 to vector<16xi32>
    %min3A_65 = arith.minsi %add3A_63, %min3A_64 : vector<16xi32>
    %mul3A_66 = arith.constant 5 : i32
    %mul3A_67 = vector.broadcast %mul3A_66 : i32 to vector<16xi32>
    %mul3A_68 = arith.muli %min3A_65, %mul3A_67 : vector<16xi32>
    %sub3A = arith.subi %add3A_8, %mul3A_68 : vector<16xi32>
    %min3A_69 = arith.constant 4 : i32
    %min3A_70 = vector.broadcast %min3A_69 : i32 to vector<16xi32>
    %min3A_71 = arith.minsi %sub3A, %min3A_70 : vector<16xi32>
    %mul3A_72 = arith.constant 5 : i32
    %mul3A_73 = arith.muli %add3A_5, %mul3A_72 : i32
    %add3A_74 = vector.broadcast %mul3A_73 : i32 to vector<16xi32>
    %add3A_75 = arith.addi %add3A_74, %min3A_65 : vector<16xi32>
    %gather3A = tpu.vector_load_idx %arg9[%add3A_75, %min3A_71] : memref<320x8xf32, #tpu.memory_space<vmem>>[vector<16xi32>, vector<16xi32>], vector<16xf32>,
    %gather3A_76 = tpu.vector_load_idx %arg10[%add3A_75, %min3A_71] : memref<320x8xi32, #tpu.memory_space<vmem>>[vector<16xi32>, vector<16xi32>], vector<16xi32>,
    %broadcast_in_dim3A_77 = arith.constant 0 : i32
    %broadcast_in_dim3A_78 = vector.broadcast %broadcast_in_dim3A_77 : i32 to vector<16xi32>
    %gather3A_79 = tpu.vector_load_idx %arg11[%add3A_75, %broadcast_in_dim3A_78] : memref<320x8xf32, #tpu.memory_space<vmem>>[vector<16xi32>, vector<16xi32>], vector<16xf32>,
    %broadcast_in_dim3A_80 = arith.constant 1 : i32
    %broadcast_in_dim3A_81 = vector.broadcast %broadcast_in_dim3A_80 : i32 to vector<16xi32>
    %gather3A_82 = tpu.vector_load_idx %arg11[%add3A_75, %broadcast_in_dim3A_81] : memref<320x8xf32, #tpu.memory_space<vmem>>[vector<16xi32>, vector<16xi32>], vector<16xf32>,
    %broadcast_in_dim3A_83 = arith.constant 2 : i32
    %broadcast_in_dim3A_84 = vector.broadcast %broadcast_in_dim3A_83 : i32 to vector<16xi32>
    %gather3A_85 = tpu.vector_load_idx %arg11[%add3A_75, %broadcast_in_dim3A_84] : memref<320x8xf32, #tpu.memory_space<vmem>>[vector<16xi32>, vector<16xi32>], vector<16xf32>,
    %broadcast_in_dim3A_86 = arith.constant 3 : i32
    %broadcast_in_dim3A_87 = vector.broadcast %broadcast_in_dim3A_86 : i32 to vector<16xi32>
    %gather3A_88 = tpu.vector_load_idx %arg11[%add3A_75, %broadcast_in_dim3A_87] : memref<320x8xf32, #tpu.memory_space<vmem>>[vector<16xi32>, vector<16xi32>], vector<16xf32>,
    %gt3A = arith.constant 5.000000e-01 : f32
    %gt3A_89 = vector.broadcast %gt3A : f32 to vector<16xf32>
    %gt3A_90 = arith.cmpf ogt, %gather3A_88, %gt3A_89 : vector<16xf32>
    %mul3A_91 = arith.constant 5 : i32
    %mul3A_92 = vector.broadcast %mul3A_91 : i32 to vector<16xi32>
    %mul3A_93 = arith.muli %min3A_65, %mul3A_92 : vector<16xi32>
    %sub3A_94 = arith.subi %add3A_8, %mul3A_93 : vector<16xi32>
    %select_n3A_95 = arith.select %gt3A_90, %sub3A_94, %gather3A_76 : vector<16xi1>, vector<16xi32>
    %gt3A_96 = arith.constant 5.000000e-01 : f32
    %gt3A_97 = vector.broadcast %gt3A_96 : f32 to vector<16xf32>
    %gt3A_98 = arith.cmpf ogt, %gather3A_88, %gt3A_97 : vector<16xf32>
    %add3A_99 = arith.addf %gather3A, %gather3A_79 : vector<16xf32>
    %select_n3A_100 = arith.select %gt3A_98, %gather3A_85, %add3A_99 : vector<16xi1>, vector<16xf32>
    %div3A = arith.divf %select_n3A_100, %gather3A_82 : vector<16xf32>
    %select_n3A_101 = arith.select %lt3A_10, %div3A, %broadcast_in_dim3A_1 : vector<16xi1>, vector<16xf32>
    %mul3A_102 = arith.constant 100000 : i32
    %mul3A_103 = vector.broadcast %mul3A_102 : i32 to vector<16xi32>
    %mul3A_104 = arith.muli %min3A_65, %mul3A_103 : vector<16xi32>
    %add3A_105 = arith.addi %mul3A_104, %select_n3A_95 : vector<16xi32>
    %jit3A_106 = arith.constant 1073741824 : i32
    %broadcast_in_dim3A_107 = vector.broadcast %jit3A_106 : i32 to vector<16xi32>
    %select_n3A_108 = arith.select %lt3A_10, %add3A_105, %broadcast_in_dim3A_107 : vector<16xi1>, vector<16xi32>
    %add3A_109 = arith.constant 16 : i32
    %add3A_110 = vector.broadcast %add3A_109 : i32 to vector<16xi32>
    %add3A_111 = arith.addi %iota3A, %add3A_110 : vector<16xi32>
    %lt3A_112 = arith.constant 25 : i32
    %lt3A_113 = vector.broadcast %lt3A_112 : i32 to vector<16xi32>
    %lt3A_114 = arith.cmpi slt, %add3A_111, %lt3A_113 : vector<16xi32>
    %broadcast_in_dim3A_115 = arith.constant 0 : i32
    %broadcast_in_dim3A_116 = vector.broadcast %broadcast_in_dim3A_115 : i32 to vector<16xi32>
    %ge3A_117 = arith.constant 5 : i32
    %ge3A_118 = vector.broadcast %ge3A_117 : i32 to vector<16xi32>
    %ge3A_119 = arith.cmpi sge, %add3A_111, %ge3A_118 : vector<16xi32>
    %jit3A_120 = arith.constant 1 : i32
    %jit3A_121 = arith.constant 0 : i32
    %broadcast_in_dim3A_122 = vector.broadcast %jit3A_120 : i32 to vector<16xi32>
    %broadcast_in_dim3A_123 = vector.broadcast %jit3A_121 : i32 to vector<16xi32>
    %select_n3A_124 = arith.select %ge3A_119, %broadcast_in_dim3A_122, %broadcast_in_dim3A_123 : vector<16xi1>, vector<16xi32>
    %add3A_125 = arith.addi %broadcast_in_dim3A_116, %select_n3A_124 : vector<16xi32>
    %ge3A_126 = arith.constant 10 : i32
    %ge3A_127 = vector.broadcast %ge3A_126 : i32 to vector<16xi32>
    %ge3A_128 = arith.cmpi sge, %add3A_111, %ge3A_127 : vector<16xi32>
    %jit3A_129 = arith.constant 1 : i32
    %jit3A_130 = arith.constant 0 : i32
    %broadcast_in_dim3A_131 = vector.broadcast %jit3A_129 : i32 to vector<16xi32>
    %broadcast_in_dim3A_132 = vector.broadcast %jit3A_130 : i32 to vector<16xi32>
    %select_n3A_133 = arith.select %ge3A_128, %broadcast_in_dim3A_131, %broadcast_in_dim3A_132 : vector<16xi1>, vector<16xi32>
    %add3A_134 = arith.addi %add3A_125, %select_n3A_133 : vector<16xi32>
    %ge3A_135 = arith.constant 15 : i32
    %ge3A_136 = vector.broadcast %ge3A_135 : i32 to vector<16xi32>
    %ge3A_137 = arith.cmpi sge, %add3A_111, %ge3A_136 : vector<16xi32>
    %jit3A_138 = arith.constant 1 : i32
    %jit3A_139 = arith.constant 0 : i32
    %broadcast_in_dim3A_140 = vector.broadcast %jit3A_138 : i32 to vector<16xi32>
    %broadcast_in_dim3A_141 = vector.broadcast %jit3A_139 : i32 to vector<16xi32>
    %select_n3A_142 = arith.select %ge3A_137, %broadcast_in_dim3A_140, %broadcast_in_dim3A_141 : vector<16xi1>, vector<16xi32>
    %add3A_143 = arith.addi %add3A_134, %select_n3A_142 : vector<16xi32>
    %ge3A_144 = arith.constant 20 : i32
    %ge3A_145 = vector.broadcast %ge3A_144 : i32 to vector<16xi32>
    %ge3A_146 = arith.cmpi sge, %add3A_111, %ge3A_145 : vector<16xi32>
    %jit3A_147 = arith.constant 1 : i32
    %jit3A_148 = arith.constant 0 : i32
    %broadcast_in_dim3A_149 = vector.broadcast %jit3A_147 : i32 to vector<16xi32>
    %broadcast_in_dim3A_150 = vector.broadcast %jit3A_148 : i32 to vector<16xi32>
    %select_n3A_151 = arith.select %ge3A_146, %broadcast_in_dim3A_149, %broadcast_in_dim3A_150 : vector<16xi1>, vector<16xi32>
    %add3A_152 = arith.addi %add3A_143, %select_n3A_151 : vector<16xi32>
    %ge3A_153 = arith.constant 25 : i32
    %ge3A_154 = vector.broadcast %ge3A_153 : i32 to vector<16xi32>
    %ge3A_155 = arith.cmpi sge, %add3A_111, %ge3A_154 : vector<16xi32>
    %jit3A_156 = arith.constant 1 : i32
    %jit3A_157 = arith.constant 0 : i32
    %broadcast_in_dim3A_158 = vector.broadcast %jit3A_156 : i32 to vector<16xi32>
    %broadcast_in_dim3A_159 = vector.broadcast %jit3A_157 : i32 to vector<16xi32>
    %select_n3A_160 = arith.select %ge3A_155, %broadcast_in_dim3A_158, %broadcast_in_dim3A_159 : vector<16xi1>, vector<16xi32>
    %add3A_161 = arith.addi %add3A_152, %select_n3A_160 : vector<16xi32>
    %ge3A_162 = arith.constant 30 : i32
    %ge3A_163 = vector.broadcast %ge3A_162 : i32 to vector<16xi32>
    %ge3A_164 = arith.cmpi sge, %add3A_111, %ge3A_163 : vector<16xi32>
    %jit3A_165 = arith.constant 1 : i32
    %jit3A_166 = arith.constant 0 : i32
    %broadcast_in_dim3A_167 = vector.broadcast %jit3A_165 : i32 to vector<16xi32>
    %broadcast_in_dim3A_168 = vector.broadcast %jit3A_166 : i32 to vector<16xi32>
    %select_n3A_169 = arith.select %ge3A_164, %broadcast_in_dim3A_167, %broadcast_in_dim3A_168 : vector<16xi1>, vector<16xi32>
    %add3A_170 = arith.addi %add3A_161, %select_n3A_169 : vector<16xi32>
    %min3A_171 = arith.constant 4 : i32
    %min3A_172 = vector.broadcast %min3A_171 : i32 to vector<16xi32>
    %min3A_173 = arith.minsi %add3A_170, %min3A_172 : vector<16xi32>
    %mul3A_174 = arith.constant 5 : i32
    %mul3A_175 = vector.broadcast %mul3A_174 : i32 to vector<16xi32>
    %mul3A_176 = arith.muli %min3A_173, %mul3A_175 : vector<16xi32>
    %sub3A_177 = arith.subi %add3A_111, %mul3A_176 : vector<16xi32>
    %min3A_178 = arith.constant 4 : i32
    %min3A_179 = vector.broadcast %min3A_178 : i32 to vector<16xi32>
    %min3A_180 = arith.minsi %sub3A_177, %min3A_179 : vector<16xi32>
    %mul3A_181 = arith.constant 5 : i32
    %mul3A_182 = arith.muli %add3A_5, %mul3A_181 : i32
    %add3A_183 = vector.broadcast %mul3A_182 : i32 to vector<16xi32>
    %add3A_184 = arith.addi %add3A_183, %min3A_173 : vector<16xi32>
    %gather3A_185 = tpu.vector_load_idx %arg9[%add3A_184, %min3A_180] : memref<320x8xf32, #tpu.memory_space<vmem>>[vector<16xi32>, vector<16xi32>], vector<16xf32>,
    %gather3A_186 = tpu.vector_load_idx %arg10[%add3A_184, %min3A_180] : memref<320x8xi32, #tpu.memory_space<vmem>>[vector<16xi32>, vector<16xi32>], vector<16xi32>,
    %broadcast_in_dim3A_187 = arith.constant 0 : i32
    %broadcast_in_dim3A_188 = vector.broadcast %broadcast_in_dim3A_187 : i32 to vector<16xi32>
    %gather3A_189 = tpu.vector_load_idx %arg11[%add3A_184, %broadcast_in_dim3A_188] : memref<320x8xf32, #tpu.memory_space<vmem>>[vector<16xi32>, vector<16xi32>], vector<16xf32>,
    %broadcast_in_dim3A_190 = arith.constant 1 : i32
    %broadcast_in_dim3A_191 = vector.broadcast %broadcast_in_dim3A_190 : i32 to vector<16xi32>
    %gather3A_192 = tpu.vector_load_idx %arg11[%add3A_184, %broadcast_in_dim3A_191] : memref<320x8xf32, #tpu.memory_space<vmem>>[vector<16xi32>, vector<16xi32>], vector<16xf32>,
    %broadcast_in_dim3A_193 = arith.constant 2 : i32
    %broadcast_in_dim3A_194 = vector.broadcast %broadcast_in_dim3A_193 : i32 to vector<16xi32>
    %gather3A_195 = tpu.vector_load_idx %arg11[%add3A_184, %broadcast_in_dim3A_194] : memref<320x8xf32, #tpu.memory_space<vmem>>[vector<16xi32>, vector<16xi32>], vector<16xf32>,
    %broadcast_in_dim3A_196 = arith.constant 3 : i32
    %broadcast_in_dim3A_197 = vector.broadcast %broadcast_in_dim3A_196 : i32 to vector<16xi32>
    %gather3A_198 = tpu.vector_load_idx %arg11[%add3A_184, %broadcast_in_dim3A_197] : memref<320x8xf32, #tpu.memory_space<vmem>>[vector<16xi32>, vector<16xi32>], vector<16xf32>,
    %gt3A_199 = arith.constant 5.000000e-01 : f32
    %gt3A_200 = vector.broadcast %gt3A_199 : f32 to vector<16xf32>
    %gt3A_201 = arith.cmpf ogt, %gather3A_198, %gt3A_200 : vector<16xf32>
    %mul3A_202 = arith.constant 5 : i32
    %mul3A_203 = vector.broadcast %mul3A_202 : i32 to vector<16xi32>
    %mul3A_204 = arith.muli %min3A_173, %mul3A_203 : vector<16xi32>
    %sub3A_205 = arith.subi %add3A_111, %mul3A_204 : vector<16xi32>
    %select_n3A_206 = arith.select %gt3A_201, %sub3A_205, %gather3A_186 : vector<16xi1>, vector<16xi32>
    %gt3A_207 = arith.constant 5.000000e-01 : f32
    %gt3A_208 = vector.broadcast %gt3A_207 : f32 to vector<16xf32>
    %gt3A_209 = arith.cmpf ogt, %gather3A_198, %gt3A_208 : vector<16xf32>
    %add3A_210 = arith.addf %gather3A_185, %gather3A_189 : vector<16xf32>
    %select_n3A_211 = arith.select %gt3A_209, %gather3A_195, %add3A_210 : vector<16xi1>, vector<16xf32>
    %div3A_212 = arith.divf %select_n3A_211, %gather3A_192 : vector<16xf32>
    %select_n3A_213 = arith.select %lt3A_114, %div3A_212, %broadcast_in_dim3A_1 : vector<16xi1>, vector<16xf32>
    %mul3A_214 = arith.constant 100000 : i32
    %mul3A_215 = vector.broadcast %mul3A_214 : i32 to vector<16xi32>
    %mul3A_216 = arith.muli %min3A_173, %mul3A_215 : vector<16xi32>
    %add3A_217 = arith.addi %mul3A_216, %select_n3A_206 : vector<16xi32>
    %jit3A_218 = arith.constant 1073741824 : i32
    %broadcast_in_dim3A_219 = vector.broadcast %jit3A_218 : i32 to vector<16xi32>
    %select_n3A_220 = arith.select %lt3A_114, %add3A_217, %broadcast_in_dim3A_219 : vector<16xi1>, vector<16xi32>
    %broadcast_in_dim3A_221 = arith.constant 0.000000e+00 : f32
    %broadcast_in_dim3A_222 = vector.broadcast %broadcast_in_dim3A_221 : f32 to vector<16xf32>
    %broadcast_in_dim3A_223 = arith.constant 0 : i32
    %broadcast_in_dim3A_224 = vector.broadcast %broadcast_in_dim3A_223 : i32 to vector<16xi32>
    %reduce_max3A = arith.constant true
    %reduce_max3A_225 = vector.broadcast %reduce_max3A : i1 to vector<16xi1>
    %reduce_max3A_226 = tpu.scan <max>, %select_n3A_101 masked %reduce_max3A_225 : vector<16xf32>, vector<16xi1> -> vector<16xf32>
    %reduce_max3A_227 = vector.extract %reduce_max3A_226[15] : f32 from vector<16xf32>
    %reduce_max3A_228 = arith.constant true
    %reduce_max3A_229 = vector.broadcast %reduce_max3A_228 : i1 to vector<16xi1>
    %reduce_max3A_230 = tpu.scan <max>, %select_n3A_213 masked %reduce_max3A_229 : vector<16xf32>, vector<16xi1> -> vector<16xf32>
    %reduce_max3A_231 = vector.extract %reduce_max3A_230[15] : f32 from vector<16xf32>
    %max3A = arith.maximumf %reduce_max3A_227, %reduce_max3A_231 : f32
    %eq3A = vector.broadcast %max3A : f32 to vector<16xf32>
    %eq3A_232 = arith.cmpf oeq, %select_n3A_101, %eq3A : vector<16xf32>
    %jit3A_233 = arith.constant 1073741824 : i32
    %broadcast_in_dim3A_234 = vector.broadcast %jit3A_233 : i32 to vector<16xi32>
    %select_n3A_235 = arith.select %eq3A_232, %select_n3A_108, %broadcast_in_dim3A_234 : vector<16xi1>, vector<16xi32>
    %eq3A_236 = vector.broadcast %max3A : f32 to vector<16xf32>
    %eq3A_237 = arith.cmpf oeq, %select_n3A_213, %eq3A_236 : vector<16xf32>
    %jit3A_238 = arith.constant 1073741824 : i32
    %broadcast_in_dim3A_239 = vector.broadcast %jit3A_238 : i32 to vector<16xi32>
    %select_n3A_240 = arith.select %eq3A_237, %select_n3A_220, %broadcast_in_dim3A_239 : vector<16xi1>, vector<16xi32>
    %reduce_min3A = arith.constant true
    %reduce_min3A_241 = vector.broadcast %reduce_min3A : i1 to vector<16xi1>
    %reduce_min3A_242 = arith.constant -2147483648 : i32
    %reduce_min3A_243 = vector.broadcast %reduce_min3A_242 : i32 to vector<16xi32>
    %reduce_min3A_244 = arith.xori %select_n3A_235, %reduce_min3A_243 : vector<16xi32>
    %reduce_min3A_245 = tpu.scan <min>, %reduce_min3A_244 masked %reduce_min3A_241 : vector<16xi32>, vector<16xi1> -> vector<16xi32>
    %reduce_min3A_246 = arith.xori %reduce_min3A_245, %reduce_min3A_243 : vector<16xi32>
    %reduce_min3A_247 = vector.extract %reduce_min3A_246[15] : i32 from vector<16xi32>
    %reduce_min3A_248 = arith.constant true
    %reduce_min3A_249 = vector.broadcast %reduce_min3A_248 : i1 to vector<16xi1>
    %reduce_min3A_250 = arith.constant -2147483648 : i32
    %reduce_min3A_251 = vector.broadcast %reduce_min3A_250 : i32 to vector<16xi32>
    %reduce_min3A_252 = arith.xori %select_n3A_240, %reduce_min3A_251 : vector<16xi32>
    %reduce_min3A_253 = tpu.scan <min>, %reduce_min3A_252 masked %reduce_min3A_249 : vector<16xi32>, vector<16xi1> -> vector<16xi32>
    %reduce_min3A_254 = arith.xori %reduce_min3A_253, %reduce_min3A_251 : vector<16xi32>
    %reduce_min3A_255 = vector.extract %reduce_min3A_254[15] : i32 from vector<16xi32>
    %min3A_256 = arith.minsi %reduce_min3A_247, %reduce_min3A_255 : i32
    %eq3A_257 = vector.broadcast %min3A_256 : i32 to vector<16xi32>
    %eq3A_258 = arith.cmpi eq, %select_n3A_235, %eq3A_257 : vector<16xi32>
    %select_n3A_259 = arith.select %eq3A_258, %broadcast_in_dim3A_1, %select_n3A_101 : vector<16xi1>, vector<16xf32>
    %eq3A_260 = vector.broadcast %min3A_256 : i32 to vector<16xi32>
    %eq3A_261 = arith.cmpi eq, %select_n3A_240, %eq3A_260 : vector<16xi32>
    %select_n3A_262 = arith.select %eq3A_261, %broadcast_in_dim3A_1, %select_n3A_213 : vector<16xi1>, vector<16xf32>
    %eq3A_263 = arith.constant 0 : i32
    %eq3A_264 = vector.broadcast %eq3A_263 : i32 to vector<16xi32>
    %eq3A_265 = arith.cmpi eq, %iota3A, %eq3A_264 : vector<16xi32>
    %broadcast_in_dim3A_266 = vector.broadcast %max3A : f32 to vector<16xf32>
    %select_n3A_267 = arith.select %eq3A_265, %broadcast_in_dim3A_266, %broadcast_in_dim3A_222 : vector<16xi1>, vector<16xf32>
    %eq3A_268 = arith.constant 0 : i32
    %eq3A_269 = vector.broadcast %eq3A_268 : i32 to vector<16xi32>
    %eq3A_270 = arith.cmpi eq, %iota3A, %eq3A_269 : vector<16xi32>
    %broadcast_in_dim3A_271 = vector.broadcast %min3A_256 : i32 to vector<16xi32>
    %select_n3A_272 = arith.select %eq3A_270, %broadcast_in_dim3A_271, %broadcast_in_dim3A_224 : vector<16xi1>, vector<16xi32>
    %reduce_max3A_273 = arith.constant true
    %reduce_max3A_274 = vector.broadcast %reduce_max3A_273 : i1 to vector<16xi1>
    %reduce_max3A_275 = tpu.scan <max>, %select_n3A_259 masked %reduce_max3A_274 : vector<16xf32>, vector<16xi1> -> vector<16xf32>
    %reduce_max3A_276 = vector.extract %reduce_max3A_275[15] : f32 from vector<16xf32>
    %reduce_max3A_277 = arith.constant true
    %reduce_max3A_278 = vector.broadcast %reduce_max3A_277 : i1 to vector<16xi1>
    %reduce_max3A_279 = tpu.scan <max>, %select_n3A_262 masked %reduce_max3A_278 : vector<16xf32>, vector<16xi1> -> vector<16xf32>
    %reduce_max3A_280 = vector.extract %reduce_max3A_279[15] : f32 from vector<16xf32>
    %max3A_281 = arith.maximumf %reduce_max3A_276, %reduce_max3A_280 : f32
    %eq3A_282 = vector.broadcast %max3A_281 : f32 to vector<16xf32>
    %eq3A_283 = arith.cmpf oeq, %select_n3A_259, %eq3A_282 : vector<16xf32>
    %jit3A_284 = arith.constant 1073741824 : i32
    %broadcast_in_dim3A_285 = vector.broadcast %jit3A_284 : i32 to vector<16xi32>
    %select_n3A_286 = arith.select %eq3A_283, %select_n3A_108, %broadcast_in_dim3A_285 : vector<16xi1>, vector<16xi32>
    %eq3A_287 = vector.broadcast %max3A_281 : f32 to vector<16xf32>
    %eq3A_288 = arith.cmpf oeq, %select_n3A_262, %eq3A_287 : vector<16xf32>
    %jit3A_289 = arith.constant 1073741824 : i32
    %broadcast_in_dim3A_290 = vector.broadcast %jit3A_289 : i32 to vector<16xi32>
    %select_n3A_291 = arith.select %eq3A_288, %select_n3A_220, %broadcast_in_dim3A_290 : vector<16xi1>, vector<16xi32>
    %reduce_min3A_292 = arith.constant true
    %reduce_min3A_293 = vector.broadcast %reduce_min3A_292 : i1 to vector<16xi1>
    %reduce_min3A_294 = arith.constant -2147483648 : i32
    %reduce_min3A_295 = vector.broadcast %reduce_min3A_294 : i32 to vector<16xi32>
    %reduce_min3A_296 = arith.xori %select_n3A_286, %reduce_min3A_295 : vector<16xi32>
    %reduce_min3A_297 = tpu.scan <min>, %reduce_min3A_296 masked %reduce_min3A_293 : vector<16xi32>, vector<16xi1> -> vector<16xi32>
    %reduce_min3A_298 = arith.xori %reduce_min3A_297, %reduce_min3A_295 : vector<16xi32>
    %reduce_min3A_299 = vector.extract %reduce_min3A_298[15] : i32 from vector<16xi32>
    %reduce_min3A_300 = arith.constant true
    %reduce_min3A_301 = vector.broadcast %reduce_min3A_300 : i1 to vector<16xi1>
    %reduce_min3A_302 = arith.constant -2147483648 : i32
    %reduce_min3A_303 = vector.broadcast %reduce_min3A_302 : i32 to vector<16xi32>
    %reduce_min3A_304 = arith.xori %select_n3A_291, %reduce_min3A_303 : vector<16xi32>
    %reduce_min3A_305 = tpu.scan <min>, %reduce_min3A_304 masked %reduce_min3A_301 : vector<16xi32>, vector<16xi1> -> vector<16xi32>
    %reduce_min3A_306 = arith.xori %reduce_min3A_305, %reduce_min3A_303 : vector<16xi32>
    %reduce_min3A_307 = vector.extract %reduce_min3A_306[15] : i32 from vector<16xi32>
    %min3A_308 = arith.minsi %reduce_min3A_299, %reduce_min3A_307 : i32
    %eq3A_309 = vector.broadcast %min3A_308 : i32 to vector<16xi32>
    %eq3A_310 = arith.cmpi eq, %select_n3A_286, %eq3A_309 : vector<16xi32>
    %select_n3A_311 = arith.select %eq3A_310, %broadcast_in_dim3A_1, %select_n3A_259 : vector<16xi1>, vector<16xf32>
    %eq3A_312 = vector.broadcast %min3A_308 : i32 to vector<16xi32>
    %eq3A_313 = arith.cmpi eq, %select_n3A_291, %eq3A_312 : vector<16xi32>
    %select_n3A_314 = arith.select %eq3A_313, %broadcast_in_dim3A_1, %select_n3A_262 : vector<16xi1>, vector<16xf32>
    %eq3A_315 = arith.constant 1 : i32
    %eq3A_316 = vector.broadcast %eq3A_315 : i32 to vector<16xi32>
    %eq3A_317 = arith.cmpi eq, %iota3A, %eq3A_316 : vector<16xi32>
    %broadcast_in_dim3A_318 = vector.broadcast %max3A_281 : f32 to vector<16xf32>
    %select_n3A_319 = arith.select %eq3A_317, %broadcast_in_dim3A_318, %select_n3A_267 : vector<16xi1>, vector<16xf32>
    %eq3A_320 = arith.constant 1 : i32
    %eq3A_321 = vector.broadcast %eq3A_320 : i32 to vector<16xi32>
    %eq3A_322 = arith.cmpi eq, %iota3A, %eq3A_321 : vector<16xi32>
    %broadcast_in_dim3A_323 = vector.broadcast %min3A_308 : i32 to vector<16xi32>
    %select_n3A_324 = arith.select %eq3A_322, %broadcast_in_dim3A_323, %select_n3A_272 : vector<16xi1>, vector<16xi32>
    %reduce_max3A_325 = arith.constant true
    %reduce_max3A_326 = vector.broadcast %reduce_max3A_325 : i1 to vector<16xi1>
    %reduce_max3A_327 = tpu.scan <max>, %select_n3A_311 masked %reduce_max3A_326 : vector<16xf32>, vector<16xi1> -> vector<16xf32>
    %reduce_max3A_328 = vector.extract %reduce_max3A_327[15] : f32 from vector<16xf32>
    %reduce_max3A_329 = arith.constant true
    %reduce_max3A_330 = vector.broadcast %reduce_max3A_329 : i1 to vector<16xi1>
    %reduce_max3A_331 = tpu.scan <max>, %select_n3A_314 masked %reduce_max3A_330 : vector<16xf32>, vector<16xi1> -> vector<16xf32>
    %reduce_max3A_332 = vector.extract %reduce_max3A_331[15] : f32 from vector<16xf32>
    %max3A_333 = arith.maximumf %reduce_max3A_328, %reduce_max3A_332 : f32
    %eq3A_334 = vector.broadcast %max3A_333 : f32 to vector<16xf32>
    %eq3A_335 = arith.cmpf oeq, %select_n3A_311, %eq3A_334 : vector<16xf32>
    %jit3A_336 = arith.constant 1073741824 : i32
    %broadcast_in_dim3A_337 = vector.broadcast %jit3A_336 : i32 to vector<16xi32>
    %select_n3A_338 = arith.select %eq3A_335, %select_n3A_108, %broadcast_in_dim3A_337 : vector<16xi1>, vector<16xi32>
    %eq3A_339 = vector.broadcast %max3A_333 : f32 to vector<16xf32>
    %eq3A_340 = arith.cmpf oeq, %select_n3A_314, %eq3A_339 : vector<16xf32>
    %jit3A_341 = arith.constant 1073741824 : i32
    %broadcast_in_dim3A_342 = vector.broadcast %jit3A_341 : i32 to vector<16xi32>
    %select_n3A_343 = arith.select %eq3A_340, %select_n3A_220, %broadcast_in_dim3A_342 : vector<16xi1>, vector<16xi32>
    %reduce_min3A_344 = arith.constant true
    %reduce_min3A_345 = vector.broadcast %reduce_min3A_344 : i1 to vector<16xi1>
    %reduce_min3A_346 = arith.constant -2147483648 : i32
    %reduce_min3A_347 = vector.broadcast %reduce_min3A_346 : i32 to vector<16xi32>
    %reduce_min3A_348 = arith.xori %select_n3A_338, %reduce_min3A_347 : vector<16xi32>
    %reduce_min3A_349 = tpu.scan <min>, %reduce_min3A_348 masked %reduce_min3A_345 : vector<16xi32>, vector<16xi1> -> vector<16xi32>
    %reduce_min3A_350 = arith.xori %reduce_min3A_349, %reduce_min3A_347 : vector<16xi32>
    %reduce_min3A_351 = vector.extract %reduce_min3A_350[15] : i32 from vector<16xi32>
    %reduce_min3A_352 = arith.constant true
    %reduce_min3A_353 = vector.broadcast %reduce_min3A_352 : i1 to vector<16xi1>
    %reduce_min3A_354 = arith.constant -2147483648 : i32
    %reduce_min3A_355 = vector.broadcast %reduce_min3A_354 : i32 to vector<16xi32>
    %reduce_min3A_356 = arith.xori %select_n3A_343, %reduce_min3A_355 : vector<16xi32>
    %reduce_min3A_357 = tpu.scan <min>, %reduce_min3A_356 masked %reduce_min3A_353 : vector<16xi32>, vector<16xi1> -> vector<16xi32>
    %reduce_min3A_358 = arith.xori %reduce_min3A_357, %reduce_min3A_355 : vector<16xi32>
    %reduce_min3A_359 = vector.extract %reduce_min3A_358[15] : i32 from vector<16xi32>
    %min3A_360 = arith.minsi %reduce_min3A_351, %reduce_min3A_359 : i32
    %eq3A_361 = vector.broadcast %min3A_360 : i32 to vector<16xi32>
    %eq3A_362 = arith.cmpi eq, %select_n3A_338, %eq3A_361 : vector<16xi32>
    %select_n3A_363 = arith.select %eq3A_362, %broadcast_in_dim3A_1, %select_n3A_311 : vector<16xi1>, vector<16xf32>
    %eq3A_364 = vector.broadcast %min3A_360 : i32 to vector<16xi32>
    %eq3A_365 = arith.cmpi eq, %select_n3A_343, %eq3A_364 : vector<16xi32>
    %select_n3A_366 = arith.select %eq3A_365, %broadcast_in_dim3A_1, %select_n3A_314 : vector<16xi1>, vector<16xf32>
    %eq3A_367 = arith.constant 2 : i32
    %eq3A_368 = vector.broadcast %eq3A_367 : i32 to vector<16xi32>
    %eq3A_369 = arith.cmpi eq, %iota3A, %eq3A_368 : vector<16xi32>
    %broadcast_in_dim3A_370 = vector.broadcast %max3A_333 : f32 to vector<16xf32>
    %select_n3A_371 = arith.select %eq3A_369, %broadcast_in_dim3A_370, %select_n3A_319 : vector<16xi1>, vector<16xf32>
    %eq3A_372 = arith.constant 2 : i32
    %eq3A_373 = vector.broadcast %eq3A_372 : i32 to vector<16xi32>
    %eq3A_374 = arith.cmpi eq, %iota3A, %eq3A_373 : vector<16xi32>
    %broadcast_in_dim3A_375 = vector.broadcast %min3A_360 : i32 to vector<16xi32>
    %select_n3A_376 = arith.select %eq3A_374, %broadcast_in_dim3A_375, %select_n3A_324 : vector<16xi1>, vector<16xi32>
    %reduce_max3A_377 = arith.constant true
    %reduce_max3A_378 = vector.broadcast %reduce_max3A_377 : i1 to vector<16xi1>
    %reduce_max3A_379 = tpu.scan <max>, %select_n3A_363 masked %reduce_max3A_378 : vector<16xf32>, vector<16xi1> -> vector<16xf32>
    %reduce_max3A_380 = vector.extract %reduce_max3A_379[15] : f32 from vector<16xf32>
    %reduce_max3A_381 = arith.constant true
    %reduce_max3A_382 = vector.broadcast %reduce_max3A_381 : i1 to vector<16xi1>
    %reduce_max3A_383 = tpu.scan <max>, %select_n3A_366 masked %reduce_max3A_382 : vector<16xf32>, vector<16xi1> -> vector<16xf32>
    %reduce_max3A_384 = vector.extract %reduce_max3A_383[15] : f32 from vector<16xf32>
    %max3A_385 = arith.maximumf %reduce_max3A_380, %reduce_max3A_384 : f32
    %eq3A_386 = vector.broadcast %max3A_385 : f32 to vector<16xf32>
    %eq3A_387 = arith.cmpf oeq, %select_n3A_363, %eq3A_386 : vector<16xf32>
    %jit3A_388 = arith.constant 1073741824 : i32
    %broadcast_in_dim3A_389 = vector.broadcast %jit3A_388 : i32 to vector<16xi32>
    %select_n3A_390 = arith.select %eq3A_387, %select_n3A_108, %broadcast_in_dim3A_389 : vector<16xi1>, vector<16xi32>
    %eq3A_391 = vector.broadcast %max3A_385 : f32 to vector<16xf32>
    %eq3A_392 = arith.cmpf oeq, %select_n3A_366, %eq3A_391 : vector<16xf32>
    %jit3A_393 = arith.constant 1073741824 : i32
    %broadcast_in_dim3A_394 = vector.broadcast %jit3A_393 : i32 to vector<16xi32>
    %select_n3A_395 = arith.select %eq3A_392, %select_n3A_220, %broadcast_in_dim3A_394 : vector<16xi1>, vector<16xi32>
    %reduce_min3A_396 = arith.constant true
    %reduce_min3A_397 = vector.broadcast %reduce_min3A_396 : i1 to vector<16xi1>
    %reduce_min3A_398 = arith.constant -2147483648 : i32
    %reduce_min3A_399 = vector.broadcast %reduce_min3A_398 : i32 to vector<16xi32>
    %reduce_min3A_400 = arith.xori %select_n3A_390, %reduce_min3A_399 : vector<16xi32>
    %reduce_min3A_401 = tpu.scan <min>, %reduce_min3A_400 masked %reduce_min3A_397 : vector<16xi32>, vector<16xi1> -> vector<16xi32>
    %reduce_min3A_402 = arith.xori %reduce_min3A_401, %reduce_min3A_399 : vector<16xi32>
    %reduce_min3A_403 = vector.extract %reduce_min3A_402[15] : i32 from vector<16xi32>
    %reduce_min3A_404 = arith.constant true
    %reduce_min3A_405 = vector.broadcast %reduce_min3A_404 : i1 to vector<16xi1>
    %reduce_min3A_406 = arith.constant -2147483648 : i32
    %reduce_min3A_407 = vector.broadcast %reduce_min3A_406 : i32 to vector<16xi32>
    %reduce_min3A_408 = arith.xori %select_n3A_395, %reduce_min3A_407 : vector<16xi32>
    %reduce_min3A_409 = tpu.scan <min>, %reduce_min3A_408 masked %reduce_min3A_405 : vector<16xi32>, vector<16xi1> -> vector<16xi32>
    %reduce_min3A_410 = arith.xori %reduce_min3A_409, %reduce_min3A_407 : vector<16xi32>
    %reduce_min3A_411 = vector.extract %reduce_min3A_410[15] : i32 from vector<16xi32>
    %min3A_412 = arith.minsi %reduce_min3A_403, %reduce_min3A_411 : i32
    %eq3A_413 = vector.broadcast %min3A_412 : i32 to vector<16xi32>
    %eq3A_414 = arith.cmpi eq, %select_n3A_390, %eq3A_413 : vector<16xi32>
    %select_n3A_415 = arith.select %eq3A_414, %broadcast_in_dim3A_1, %select_n3A_363 : vector<16xi1>, vector<16xf32>
    %eq3A_416 = vector.broadcast %min3A_412 : i32 to vector<16xi32>
    %eq3A_417 = arith.cmpi eq, %select_n3A_395, %eq3A_416 : vector<16xi32>
    %select_n3A_418 = arith.select %eq3A_417, %broadcast_in_dim3A_1, %select_n3A_366 : vector<16xi1>, vector<16xf32>
    %eq3A_419 = arith.constant 3 : i32
    %eq3A_420 = vector.broadcast %eq3A_419 : i32 to vector<16xi32>
    %eq3A_421 = arith.cmpi eq, %iota3A, %eq3A_420 : vector<16xi32>
    %broadcast_in_dim3A_422 = vector.broadcast %max3A_385 : f32 to vector<16xf32>
    %select_n3A_423 = arith.select %eq3A_421, %broadcast_in_dim3A_422, %select_n3A_371 : vector<16xi1>, vector<16xf32>
    %eq3A_424 = arith.constant 3 : i32
    %eq3A_425 = vector.broadcast %eq3A_424 : i32 to vector<16xi32>
    %eq3A_426 = arith.cmpi eq, %iota3A, %eq3A_425 : vector<16xi32>
    %broadcast_in_dim3A_427 = vector.broadcast %min3A_412 : i32 to vector<16xi32>
    %select_n3A_428 = arith.select %eq3A_426, %broadcast_in_dim3A_427, %select_n3A_376 : vector<16xi1>, vector<16xi32>
    %reduce_max3A_429 = arith.constant true
    %reduce_max3A_430 = vector.broadcast %reduce_max3A_429 : i1 to vector<16xi1>
    %reduce_max3A_431 = tpu.scan <max>, %select_n3A_415 masked %reduce_max3A_430 : vector<16xf32>, vector<16xi1> -> vector<16xf32>
    %reduce_max3A_432 = vector.extract %reduce_max3A_431[15] : f32 from vector<16xf32>
    %reduce_max3A_433 = arith.constant true
    %reduce_max3A_434 = vector.broadcast %reduce_max3A_433 : i1 to vector<16xi1>
    %reduce_max3A_435 = tpu.scan <max>, %select_n3A_418 masked %reduce_max3A_434 : vector<16xf32>, vector<16xi1> -> vector<16xf32>
    %reduce_max3A_436 = vector.extract %reduce_max3A_435[15] : f32 from vector<16xf32>
    %max3A_437 = arith.maximumf %reduce_max3A_432, %reduce_max3A_436 : f32
    %eq3A_438 = vector.broadcast %max3A_437 : f32 to vector<16xf32>
    %eq3A_439 = arith.cmpf oeq, %select_n3A_415, %eq3A_438 : vector<16xf32>
    %jit3A_440 = arith.constant 1073741824 : i32
    %broadcast_in_dim3A_441 = vector.broadcast %jit3A_440 : i32 to vector<16xi32>
    %select_n3A_442 = arith.select %eq3A_439, %select_n3A_108, %broadcast_in_dim3A_441 : vector<16xi1>, vector<16xi32>
    %eq3A_443 = vector.broadcast %max3A_437 : f32 to vector<16xf32>
    %eq3A_444 = arith.cmpf oeq, %select_n3A_418, %eq3A_443 : vector<16xf32>
    %jit3A_445 = arith.constant 1073741824 : i32
    %broadcast_in_dim3A_446 = vector.broadcast %jit3A_445 : i32 to vector<16xi32>
    %select_n3A_447 = arith.select %eq3A_444, %select_n3A_220, %broadcast_in_dim3A_446 : vector<16xi1>, vector<16xi32>
    %reduce_min3A_448 = arith.constant true
    %reduce_min3A_449 = vector.broadcast %reduce_min3A_448 : i1 to vector<16xi1>
    %reduce_min3A_450 = arith.constant -2147483648 : i32
    %reduce_min3A_451 = vector.broadcast %reduce_min3A_450 : i32 to vector<16xi32>
    %reduce_min3A_452 = arith.xori %select_n3A_442, %reduce_min3A_451 : vector<16xi32>
    %reduce_min3A_453 = tpu.scan <min>, %reduce_min3A_452 masked %reduce_min3A_449 : vector<16xi32>, vector<16xi1> -> vector<16xi32>
    %reduce_min3A_454 = arith.xori %reduce_min3A_453, %reduce_min3A_451 : vector<16xi32>
    %reduce_min3A_455 = vector.extract %reduce_min3A_454[15] : i32 from vector<16xi32>
    %reduce_min3A_456 = arith.constant true
    %reduce_min3A_457 = vector.broadcast %reduce_min3A_456 : i1 to vector<16xi1>
    %reduce_min3A_458 = arith.constant -2147483648 : i32
    %reduce_min3A_459 = vector.broadcast %reduce_min3A_458 : i32 to vector<16xi32>
    %reduce_min3A_460 = arith.xori %select_n3A_447, %reduce_min3A_459 : vector<16xi32>
    %reduce_min3A_461 = tpu.scan <min>, %reduce_min3A_460 masked %reduce_min3A_457 : vector<16xi32>, vector<16xi1> -> vector<16xi32>
    %reduce_min3A_462 = arith.xori %reduce_min3A_461, %reduce_min3A_459 : vector<16xi32>
    %reduce_min3A_463 = vector.extract %reduce_min3A_462[15] : i32 from vector<16xi32>
    %min3A_464 = arith.minsi %reduce_min3A_455, %reduce_min3A_463 : i32
    %eq3A_465 = vector.broadcast %min3A_464 : i32 to vector<16xi32>
    %eq3A_466 = arith.cmpi eq, %select_n3A_442, %eq3A_465 : vector<16xi32>
    %select_n3A_467 = arith.select %eq3A_466, %broadcast_in_dim3A_1, %select_n3A_415 : vector<16xi1>, vector<16xf32>
    %eq3A_468 = vector.broadcast %min3A_464 : i32 to vector<16xi32>
    %eq3A_469 = arith.cmpi eq, %select_n3A_447, %eq3A_468 : vector<16xi32>
    %select_n3A_470 = arith.select %eq3A_469, %broadcast_in_dim3A_1, %select_n3A_418 : vector<16xi1>, vector<16xf32>
    %eq3A_471 = arith.constant 4 : i32
    %eq3A_472 = vector.broadcast %eq3A_471 : i32 to vector<16xi32>
    %eq3A_473 = arith.cmpi eq, %iota3A, %eq3A_472 : vector<16xi32>
    %broadcast_in_dim3A_474 = vector.broadcast %max3A_437 : f32 to vector<16xf32>
    %select_n3A_475 = arith.select %eq3A_473, %broadcast_in_dim3A_474, %select_n3A_423 : vector<16xi1>, vector<16xf32>
    %eq3A_476 = arith.constant 4 : i32
    %eq3A_477 = vector.broadcast %eq3A_476 : i32 to vector<16xi32>
    %eq3A_478 = arith.cmpi eq, %iota3A, %eq3A_477 : vector<16xi32>
    %broadcast_in_dim3A_479 = vector.broadcast %min3A_464 : i32 to vector<16xi32>
    %select_n3A_480 = arith.select %eq3A_478, %broadcast_in_dim3A_479, %select_n3A_428 : vector<16xi1>, vector<16xi32>
    %broadcast_in_dim3A_481 = arith.constant 0 : i32
    %broadcast_in_dim3A_482 = vector.broadcast %broadcast_in_dim3A_481 : i32 to vector<16xi32>
    %ge3A_483 = arith.constant 100000 : i32
    %ge3A_484 = vector.broadcast %ge3A_483 : i32 to vector<16xi32>
    %ge3A_485 = arith.cmpi sge, %select_n3A_480, %ge3A_484 : vector<16xi32>
    %jit3A_486 = arith.constant 1 : i32
    %jit3A_487 = arith.constant 0 : i32
    %broadcast_in_dim3A_488 = vector.broadcast %jit3A_486 : i32 to vector<16xi32>
    %broadcast_in_dim3A_489 = vector.broadcast %jit3A_487 : i32 to vector<16xi32>
    %select_n3A_490 = arith.select %ge3A_485, %broadcast_in_dim3A_488, %broadcast_in_dim3A_489 : vector<16xi1>, vector<16xi32>
    %add3A_491 = arith.addi %broadcast_in_dim3A_482, %select_n3A_490 : vector<16xi32>
    %ge3A_492 = arith.constant 200000 : i32
    %ge3A_493 = vector.broadcast %ge3A_492 : i32 to vector<16xi32>
    %ge3A_494 = arith.cmpi sge, %select_n3A_480, %ge3A_493 : vector<16xi32>
    %jit3A_495 = arith.constant 1 : i32
    %jit3A_496 = arith.constant 0 : i32
    %broadcast_in_dim3A_497 = vector.broadcast %jit3A_495 : i32 to vector<16xi32>
    %broadcast_in_dim3A_498 = vector.broadcast %jit3A_496 : i32 to vector<16xi32>
    %select_n3A_499 = arith.select %ge3A_494, %broadcast_in_dim3A_497, %broadcast_in_dim3A_498 : vector<16xi1>, vector<16xi32>
    %add3A_500 = arith.addi %add3A_491, %select_n3A_499 : vector<16xi32>
    %ge3A_501 = arith.constant 300000 : i32
    %ge3A_502 = vector.broadcast %ge3A_501 : i32 to vector<16xi32>
    %ge3A_503 = arith.cmpi sge, %select_n3A_480, %ge3A_502 : vector<16xi32>
    %jit3A_504 = arith.constant 1 : i32
    %jit3A_505 = arith.constant 0 : i32
    %broadcast_in_dim3A_506 = vector.broadcast %jit3A_504 : i32 to vector<16xi32>
    %broadcast_in_dim3A_507 = vector.broadcast %jit3A_505 : i32 to vector<16xi32>
    %select_n3A_508 = arith.select %ge3A_503, %broadcast_in_dim3A_506, %broadcast_in_dim3A_507 : vector<16xi1>, vector<16xi32>
    %add3A_509 = arith.addi %add3A_500, %select_n3A_508 : vector<16xi32>
    %ge3A_510 = arith.constant 400000 : i32
    %ge3A_511 = vector.broadcast %ge3A_510 : i32 to vector<16xi32>
    %ge3A_512 = arith.cmpi sge, %select_n3A_480, %ge3A_511 : vector<16xi32>
    %jit3A_513 = arith.constant 1 : i32
    %jit3A_514 = arith.constant 0 : i32
    %broadcast_in_dim3A_515 = vector.broadcast %jit3A_513 : i32 to vector<16xi32>
    %broadcast_in_dim3A_516 = vector.broadcast %jit3A_514 : i32 to vector<16xi32>
    %select_n3A_517 = arith.select %ge3A_512, %broadcast_in_dim3A_515, %broadcast_in_dim3A_516 : vector<16xi1>, vector<16xi32>
    %add3A_518 = arith.addi %add3A_509, %select_n3A_517 : vector<16xi32>
    %mul3A_519 = arith.constant 100000 : i32
    %mul3A_520 = vector.broadcast %mul3A_519 : i32 to vector<16xi32>
    %mul3A_521 = arith.muli %add3A_518, %mul3A_520 : vector<16xi32>
    %sub3A_522 = arith.subi %select_n3A_480, %mul3A_521 : vector<16xi32>
    %lt3A_523 = arith.constant 5 : i32
    %lt3A_524 = vector.broadcast %lt3A_523 : i32 to vector<16xi32>
    %lt3A_525 = arith.cmpi slt, %iota3A, %lt3A_524 : vector<16xi32>
    %mul3A_526 = arith.constant 5 : i32
    %mul3A_527 = arith.muli %add3A_5, %mul3A_526 : i32
    %add3A_528 = vector.broadcast %mul3A_527 : i32 to vector<16xi32>
    %add3A_529 = arith.addi %add3A_528, %add3A_518 : vector<16xi32>
    %jit3A_530 = arith.constant 0 : i32
    %broadcast_in_dim3A_531 = vector.broadcast %jit3A_530 : i32 to vector<16xi32>
    %select_n3A_532 = arith.select %lt3A_525, %add3A_529, %broadcast_in_dim3A_531 : vector<16xi1>, vector<16xi32>
    %swap3A = arith.constant 0 : index
    %swap3A_533 = tpu.vector_load %arg13[%swap3A] {strides = array<i32>} : memref<16xi32, #tpu.memory_space<vmem>>, vector<16xi32>,
    tpu.vector_store %arg13[%swap3A], %select_n3A_532 {strides = array<i32>} : memref<16xi32, #tpu.memory_space<vmem>>, vector<16xi32>,
    %dma_start3A = arith.constant 0 : i32
    %dma_start3A_534 = arith.constant 0 : i32
    %dma_start3A_535 = tpu.memref_slice %arg5[%dma_start3A, %dma_start3A_534] : memref<320x32xi32, #tpu.memory_space<hbm>> -> memref<320x32xi32, #tpu.memory_space<hbm>>
    tpu.enqueue_indirect_dma source(%dma_start3A_535 : memref<320x32xi32, #tpu.memory_space<hbm>>) target(%arg12 : memref<16x32xi32, #tpu.memory_space<vmem>>) offsets(%arg13 : memref<16xi32, #tpu.memory_space<vmem>>) semaphore(%arg16 : memref<!tpu.dma_semaphore, #tpu.memory_space<semaphore_mem>>)
    %dma_wait3A = arith.constant 0 : i32
    %dma_wait3A_536 = arith.constant 0 : i32
    %dma_wait3A_537 = tpu.memref_slice %arg5[%dma_wait3A, %dma_wait3A_536] : memref<320x32xi32, #tpu.memory_space<hbm>> -> memref<320x32xi32, #tpu.memory_space<hbm>>
    tpu.wait_indirect_dma semaphore(%arg16 : memref<!tpu.dma_semaphore, #tpu.memory_space<semaphore_mem>>) src(%dma_wait3A_537 : memref<320x32xi32, #tpu.memory_space<hbm>>) dst(%arg12 : memref<16x32xi32, #tpu.memory_space<vmem>>)
    %mul3A_538 = arith.constant 8 : i32
    %mul3A_539 = arith.muli %add3A_5, %mul3A_538 : i32
    "tpu.region"() ({
      %run_scoped3A = tpu.sem_alloc : memref<!tpu.dma_semaphore, #tpu.memory_space<semaphore_mem>>
      %dma_start3A_1114 = arith.constant 0 : i32
      %dma_start3A_1115 = arith.constant 0 : i32
      %dma_start3A_1116 = tpu.memref_slice %arg12[%dma_start3A_1114, %dma_start3A_1115] : memref<16x32xi32, #tpu.memory_space<vmem>> -> memref<8x32xi32, #tpu.memory_space<vmem>>
      %dma_start3A_1117 = arith.constant 0 : i32
      %dma_start3A_1118 = tpu.memref_slice %arg8[%mul3A_539, %dma_start3A_1117] : memref<512x32xi32, #tpu.memory_space<hbm>> -> memref<8x32xi32, #tpu.memory_space<hbm>>
      %dma_start3A_1119 = arith.constant 0 : i32
      %dma_start3A_1120 = tpu.memref_slice %arg8[%mul3A_539, %dma_start3A_1119] : memref<512x32xi32, #tpu.memory_space<hbm>> -> memref<8x32xi32, #tpu.memory_space<hbm>>
      %dma_start3A_1121 = arith.constant 0 : i32
      %dma_start3A_1122 = arith.constant 0 : i32
      %dma_start3A_1123 = tpu.memref_slice %arg12[%dma_start3A_1121, %dma_start3A_1122] : memref<16x32xi32, #tpu.memory_space<vmem>> -> memref<8x32xi32, #tpu.memory_space<vmem>>
      tpu.enqueue_dma source(%dma_start3A_1123 : memref<8x32xi32, #tpu.memory_space<vmem>>) target(%dma_start3A_1120 : memref<8x32xi32, #tpu.memory_space<hbm>>) target_semaphore(%run_scoped3A : memref<!tpu.dma_semaphore, #tpu.memory_space<semaphore_mem>>)
      %dma_wait3A_1124 = arith.constant 0 : i32
      %dma_wait3A_1125 = arith.constant 0 : i32
      %dma_wait3A_1126 = tpu.memref_slice %arg12[%dma_wait3A_1124, %dma_wait3A_1125] : memref<16x32xi32, #tpu.memory_space<vmem>> -> memref<8x32xi32, #tpu.memory_space<vmem>>
      %dma_wait3A_1127 = arith.constant 0 : i32
      %dma_wait3A_1128 = tpu.memref_slice %arg8[%mul3A_539, %dma_wait3A_1127] : memref<512x32xi32, #tpu.memory_space<hbm>> -> memref<8x32xi32, #tpu.memory_space<hbm>>
      %dma_wait3A_1129 = arith.constant 0 : i32
      %dma_wait3A_1130 = tpu.memref_slice %arg8[%mul3A_539, %dma_wait3A_1129] : memref<512x32xi32, #tpu.memory_space<hbm>> -> memref<8x32xi32, #tpu.memory_space<hbm>>
      %dma_wait3A_1131 = arith.constant 0 : i32
      %dma_wait3A_1132 = arith.constant 0 : i32
      %dma_wait3A_1133 = tpu.memref_slice %arg12[%dma_wait3A_1131, %dma_wait3A_1132] : memref<16x32xi32, #tpu.memory_space<vmem>> -> memref<8x32xi32, #tpu.memory_space<vmem>>
      tpu.wait_dma2 semaphore(%run_scoped3A : memref<!tpu.dma_semaphore, #tpu.memory_space<semaphore_mem>>) src(%dma_wait3A_1133 : memref<8x32xi32, #tpu.memory_space<vmem>>) dst(%dma_wait3A_1130 : memref<8x32xi32, #tpu.memory_space<hbm>>)
      tpu.yield
    }) : () -> ()
    %swap3A_540 = arith.constant 0 : i32
    %swap3A_541 = arith.index_cast %swap3A_540 : i32 to index
    %swap3A_542 = arith.constant 0 : index
    %swap3A_543 = tpu.vector_load %arg14[%swap3A_541, %swap3A_542] {strides = array<i32>} : memref<8x16xf32, #tpu.memory_space<vmem>>, vector<16xf32>,
    tpu.vector_store %arg14[%swap3A_541, %swap3A_542], %select_n3A_475 {strides = array<i32>} : memref<8x16xf32, #tpu.memory_space<vmem>>, vector<16xf32>,
    %swap3A_544 = arith.constant 0 : i32
    %swap3A_545 = arith.index_cast %swap3A_544 : i32 to index
    %swap3A_546 = arith.constant 0 : index
    %swap3A_547 = tpu.vector_load %arg15[%swap3A_545, %swap3A_546] {strides = array<i32>} : memref<8x16xi32, #tpu.memory_space<vmem>>, vector<16xi32>,
    tpu.vector_store %arg15[%swap3A_545, %swap3A_546], %sub3A_522 {strides = array<i32>} : memref<8x16xi32, #tpu.memory_space<vmem>>, vector<16xi32>,
    %mul3A_548 = arith.constant 2 : i32
    %mul3A_549 = arith.muli %add3A, %mul3A_548 : i32
    %add3A_550 = arith.constant 1 : i32
    %add3A_551 = arith.addi %mul3A_549, %add3A_550 : i32
    %add3A_552 = arith.constant 0 : i32
    %add3A_553 = vector.broadcast %add3A_552 : i32 to vector<16xi32>
    %add3A_554 = arith.addi %iota3A, %add3A_553 : vector<16xi32>
    %lt3A_555 = arith.constant 25 : i32
    %lt3A_556 = vector.broadcast %lt3A_555 : i32 to vector<16xi32>
    %lt3A_557 = arith.cmpi slt, %add3A_554, %lt3A_556 : vector<16xi32>
    %broadcast_in_dim3A_558 = arith.constant 0 : i32
    %broadcast_in_dim3A_559 = vector.broadcast %broadcast_in_dim3A_558 : i32 to vector<16xi32>
    %ge3A_560 = arith.constant 5 : i32
    %ge3A_561 = vector.broadcast %ge3A_560 : i32 to vector<16xi32>
    %ge3A_562 = arith.cmpi sge, %add3A_554, %ge3A_561 : vector<16xi32>
    %jit3A_563 = arith.constant 1 : i32
    %jit3A_564 = arith.constant 0 : i32
    %broadcast_in_dim3A_565 = vector.broadcast %jit3A_563 : i32 to vector<16xi32>
    %broadcast_in_dim3A_566 = vector.broadcast %jit3A_564 : i32 to vector<16xi32>
    %select_n3A_567 = arith.select %ge3A_562, %broadcast_in_dim3A_565, %broadcast_in_dim3A_566 : vector<16xi1>, vector<16xi32>
    %add3A_568 = arith.addi %broadcast_in_dim3A_559, %select_n3A_567 : vector<16xi32>
    %ge3A_569 = arith.constant 10 : i32
    %ge3A_570 = vector.broadcast %ge3A_569 : i32 to vector<16xi32>
    %ge3A_571 = arith.cmpi sge, %add3A_554, %ge3A_570 : vector<16xi32>
    %jit3A_572 = arith.constant 1 : i32
    %jit3A_573 = arith.constant 0 : i32
    %broadcast_in_dim3A_574 = vector.broadcast %jit3A_572 : i32 to vector<16xi32>
    %broadcast_in_dim3A_575 = vector.broadcast %jit3A_573 : i32 to vector<16xi32>
    %select_n3A_576 = arith.select %ge3A_571, %broadcast_in_dim3A_574, %broadcast_in_dim3A_575 : vector<16xi1>, vector<16xi32>
    %add3A_577 = arith.addi %add3A_568, %select_n3A_576 : vector<16xi32>
    %ge3A_578 = arith.constant 15 : i32
    %ge3A_579 = vector.broadcast %ge3A_578 : i32 to vector<16xi32>
    %ge3A_580 = arith.cmpi sge, %add3A_554, %ge3A_579 : vector<16xi32>
    %jit3A_581 = arith.constant 1 : i32
    %jit3A_582 = arith.constant 0 : i32
    %broadcast_in_dim3A_583 = vector.broadcast %jit3A_581 : i32 to vector<16xi32>
    %broadcast_in_dim3A_584 = vector.broadcast %jit3A_582 : i32 to vector<16xi32>
    %select_n3A_585 = arith.select %ge3A_580, %broadcast_in_dim3A_583, %broadcast_in_dim3A_584 : vector<16xi1>, vector<16xi32>
    %add3A_586 = arith.addi %add3A_577, %select_n3A_585 : vector<16xi32>
    %ge3A_587 = arith.constant 20 : i32
    %ge3A_588 = vector.broadcast %ge3A_587 : i32 to vector<16xi32>
    %ge3A_589 = arith.cmpi sge, %add3A_554, %ge3A_588 : vector<16xi32>
    %jit3A_590 = arith.constant 1 : i32
    %jit3A_591 = arith.constant 0 : i32
    %broadcast_in_dim3A_592 = vector.broadcast %jit3A_590 : i32 to vector<16xi32>
    %broadcast_in_dim3A_593 = vector.broadcast %jit3A_591 : i32 to vector<16xi32>
    %select_n3A_594 = arith.select %ge3A_589, %broadcast_in_dim3A_592, %broadcast_in_dim3A_593 : vector<16xi1>, vector<16xi32>
    %add3A_595 = arith.addi %add3A_586, %select_n3A_594 : vector<16xi32>
    %ge3A_596 = arith.constant 25 : i32
    %ge3A_597 = vector.broadcast %ge3A_596 : i32 to vector<16xi32>
    %ge3A_598 = arith.cmpi sge, %add3A_554, %ge3A_597 : vector<16xi32>
    %jit3A_599 = arith.constant 1 : i32
    %jit3A_600 = arith.constant 0 : i32
    %broadcast_in_dim3A_601 = vector.broadcast %jit3A_599 : i32 to vector<16xi32>
    %broadcast_in_dim3A_602 = vector.broadcast %jit3A_600 : i32 to vector<16xi32>
    %select_n3A_603 = arith.select %ge3A_598, %broadcast_in_dim3A_601, %broadcast_in_dim3A_602 : vector<16xi1>, vector<16xi32>
    %add3A_604 = arith.addi %add3A_595, %select_n3A_603 : vector<16xi32>
    %ge3A_605 = arith.constant 30 : i32
    %ge3A_606 = vector.broadcast %ge3A_605 : i32 to vector<16xi32>
    %ge3A_607 = arith.cmpi sge, %add3A_554, %ge3A_606 : vector<16xi32>
    %jit3A_608 = arith.constant 1 : i32
    %jit3A_609 = arith.constant 0 : i32
    %broadcast_in_dim3A_610 = vector.broadcast %jit3A_608 : i32 to vector<16xi32>
    %broadcast_in_dim3A_611 = vector.broadcast %jit3A_609 : i32 to vector<16xi32>
    %select_n3A_612 = arith.select %ge3A_607, %broadcast_in_dim3A_610, %broadcast_in_dim3A_611 : vector<16xi1>, vector<16xi32>
    %add3A_613 = arith.addi %add3A_604, %select_n3A_612 : vector<16xi32>
    %min3A_614 = arith.constant 4 : i32
    %min3A_615 = vector.broadcast %min3A_614 : i32 to vector<16xi32>
    %min3A_616 = arith.minsi %add3A_613, %min3A_615 : vector<16xi32>
    %mul3A_617 = arith.constant 5 : i32
    %mul3A_618 = vector.broadcast %mul3A_617 : i32 to vector<16xi32>
    %mul3A_619 = arith.muli %min3A_616, %mul3A_618 : vector<16xi32>
    %sub3A_620 = arith.subi %add3A_554, %mul3A_619 : vector<16xi32>
    %min3A_621 = arith.constant 4 : i32
    %min3A_622 = vector.broadcast %min3A_621 : i32 to vector<16xi32>
    %min3A_623 = arith.minsi %sub3A_620, %min3A_622 : vector<16xi32>
    %mul3A_624 = arith.constant 5 : i32
    %mul3A_625 = arith.muli %add3A_551, %mul3A_624 : i32
    %add3A_626 = vector.broadcast %mul3A_625 : i32 to vector<16xi32>
    %add3A_627 = arith.addi %add3A_626, %min3A_616 : vector<16xi32>
    %gather3A_628 = tpu.vector_load_idx %arg9[%add3A_627, %min3A_623] : memref<320x8xf32, #tpu.memory_space<vmem>>[vector<16xi32>, vector<16xi32>], vector<16xf32>,
    %gather3A_629 = tpu.vector_load_idx %arg10[%add3A_627, %min3A_623] : memref<320x8xi32, #tpu.memory_space<vmem>>[vector<16xi32>, vector<16xi32>], vector<16xi32>,
    %broadcast_in_dim3A_630 = arith.constant 0 : i32
    %broadcast_in_dim3A_631 = vector.broadcast %broadcast_in_dim3A_630 : i32 to vector<16xi32>
    %gather3A_632 = tpu.vector_load_idx %arg11[%add3A_627, %broadcast_in_dim3A_631] : memref<320x8xf32, #tpu.memory_space<vmem>>[vector<16xi32>, vector<16xi32>], vector<16xf32>,
    %broadcast_in_dim3A_633 = arith.constant 1 : i32
    %broadcast_in_dim3A_634 = vector.broadcast %broadcast_in_dim3A_633 : i32 to vector<16xi32>
    %gather3A_635 = tpu.vector_load_idx %arg11[%add3A_627, %broadcast_in_dim3A_634] : memref<320x8xf32, #tpu.memory_space<vmem>>[vector<16xi32>, vector<16xi32>], vector<16xf32>,
    %broadcast_in_dim3A_636 = arith.constant 2 : i32
    %broadcast_in_dim3A_637 = vector.broadcast %broadcast_in_dim3A_636 : i32 to vector<16xi32>
    %gather3A_638 = tpu.vector_load_idx %arg11[%add3A_627, %broadcast_in_dim3A_637] : memref<320x8xf32, #tpu.memory_space<vmem>>[vector<16xi32>, vector<16xi32>], vector<16xf32>,
    %broadcast_in_dim3A_639 = arith.constant 3 : i32
    %broadcast_in_dim3A_640 = vector.broadcast %broadcast_in_dim3A_639 : i32 to vector<16xi32>
    %gather3A_641 = tpu.vector_load_idx %arg11[%add3A_627, %broadcast_in_dim3A_640] : memref<320x8xf32, #tpu.memory_space<vmem>>[vector<16xi32>, vector<16xi32>], vector<16xf32>,
    %gt3A_642 = arith.constant 5.000000e-01 : f32
    %gt3A_643 = vector.broadcast %gt3A_642 : f32 to vector<16xf32>
    %gt3A_644 = arith.cmpf ogt, %gather3A_641, %gt3A_643 : vector<16xf32>
    %mul3A_645 = arith.constant 5 : i32
    %mul3A_646 = vector.broadcast %mul3A_645 : i32 to vector<16xi32>
    %mul3A_647 = arith.muli %min3A_616, %mul3A_646 : vector<16xi32>
    %sub3A_648 = arith.subi %add3A_554, %mul3A_647 : vector<16xi32>
    %select_n3A_649 = arith.select %gt3A_644, %sub3A_648, %gather3A_629 : vector<16xi1>, vector<16xi32>
    %gt3A_650 = arith.constant 5.000000e-01 : f32
    %gt3A_651 = vector.broadcast %gt3A_650 : f32 to vector<16xf32>
    %gt3A_652 = arith.cmpf ogt, %gather3A_641, %gt3A_651 : vector<16xf32>
    %add3A_653 = arith.addf %gather3A_628, %gather3A_632 : vector<16xf32>
    %select_n3A_654 = arith.select %gt3A_652, %gather3A_638, %add3A_653 : vector<16xi1>, vector<16xf32>
    %div3A_655 = arith.divf %select_n3A_654, %gather3A_635 : vector<16xf32>
    %select_n3A_656 = arith.select %lt3A_557, %div3A_655, %broadcast_in_dim3A_1 : vector<16xi1>, vector<16xf32>
    %mul3A_657 = arith.constant 100000 : i32
    %mul3A_658 = vector.broadcast %mul3A_657 : i32 to vector<16xi32>
    %mul3A_659 = arith.muli %min3A_616, %mul3A_658 : vector<16xi32>
    %add3A_660 = arith.addi %mul3A_659, %select_n3A_649 : vector<16xi32>
    %jit3A_661 = arith.constant 1073741824 : i32
    %broadcast_in_dim3A_662 = vector.broadcast %jit3A_661 : i32 to vector<16xi32>
    %select_n3A_663 = arith.select %lt3A_557, %add3A_660, %broadcast_in_dim3A_662 : vector<16xi1>, vector<16xi32>
    %add3A_664 = arith.constant 16 : i32
    %add3A_665 = vector.broadcast %add3A_664 : i32 to vector<16xi32>
    %add3A_666 = arith.addi %iota3A, %add3A_665 : vector<16xi32>
    %lt3A_667 = arith.constant 25 : i32
    %lt3A_668 = vector.broadcast %lt3A_667 : i32 to vector<16xi32>
    %lt3A_669 = arith.cmpi slt, %add3A_666, %lt3A_668 : vector<16xi32>
    %broadcast_in_dim3A_670 = arith.constant 0 : i32
    %broadcast_in_dim3A_671 = vector.broadcast %broadcast_in_dim3A_670 : i32 to vector<16xi32>
    %ge3A_672 = arith.constant 5 : i32
    %ge3A_673 = vector.broadcast %ge3A_672 : i32 to vector<16xi32>
    %ge3A_674 = arith.cmpi sge, %add3A_666, %ge3A_673 : vector<16xi32>
    %jit3A_675 = arith.constant 1 : i32
    %jit3A_676 = arith.constant 0 : i32
    %broadcast_in_dim3A_677 = vector.broadcast %jit3A_675 : i32 to vector<16xi32>
    %broadcast_in_dim3A_678 = vector.broadcast %jit3A_676 : i32 to vector<16xi32>
    %select_n3A_679 = arith.select %ge3A_674, %broadcast_in_dim3A_677, %broadcast_in_dim3A_678 : vector<16xi1>, vector<16xi32>
    %add3A_680 = arith.addi %broadcast_in_dim3A_671, %select_n3A_679 : vector<16xi32>
    %ge3A_681 = arith.constant 10 : i32
    %ge3A_682 = vector.broadcast %ge3A_681 : i32 to vector<16xi32>
    %ge3A_683 = arith.cmpi sge, %add3A_666, %ge3A_682 : vector<16xi32>
    %jit3A_684 = arith.constant 1 : i32
    %jit3A_685 = arith.constant 0 : i32
    %broadcast_in_dim3A_686 = vector.broadcast %jit3A_684 : i32 to vector<16xi32>
    %broadcast_in_dim3A_687 = vector.broadcast %jit3A_685 : i32 to vector<16xi32>
    %select_n3A_688 = arith.select %ge3A_683, %broadcast_in_dim3A_686, %broadcast_in_dim3A_687 : vector<16xi1>, vector<16xi32>
    %add3A_689 = arith.addi %add3A_680, %select_n3A_688 : vector<16xi32>
    %ge3A_690 = arith.constant 15 : i32
    %ge3A_691 = vector.broadcast %ge3A_690 : i32 to vector<16xi32>
    %ge3A_692 = arith.cmpi sge, %add3A_666, %ge3A_691 : vector<16xi32>
    %jit3A_693 = arith.constant 1 : i32
    %jit3A_694 = arith.constant 0 : i32
    %broadcast_in_dim3A_695 = vector.broadcast %jit3A_693 : i32 to vector<16xi32>
    %broadcast_in_dim3A_696 = vector.broadcast %jit3A_694 : i32 to vector<16xi32>
    %select_n3A_697 = arith.select %ge3A_692, %broadcast_in_dim3A_695, %broadcast_in_dim3A_696 : vector<16xi1>, vector<16xi32>
    %add3A_698 = arith.addi %add3A_689, %select_n3A_697 : vector<16xi32>
    %ge3A_699 = arith.constant 20 : i32
    %ge3A_700 = vector.broadcast %ge3A_699 : i32 to vector<16xi32>
    %ge3A_701 = arith.cmpi sge, %add3A_666, %ge3A_700 : vector<16xi32>
    %jit3A_702 = arith.constant 1 : i32
    %jit3A_703 = arith.constant 0 : i32
    %broadcast_in_dim3A_704 = vector.broadcast %jit3A_702 : i32 to vector<16xi32>
    %broadcast_in_dim3A_705 = vector.broadcast %jit3A_703 : i32 to vector<16xi32>
    %select_n3A_706 = arith.select %ge3A_701, %broadcast_in_dim3A_704, %broadcast_in_dim3A_705 : vector<16xi1>, vector<16xi32>
    %add3A_707 = arith.addi %add3A_698, %select_n3A_706 : vector<16xi32>
    %ge3A_708 = arith.constant 25 : i32
    %ge3A_709 = vector.broadcast %ge3A_708 : i32 to vector<16xi32>
    %ge3A_710 = arith.cmpi sge, %add3A_666, %ge3A_709 : vector<16xi32>
    %jit3A_711 = arith.constant 1 : i32
    %jit3A_712 = arith.constant 0 : i32
    %broadcast_in_dim3A_713 = vector.broadcast %jit3A_711 : i32 to vector<16xi32>
    %broadcast_in_dim3A_714 = vector.broadcast %jit3A_712 : i32 to vector<16xi32>
    %select_n3A_715 = arith.select %ge3A_710, %broadcast_in_dim3A_713, %broadcast_in_dim3A_714 : vector<16xi1>, vector<16xi32>
    %add3A_716 = arith.addi %add3A_707, %select_n3A_715 : vector<16xi32>
    %ge3A_717 = arith.constant 30 : i32
    %ge3A_718 = vector.broadcast %ge3A_717 : i32 to vector<16xi32>
    %ge3A_719 = arith.cmpi sge, %add3A_666, %ge3A_718 : vector<16xi32>
    %jit3A_720 = arith.constant 1 : i32
    %jit3A_721 = arith.constant 0 : i32
    %broadcast_in_dim3A_722 = vector.broadcast %jit3A_720 : i32 to vector<16xi32>
    %broadcast_in_dim3A_723 = vector.broadcast %jit3A_721 : i32 to vector<16xi32>
    %select_n3A_724 = arith.select %ge3A_719, %broadcast_in_dim3A_722, %broadcast_in_dim3A_723 : vector<16xi1>, vector<16xi32>
    %add3A_725 = arith.addi %add3A_716, %select_n3A_724 : vector<16xi32>
    %min3A_726 = arith.constant 4 : i32
    %min3A_727 = vector.broadcast %min3A_726 : i32 to vector<16xi32>
    %min3A_728 = arith.minsi %add3A_725, %min3A_727 : vector<16xi32>
    %mul3A_729 = arith.constant 5 : i32
    %mul3A_730 = vector.broadcast %mul3A_729 : i32 to vector<16xi32>
    %mul3A_731 = arith.muli %min3A_728, %mul3A_730 : vector<16xi32>
    %sub3A_732 = arith.subi %add3A_666, %mul3A_731 : vector<16xi32>
    %min3A_733 = arith.constant 4 : i32
    %min3A_734 = vector.broadcast %min3A_733 : i32 to vector<16xi32>
    %min3A_735 = arith.minsi %sub3A_732, %min3A_734 : vector<16xi32>
    %mul3A_736 = arith.constant 5 : i32
    %mul3A_737 = arith.muli %add3A_551, %mul3A_736 : i32
    %add3A_738 = vector.broadcast %mul3A_737 : i32 to vector<16xi32>
    %add3A_739 = arith.addi %add3A_738, %min3A_728 : vector<16xi32>
    %gather3A_740 = tpu.vector_load_idx %arg9[%add3A_739, %min3A_735] : memref<320x8xf32, #tpu.memory_space<vmem>>[vector<16xi32>, vector<16xi32>], vector<16xf32>,
    %gather3A_741 = tpu.vector_load_idx %arg10[%add3A_739, %min3A_735] : memref<320x8xi32, #tpu.memory_space<vmem>>[vector<16xi32>, vector<16xi32>], vector<16xi32>,
    %broadcast_in_dim3A_742 = arith.constant 0 : i32
    %broadcast_in_dim3A_743 = vector.broadcast %broadcast_in_dim3A_742 : i32 to vector<16xi32>
    %gather3A_744 = tpu.vector_load_idx %arg11[%add3A_739, %broadcast_in_dim3A_743] : memref<320x8xf32, #tpu.memory_space<vmem>>[vector<16xi32>, vector<16xi32>], vector<16xf32>,
    %broadcast_in_dim3A_745 = arith.constant 1 : i32
    %broadcast_in_dim3A_746 = vector.broadcast %broadcast_in_dim3A_745 : i32 to vector<16xi32>
    %gather3A_747 = tpu.vector_load_idx %arg11[%add3A_739, %broadcast_in_dim3A_746] : memref<320x8xf32, #tpu.memory_space<vmem>>[vector<16xi32>, vector<16xi32>], vector<16xf32>,
    %broadcast_in_dim3A_748 = arith.constant 2 : i32
    %broadcast_in_dim3A_749 = vector.broadcast %broadcast_in_dim3A_748 : i32 to vector<16xi32>
    %gather3A_750 = tpu.vector_load_idx %arg11[%add3A_739, %broadcast_in_dim3A_749] : memref<320x8xf32, #tpu.memory_space<vmem>>[vector<16xi32>, vector<16xi32>], vector<16xf32>,
    %broadcast_in_dim3A_751 = arith.constant 3 : i32
    %broadcast_in_dim3A_752 = vector.broadcast %broadcast_in_dim3A_751 : i32 to vector<16xi32>
    %gather3A_753 = tpu.vector_load_idx %arg11[%add3A_739, %broadcast_in_dim3A_752] : memref<320x8xf32, #tpu.memory_space<vmem>>[vector<16xi32>, vector<16xi32>], vector<16xf32>,
    %gt3A_754 = arith.constant 5.000000e-01 : f32
    %gt3A_755 = vector.broadcast %gt3A_754 : f32 to vector<16xf32>
    %gt3A_756 = arith.cmpf ogt, %gather3A_753, %gt3A_755 : vector<16xf32>
    %mul3A_757 = arith.constant 5 : i32
    %mul3A_758 = vector.broadcast %mul3A_757 : i32 to vector<16xi32>
    %mul3A_759 = arith.muli %min3A_728, %mul3A_758 : vector<16xi32>
    %sub3A_760 = arith.subi %add3A_666, %mul3A_759 : vector<16xi32>
    %select_n3A_761 = arith.select %gt3A_756, %sub3A_760, %gather3A_741 : vector<16xi1>, vector<16xi32>
    %gt3A_762 = arith.constant 5.000000e-01 : f32
    %gt3A_763 = vector.broadcast %gt3A_762 : f32 to vector<16xf32>
    %gt3A_764 = arith.cmpf ogt, %gather3A_753, %gt3A_763 : vector<16xf32>
    %add3A_765 = arith.addf %gather3A_740, %gather3A_744 : vector<16xf32>
    %select_n3A_766 = arith.select %gt3A_764, %gather3A_750, %add3A_765 : vector<16xi1>, vector<16xf32>
    %div3A_767 = arith.divf %select_n3A_766, %gather3A_747 : vector<16xf32>
    %select_n3A_768 = arith.select %lt3A_669, %div3A_767, %broadcast_in_dim3A_1 : vector<16xi1>, vector<16xf32>
    %mul3A_769 = arith.constant 100000 : i32
    %mul3A_770 = vector.broadcast %mul3A_769 : i32 to vector<16xi32>
    %mul3A_771 = arith.muli %min3A_728, %mul3A_770 : vector<16xi32>
    %add3A_772 = arith.addi %mul3A_771, %select_n3A_761 : vector<16xi32>
    %jit3A_773 = arith.constant 1073741824 : i32
    %broadcast_in_dim3A_774 = vector.broadcast %jit3A_773 : i32 to vector<16xi32>
    %select_n3A_775 = arith.select %lt3A_669, %add3A_772, %broadcast_in_dim3A_774 : vector<16xi1>, vector<16xi32>
    %broadcast_in_dim3A_776 = arith.constant 0.000000e+00 : f32
    %broadcast_in_dim3A_777 = vector.broadcast %broadcast_in_dim3A_776 : f32 to vector<16xf32>
    %broadcast_in_dim3A_778 = arith.constant 0 : i32
    %broadcast_in_dim3A_779 = vector.broadcast %broadcast_in_dim3A_778 : i32 to vector<16xi32>
    %reduce_max3A_780 = arith.constant true
    %reduce_max3A_781 = vector.broadcast %reduce_max3A_780 : i1 to vector<16xi1>
    %reduce_max3A_782 = tpu.scan <max>, %select_n3A_656 masked %reduce_max3A_781 : vector<16xf32>, vector<16xi1> -> vector<16xf32>
    %reduce_max3A_783 = vector.extract %reduce_max3A_782[15] : f32 from vector<16xf32>
    %reduce_max3A_784 = arith.constant true
    %reduce_max3A_785 = vector.broadcast %reduce_max3A_784 : i1 to vector<16xi1>
    %reduce_max3A_786 = tpu.scan <max>, %select_n3A_768 masked %reduce_max3A_785 : vector<16xf32>, vector<16xi1> -> vector<16xf32>
    %reduce_max3A_787 = vector.extract %reduce_max3A_786[15] : f32 from vector<16xf32>
    %max3A_788 = arith.maximumf %reduce_max3A_783, %reduce_max3A_787 : f32
    %eq3A_789 = vector.broadcast %max3A_788 : f32 to vector<16xf32>
    %eq3A_790 = arith.cmpf oeq, %select_n3A_656, %eq3A_789 : vector<16xf32>
    %jit3A_791 = arith.constant 1073741824 : i32
    %broadcast_in_dim3A_792 = vector.broadcast %jit3A_791 : i32 to vector<16xi32>
    %select_n3A_793 = arith.select %eq3A_790, %select_n3A_663, %broadcast_in_dim3A_792 : vector<16xi1>, vector<16xi32>
    %eq3A_794 = vector.broadcast %max3A_788 : f32 to vector<16xf32>
    %eq3A_795 = arith.cmpf oeq, %select_n3A_768, %eq3A_794 : vector<16xf32>
    %jit3A_796 = arith.constant 1073741824 : i32
    %broadcast_in_dim3A_797 = vector.broadcast %jit3A_796 : i32 to vector<16xi32>
    %select_n3A_798 = arith.select %eq3A_795, %select_n3A_775, %broadcast_in_dim3A_797 : vector<16xi1>, vector<16xi32>
    %reduce_min3A_799 = arith.constant true
    %reduce_min3A_800 = vector.broadcast %reduce_min3A_799 : i1 to vector<16xi1>
    %reduce_min3A_801 = arith.constant -2147483648 : i32
    %reduce_min3A_802 = vector.broadcast %reduce_min3A_801 : i32 to vector<16xi32>
    %reduce_min3A_803 = arith.xori %select_n3A_793, %reduce_min3A_802 : vector<16xi32>
    %reduce_min3A_804 = tpu.scan <min>, %reduce_min3A_803 masked %reduce_min3A_800 : vector<16xi32>, vector<16xi1> -> vector<16xi32>
    %reduce_min3A_805 = arith.xori %reduce_min3A_804, %reduce_min3A_802 : vector<16xi32>
    %reduce_min3A_806 = vector.extract %reduce_min3A_805[15] : i32 from vector<16xi32>
    %reduce_min3A_807 = arith.constant true
    %reduce_min3A_808 = vector.broadcast %reduce_min3A_807 : i1 to vector<16xi1>
    %reduce_min3A_809 = arith.constant -2147483648 : i32
    %reduce_min3A_810 = vector.broadcast %reduce_min3A_809 : i32 to vector<16xi32>
    %reduce_min3A_811 = arith.xori %select_n3A_798, %reduce_min3A_810 : vector<16xi32>
    %reduce_min3A_812 = tpu.scan <min>, %reduce_min3A_811 masked %reduce_min3A_808 : vector<16xi32>, vector<16xi1> -> vector<16xi32>
    %reduce_min3A_813 = arith.xori %reduce_min3A_812, %reduce_min3A_810 : vector<16xi32>
    %reduce_min3A_814 = vector.extract %reduce_min3A_813[15] : i32 from vector<16xi32>
    %min3A_815 = arith.minsi %reduce_min3A_806, %reduce_min3A_814 : i32
    %eq3A_816 = vector.broadcast %min3A_815 : i32 to vector<16xi32>
    %eq3A_817 = arith.cmpi eq, %select_n3A_793, %eq3A_816 : vector<16xi32>
    %select_n3A_818 = arith.select %eq3A_817, %broadcast_in_dim3A_1, %select_n3A_656 : vector<16xi1>, vector<16xf32>
    %eq3A_819 = vector.broadcast %min3A_815 : i32 to vector<16xi32>
    %eq3A_820 = arith.cmpi eq, %select_n3A_798, %eq3A_819 : vector<16xi32>
    %select_n3A_821 = arith.select %eq3A_820, %broadcast_in_dim3A_1, %select_n3A_768 : vector<16xi1>, vector<16xf32>
    %eq3A_822 = arith.constant 0 : i32
    %eq3A_823 = vector.broadcast %eq3A_822 : i32 to vector<16xi32>
    %eq3A_824 = arith.cmpi eq, %iota3A, %eq3A_823 : vector<16xi32>
    %broadcast_in_dim3A_825 = vector.broadcast %max3A_788 : f32 to vector<16xf32>
    %select_n3A_826 = arith.select %eq3A_824, %broadcast_in_dim3A_825, %broadcast_in_dim3A_777 : vector<16xi1>, vector<16xf32>
    %eq3A_827 = arith.constant 0 : i32
    %eq3A_828 = vector.broadcast %eq3A_827 : i32 to vector<16xi32>
    %eq3A_829 = arith.cmpi eq, %iota3A, %eq3A_828 : vector<16xi32>
    %broadcast_in_dim3A_830 = vector.broadcast %min3A_815 : i32 to vector<16xi32>
    %select_n3A_831 = arith.select %eq3A_829, %broadcast_in_dim3A_830, %broadcast_in_dim3A_779 : vector<16xi1>, vector<16xi32>
    %reduce_max3A_832 = arith.constant true
    %reduce_max3A_833 = vector.broadcast %reduce_max3A_832 : i1 to vector<16xi1>
    %reduce_max3A_834 = tpu.scan <max>, %select_n3A_818 masked %reduce_max3A_833 : vector<16xf32>, vector<16xi1> -> vector<16xf32>
    %reduce_max3A_835 = vector.extract %reduce_max3A_834[15] : f32 from vector<16xf32>
    %reduce_max3A_836 = arith.constant true
    %reduce_max3A_837 = vector.broadcast %reduce_max3A_836 : i1 to vector<16xi1>
    %reduce_max3A_838 = tpu.scan <max>, %select_n3A_821 masked %reduce_max3A_837 : vector<16xf32>, vector<16xi1> -> vector<16xf32>
    %reduce_max3A_839 = vector.extract %reduce_max3A_838[15] : f32 from vector<16xf32>
    %max3A_840 = arith.maximumf %reduce_max3A_835, %reduce_max3A_839 : f32
    %eq3A_841 = vector.broadcast %max3A_840 : f32 to vector<16xf32>
    %eq3A_842 = arith.cmpf oeq, %select_n3A_818, %eq3A_841 : vector<16xf32>
    %jit3A_843 = arith.constant 1073741824 : i32
    %broadcast_in_dim3A_844 = vector.broadcast %jit3A_843 : i32 to vector<16xi32>
    %select_n3A_845 = arith.select %eq3A_842, %select_n3A_663, %broadcast_in_dim3A_844 : vector<16xi1>, vector<16xi32>
    %eq3A_846 = vector.broadcast %max3A_840 : f32 to vector<16xf32>
    %eq3A_847 = arith.cmpf oeq, %select_n3A_821, %eq3A_846 : vector<16xf32>
    %jit3A_848 = arith.constant 1073741824 : i32
    %broadcast_in_dim3A_849 = vector.broadcast %jit3A_848 : i32 to vector<16xi32>
    %select_n3A_850 = arith.select %eq3A_847, %select_n3A_775, %broadcast_in_dim3A_849 : vector<16xi1>, vector<16xi32>
    %reduce_min3A_851 = arith.constant true
    %reduce_min3A_852 = vector.broadcast %reduce_min3A_851 : i1 to vector<16xi1>
    %reduce_min3A_853 = arith.constant -2147483648 : i32
    %reduce_min3A_854 = vector.broadcast %reduce_min3A_853 : i32 to vector<16xi32>
    %reduce_min3A_855 = arith.xori %select_n3A_845, %reduce_min3A_854 : vector<16xi32>
    %reduce_min3A_856 = tpu.scan <min>, %reduce_min3A_855 masked %reduce_min3A_852 : vector<16xi32>, vector<16xi1> -> vector<16xi32>
    %reduce_min3A_857 = arith.xori %reduce_min3A_856, %reduce_min3A_854 : vector<16xi32>
    %reduce_min3A_858 = vector.extract %reduce_min3A_857[15] : i32 from vector<16xi32>
    %reduce_min3A_859 = arith.constant true
    %reduce_min3A_860 = vector.broadcast %reduce_min3A_859 : i1 to vector<16xi1>
    %reduce_min3A_861 = arith.constant -2147483648 : i32
    %reduce_min3A_862 = vector.broadcast %reduce_min3A_861 : i32 to vector<16xi32>
    %reduce_min3A_863 = arith.xori %select_n3A_850, %reduce_min3A_862 : vector<16xi32>
    %reduce_min3A_864 = tpu.scan <min>, %reduce_min3A_863 masked %reduce_min3A_860 : vector<16xi32>, vector<16xi1> -> vector<16xi32>
    %reduce_min3A_865 = arith.xori %reduce_min3A_864, %reduce_min3A_862 : vector<16xi32>
    %reduce_min3A_866 = vector.extract %reduce_min3A_865[15] : i32 from vector<16xi32>
    %min3A_867 = arith.minsi %reduce_min3A_858, %reduce_min3A_866 : i32
    %eq3A_868 = vector.broadcast %min3A_867 : i32 to vector<16xi32>
    %eq3A_869 = arith.cmpi eq, %select_n3A_845, %eq3A_868 : vector<16xi32>
    %select_n3A_870 = arith.select %eq3A_869, %broadcast_in_dim3A_1, %select_n3A_818 : vector<16xi1>, vector<16xf32>
    %eq3A_871 = vector.broadcast %min3A_867 : i32 to vector<16xi32>
    %eq3A_872 = arith.cmpi eq, %select_n3A_850, %eq3A_871 : vector<16xi32>
    %select_n3A_873 = arith.select %eq3A_872, %broadcast_in_dim3A_1, %select_n3A_821 : vector<16xi1>, vector<16xf32>
    %eq3A_874 = arith.constant 1 : i32
    %eq3A_875 = vector.broadcast %eq3A_874 : i32 to vector<16xi32>
    %eq3A_876 = arith.cmpi eq, %iota3A, %eq3A_875 : vector<16xi32>
    %broadcast_in_dim3A_877 = vector.broadcast %max3A_840 : f32 to vector<16xf32>
    %select_n3A_878 = arith.select %eq3A_876, %broadcast_in_dim3A_877, %select_n3A_826 : vector<16xi1>, vector<16xf32>
    %eq3A_879 = arith.constant 1 : i32
    %eq3A_880 = vector.broadcast %eq3A_879 : i32 to vector<16xi32>
    %eq3A_881 = arith.cmpi eq, %iota3A, %eq3A_880 : vector<16xi32>
    %broadcast_in_dim3A_882 = vector.broadcast %min3A_867 : i32 to vector<16xi32>
    %select_n3A_883 = arith.select %eq3A_881, %broadcast_in_dim3A_882, %select_n3A_831 : vector<16xi1>, vector<16xi32>
    %reduce_max3A_884 = arith.constant true
    %reduce_max3A_885 = vector.broadcast %reduce_max3A_884 : i1 to vector<16xi1>
    %reduce_max3A_886 = tpu.scan <max>, %select_n3A_870 masked %reduce_max3A_885 : vector<16xf32>, vector<16xi1> -> vector<16xf32>
    %reduce_max3A_887 = vector.extract %reduce_max3A_886[15] : f32 from vector<16xf32>
    %reduce_max3A_888 = arith.constant true
    %reduce_max3A_889 = vector.broadcast %reduce_max3A_888 : i1 to vector<16xi1>
    %reduce_max3A_890 = tpu.scan <max>, %select_n3A_873 masked %reduce_max3A_889 : vector<16xf32>, vector<16xi1> -> vector<16xf32>
    %reduce_max3A_891 = vector.extract %reduce_max3A_890[15] : f32 from vector<16xf32>
    %max3A_892 = arith.maximumf %reduce_max3A_887, %reduce_max3A_891 : f32
    %eq3A_893 = vector.broadcast %max3A_892 : f32 to vector<16xf32>
    %eq3A_894 = arith.cmpf oeq, %select_n3A_870, %eq3A_893 : vector<16xf32>
    %jit3A_895 = arith.constant 1073741824 : i32
    %broadcast_in_dim3A_896 = vector.broadcast %jit3A_895 : i32 to vector<16xi32>
    %select_n3A_897 = arith.select %eq3A_894, %select_n3A_663, %broadcast_in_dim3A_896 : vector<16xi1>, vector<16xi32>
    %eq3A_898 = vector.broadcast %max3A_892 : f32 to vector<16xf32>
    %eq3A_899 = arith.cmpf oeq, %select_n3A_873, %eq3A_898 : vector<16xf32>
    %jit3A_900 = arith.constant 1073741824 : i32
    %broadcast_in_dim3A_901 = vector.broadcast %jit3A_900 : i32 to vector<16xi32>
    %select_n3A_902 = arith.select %eq3A_899, %select_n3A_775, %broadcast_in_dim3A_901 : vector<16xi1>, vector<16xi32>
    %reduce_min3A_903 = arith.constant true
    %reduce_min3A_904 = vector.broadcast %reduce_min3A_903 : i1 to vector<16xi1>
    %reduce_min3A_905 = arith.constant -2147483648 : i32
    %reduce_min3A_906 = vector.broadcast %reduce_min3A_905 : i32 to vector<16xi32>
    %reduce_min3A_907 = arith.xori %select_n3A_897, %reduce_min3A_906 : vector<16xi32>
    %reduce_min3A_908 = tpu.scan <min>, %reduce_min3A_907 masked %reduce_min3A_904 : vector<16xi32>, vector<16xi1> -> vector<16xi32>
    %reduce_min3A_909 = arith.xori %reduce_min3A_908, %reduce_min3A_906 : vector<16xi32>
    %reduce_min3A_910 = vector.extract %reduce_min3A_909[15] : i32 from vector<16xi32>
    %reduce_min3A_911 = arith.constant true
    %reduce_min3A_912 = vector.broadcast %reduce_min3A_911 : i1 to vector<16xi1>
    %reduce_min3A_913 = arith.constant -2147483648 : i32
    %reduce_min3A_914 = vector.broadcast %reduce_min3A_913 : i32 to vector<16xi32>
    %reduce_min3A_915 = arith.xori %select_n3A_902, %reduce_min3A_914 : vector<16xi32>
    %reduce_min3A_916 = tpu.scan <min>, %reduce_min3A_915 masked %reduce_min3A_912 : vector<16xi32>, vector<16xi1> -> vector<16xi32>
    %reduce_min3A_917 = arith.xori %reduce_min3A_916, %reduce_min3A_914 : vector<16xi32>
    %reduce_min3A_918 = vector.extract %reduce_min3A_917[15] : i32 from vector<16xi32>
    %min3A_919 = arith.minsi %reduce_min3A_910, %reduce_min3A_918 : i32
    %eq3A_920 = vector.broadcast %min3A_919 : i32 to vector<16xi32>
    %eq3A_921 = arith.cmpi eq, %select_n3A_897, %eq3A_920 : vector<16xi32>
    %select_n3A_922 = arith.select %eq3A_921, %broadcast_in_dim3A_1, %select_n3A_870 : vector<16xi1>, vector<16xf32>
    %eq3A_923 = vector.broadcast %min3A_919 : i32 to vector<16xi32>
    %eq3A_924 = arith.cmpi eq, %select_n3A_902, %eq3A_923 : vector<16xi32>
    %select_n3A_925 = arith.select %eq3A_924, %broadcast_in_dim3A_1, %select_n3A_873 : vector<16xi1>, vector<16xf32>
    %eq3A_926 = arith.constant 2 : i32
    %eq3A_927 = vector.broadcast %eq3A_926 : i32 to vector<16xi32>
    %eq3A_928 = arith.cmpi eq, %iota3A, %eq3A_927 : vector<16xi32>
    %broadcast_in_dim3A_929 = vector.broadcast %max3A_892 : f32 to vector<16xf32>
    %select_n3A_930 = arith.select %eq3A_928, %broadcast_in_dim3A_929, %select_n3A_878 : vector<16xi1>, vector<16xf32>
    %eq3A_931 = arith.constant 2 : i32
    %eq3A_932 = vector.broadcast %eq3A_931 : i32 to vector<16xi32>
    %eq3A_933 = arith.cmpi eq, %iota3A, %eq3A_932 : vector<16xi32>
    %broadcast_in_dim3A_934 = vector.broadcast %min3A_919 : i32 to vector<16xi32>
    %select_n3A_935 = arith.select %eq3A_933, %broadcast_in_dim3A_934, %select_n3A_883 : vector<16xi1>, vector<16xi32>
    %reduce_max3A_936 = arith.constant true
    %reduce_max3A_937 = vector.broadcast %reduce_max3A_936 : i1 to vector<16xi1>
    %reduce_max3A_938 = tpu.scan <max>, %select_n3A_922 masked %reduce_max3A_937 : vector<16xf32>, vector<16xi1> -> vector<16xf32>
    %reduce_max3A_939 = vector.extract %reduce_max3A_938[15] : f32 from vector<16xf32>
    %reduce_max3A_940 = arith.constant true
    %reduce_max3A_941 = vector.broadcast %reduce_max3A_940 : i1 to vector<16xi1>
    %reduce_max3A_942 = tpu.scan <max>, %select_n3A_925 masked %reduce_max3A_941 : vector<16xf32>, vector<16xi1> -> vector<16xf32>
    %reduce_max3A_943 = vector.extract %reduce_max3A_942[15] : f32 from vector<16xf32>
    %max3A_944 = arith.maximumf %reduce_max3A_939, %reduce_max3A_943 : f32
    %eq3A_945 = vector.broadcast %max3A_944 : f32 to vector<16xf32>
    %eq3A_946 = arith.cmpf oeq, %select_n3A_922, %eq3A_945 : vector<16xf32>
    %jit3A_947 = arith.constant 1073741824 : i32
    %broadcast_in_dim3A_948 = vector.broadcast %jit3A_947 : i32 to vector<16xi32>
    %select_n3A_949 = arith.select %eq3A_946, %select_n3A_663, %broadcast_in_dim3A_948 : vector<16xi1>, vector<16xi32>
    %eq3A_950 = vector.broadcast %max3A_944 : f32 to vector<16xf32>
    %eq3A_951 = arith.cmpf oeq, %select_n3A_925, %eq3A_950 : vector<16xf32>
    %jit3A_952 = arith.constant 1073741824 : i32
    %broadcast_in_dim3A_953 = vector.broadcast %jit3A_952 : i32 to vector<16xi32>
    %select_n3A_954 = arith.select %eq3A_951, %select_n3A_775, %broadcast_in_dim3A_953 : vector<16xi1>, vector<16xi32>
    %reduce_min3A_955 = arith.constant true
    %reduce_min3A_956 = vector.broadcast %reduce_min3A_955 : i1 to vector<16xi1>
    %reduce_min3A_957 = arith.constant -2147483648 : i32
    %reduce_min3A_958 = vector.broadcast %reduce_min3A_957 : i32 to vector<16xi32>
    %reduce_min3A_959 = arith.xori %select_n3A_949, %reduce_min3A_958 : vector<16xi32>
    %reduce_min3A_960 = tpu.scan <min>, %reduce_min3A_959 masked %reduce_min3A_956 : vector<16xi32>, vector<16xi1> -> vector<16xi32>
    %reduce_min3A_961 = arith.xori %reduce_min3A_960, %reduce_min3A_958 : vector<16xi32>
    %reduce_min3A_962 = vector.extract %reduce_min3A_961[15] : i32 from vector<16xi32>
    %reduce_min3A_963 = arith.constant true
    %reduce_min3A_964 = vector.broadcast %reduce_min3A_963 : i1 to vector<16xi1>
    %reduce_min3A_965 = arith.constant -2147483648 : i32
    %reduce_min3A_966 = vector.broadcast %reduce_min3A_965 : i32 to vector<16xi32>
    %reduce_min3A_967 = arith.xori %select_n3A_954, %reduce_min3A_966 : vector<16xi32>
    %reduce_min3A_968 = tpu.scan <min>, %reduce_min3A_967 masked %reduce_min3A_964 : vector<16xi32>, vector<16xi1> -> vector<16xi32>
    %reduce_min3A_969 = arith.xori %reduce_min3A_968, %reduce_min3A_966 : vector<16xi32>
    %reduce_min3A_970 = vector.extract %reduce_min3A_969[15] : i32 from vector<16xi32>
    %min3A_971 = arith.minsi %reduce_min3A_962, %reduce_min3A_970 : i32
    %eq3A_972 = vector.broadcast %min3A_971 : i32 to vector<16xi32>
    %eq3A_973 = arith.cmpi eq, %select_n3A_949, %eq3A_972 : vector<16xi32>
    %select_n3A_974 = arith.select %eq3A_973, %broadcast_in_dim3A_1, %select_n3A_922 : vector<16xi1>, vector<16xf32>
    %eq3A_975 = vector.broadcast %min3A_971 : i32 to vector<16xi32>
    %eq3A_976 = arith.cmpi eq, %select_n3A_954, %eq3A_975 : vector<16xi32>
    %select_n3A_977 = arith.select %eq3A_976, %broadcast_in_dim3A_1, %select_n3A_925 : vector<16xi1>, vector<16xf32>
    %eq3A_978 = arith.constant 3 : i32
    %eq3A_979 = vector.broadcast %eq3A_978 : i32 to vector<16xi32>
    %eq3A_980 = arith.cmpi eq, %iota3A, %eq3A_979 : vector<16xi32>
    %broadcast_in_dim3A_981 = vector.broadcast %max3A_944 : f32 to vector<16xf32>
    %select_n3A_982 = arith.select %eq3A_980, %broadcast_in_dim3A_981, %select_n3A_930 : vector<16xi1>, vector<16xf32>
    %eq3A_983 = arith.constant 3 : i32
    %eq3A_984 = vector.broadcast %eq3A_983 : i32 to vector<16xi32>
    %eq3A_985 = arith.cmpi eq, %iota3A, %eq3A_984 : vector<16xi32>
    %broadcast_in_dim3A_986 = vector.broadcast %min3A_971 : i32 to vector<16xi32>
    %select_n3A_987 = arith.select %eq3A_985, %broadcast_in_dim3A_986, %select_n3A_935 : vector<16xi1>, vector<16xi32>
    %reduce_max3A_988 = arith.constant true
    %reduce_max3A_989 = vector.broadcast %reduce_max3A_988 : i1 to vector<16xi1>
    %reduce_max3A_990 = tpu.scan <max>, %select_n3A_974 masked %reduce_max3A_989 : vector<16xf32>, vector<16xi1> -> vector<16xf32>
    %reduce_max3A_991 = vector.extract %reduce_max3A_990[15] : f32 from vector<16xf32>
    %reduce_max3A_992 = arith.constant true
    %reduce_max3A_993 = vector.broadcast %reduce_max3A_992 : i1 to vector<16xi1>
    %reduce_max3A_994 = tpu.scan <max>, %select_n3A_977 masked %reduce_max3A_993 : vector<16xf32>, vector<16xi1> -> vector<16xf32>
    %reduce_max3A_995 = vector.extract %reduce_max3A_994[15] : f32 from vector<16xf32>
    %max3A_996 = arith.maximumf %reduce_max3A_991, %reduce_max3A_995 : f32
    %eq3A_997 = vector.broadcast %max3A_996 : f32 to vector<16xf32>
    %eq3A_998 = arith.cmpf oeq, %select_n3A_974, %eq3A_997 : vector<16xf32>
    %jit3A_999 = arith.constant 1073741824 : i32
    %broadcast_in_dim3A_1000 = vector.broadcast %jit3A_999 : i32 to vector<16xi32>
    %select_n3A_1001 = arith.select %eq3A_998, %select_n3A_663, %broadcast_in_dim3A_1000 : vector<16xi1>, vector<16xi32>
    %eq3A_1002 = vector.broadcast %max3A_996 : f32 to vector<16xf32>
    %eq3A_1003 = arith.cmpf oeq, %select_n3A_977, %eq3A_1002 : vector<16xf32>
    %jit3A_1004 = arith.constant 1073741824 : i32
    %broadcast_in_dim3A_1005 = vector.broadcast %jit3A_1004 : i32 to vector<16xi32>
    %select_n3A_1006 = arith.select %eq3A_1003, %select_n3A_775, %broadcast_in_dim3A_1005 : vector<16xi1>, vector<16xi32>
    %reduce_min3A_1007 = arith.constant true
    %reduce_min3A_1008 = vector.broadcast %reduce_min3A_1007 : i1 to vector<16xi1>
    %reduce_min3A_1009 = arith.constant -2147483648 : i32
    %reduce_min3A_1010 = vector.broadcast %reduce_min3A_1009 : i32 to vector<16xi32>
    %reduce_min3A_1011 = arith.xori %select_n3A_1001, %reduce_min3A_1010 : vector<16xi32>
    %reduce_min3A_1012 = tpu.scan <min>, %reduce_min3A_1011 masked %reduce_min3A_1008 : vector<16xi32>, vector<16xi1> -> vector<16xi32>
    %reduce_min3A_1013 = arith.xori %reduce_min3A_1012, %reduce_min3A_1010 : vector<16xi32>
    %reduce_min3A_1014 = vector.extract %reduce_min3A_1013[15] : i32 from vector<16xi32>
    %reduce_min3A_1015 = arith.constant true
    %reduce_min3A_1016 = vector.broadcast %reduce_min3A_1015 : i1 to vector<16xi1>
    %reduce_min3A_1017 = arith.constant -2147483648 : i32
    %reduce_min3A_1018 = vector.broadcast %reduce_min3A_1017 : i32 to vector<16xi32>
    %reduce_min3A_1019 = arith.xori %select_n3A_1006, %reduce_min3A_1018 : vector<16xi32>
    %reduce_min3A_1020 = tpu.scan <min>, %reduce_min3A_1019 masked %reduce_min3A_1016 : vector<16xi32>, vector<16xi1> -> vector<16xi32>
    %reduce_min3A_1021 = arith.xori %reduce_min3A_1020, %reduce_min3A_1018 : vector<16xi32>
    %reduce_min3A_1022 = vector.extract %reduce_min3A_1021[15] : i32 from vector<16xi32>
    %min3A_1023 = arith.minsi %reduce_min3A_1014, %reduce_min3A_1022 : i32
    %eq3A_1024 = vector.broadcast %min3A_1023 : i32 to vector<16xi32>
    %eq3A_1025 = arith.cmpi eq, %select_n3A_1001, %eq3A_1024 : vector<16xi32>
    %select_n3A_1026 = arith.select %eq3A_1025, %broadcast_in_dim3A_1, %select_n3A_974 : vector<16xi1>, vector<16xf32>
    %eq3A_1027 = vector.broadcast %min3A_1023 : i32 to vector<16xi32>
    %eq3A_1028 = arith.cmpi eq, %select_n3A_1006, %eq3A_1027 : vector<16xi32>
    %select_n3A_1029 = arith.select %eq3A_1028, %broadcast_in_dim3A_1, %select_n3A_977 : vector<16xi1>, vector<16xf32>
    %eq3A_1030 = arith.constant 4 : i32
    %eq3A_1031 = vector.broadcast %eq3A_1030 : i32 to vector<16xi32>
    %eq3A_1032 = arith.cmpi eq, %iota3A, %eq3A_1031 : vector<16xi32>
    %broadcast_in_dim3A_1033 = vector.broadcast %max3A_996 : f32 to vector<16xf32>
    %select_n3A_1034 = arith.select %eq3A_1032, %broadcast_in_dim3A_1033, %select_n3A_982 : vector<16xi1>, vector<16xf32>
    %eq3A_1035 = arith.constant 4 : i32
    %eq3A_1036 = vector.broadcast %eq3A_1035 : i32 to vector<16xi32>
    %eq3A_1037 = arith.cmpi eq, %iota3A, %eq3A_1036 : vector<16xi32>
    %broadcast_in_dim3A_1038 = vector.broadcast %min3A_1023 : i32 to vector<16xi32>
    %select_n3A_1039 = arith.select %eq3A_1037, %broadcast_in_dim3A_1038, %select_n3A_987 : vector<16xi1>, vector<16xi32>
    %broadcast_in_dim3A_1040 = arith.constant 0 : i32
    %broadcast_in_dim3A_1041 = vector.broadcast %broadcast_in_dim3A_1040 : i32 to vector<16xi32>
    %ge3A_1042 = arith.constant 100000 : i32
    %ge3A_1043 = vector.broadcast %ge3A_1042 : i32 to vector<16xi32>
    %ge3A_1044 = arith.cmpi sge, %select_n3A_1039, %ge3A_1043 : vector<16xi32>
    %jit3A_1045 = arith.constant 1 : i32
    %jit3A_1046 = arith.constant 0 : i32
    %broadcast_in_dim3A_1047 = vector.broadcast %jit3A_1045 : i32 to vector<16xi32>
    %broadcast_in_dim3A_1048 = vector.broadcast %jit3A_1046 : i32 to vector<16xi32>
    %select_n3A_1049 = arith.select %ge3A_1044, %broadcast_in_dim3A_1047, %broadcast_in_dim3A_1048 : vector<16xi1>, vector<16xi32>
    %add3A_1050 = arith.addi %broadcast_in_dim3A_1041, %select_n3A_1049 : vector<16xi32>
    %ge3A_1051 = arith.constant 200000 : i32
    %ge3A_1052 = vector.broadcast %ge3A_1051 : i32 to vector<16xi32>
    %ge3A_1053 = arith.cmpi sge, %select_n3A_1039, %ge3A_1052 : vector<16xi32>
    %jit3A_1054 = arith.constant 1 : i32
    %jit3A_1055 = arith.constant 0 : i32
    %broadcast_in_dim3A_1056 = vector.broadcast %jit3A_1054 : i32 to vector<16xi32>
    %broadcast_in_dim3A_1057 = vector.broadcast %jit3A_1055 : i32 to vector<16xi32>
    %select_n3A_1058 = arith.select %ge3A_1053, %broadcast_in_dim3A_1056, %broadcast_in_dim3A_1057 : vector<16xi1>, vector<16xi32>
    %add3A_1059 = arith.addi %add3A_1050, %select_n3A_1058 : vector<16xi32>
    %ge3A_1060 = arith.constant 300000 : i32
    %ge3A_1061 = vector.broadcast %ge3A_1060 : i32 to vector<16xi32>
    %ge3A_1062 = arith.cmpi sge, %select_n3A_1039, %ge3A_1061 : vector<16xi32>
    %jit3A_1063 = arith.constant 1 : i32
    %jit3A_1064 = arith.constant 0 : i32
    %broadcast_in_dim3A_1065 = vector.broadcast %jit3A_1063 : i32 to vector<16xi32>
    %broadcast_in_dim3A_1066 = vector.broadcast %jit3A_1064 : i32 to vector<16xi32>
    %select_n3A_1067 = arith.select %ge3A_1062, %broadcast_in_dim3A_1065, %broadcast_in_dim3A_1066 : vector<16xi1>, vector<16xi32>
    %add3A_1068 = arith.addi %add3A_1059, %select_n3A_1067 : vector<16xi32>
    %ge3A_1069 = arith.constant 400000 : i32
    %ge3A_1070 = vector.broadcast %ge3A_1069 : i32 to vector<16xi32>
    %ge3A_1071 = arith.cmpi sge, %select_n3A_1039, %ge3A_1070 : vector<16xi32>
    %jit3A_1072 = arith.constant 1 : i32
    %jit3A_1073 = arith.constant 0 : i32
    %broadcast_in_dim3A_1074 = vector.broadcast %jit3A_1072 : i32 to vector<16xi32>
    %broadcast_in_dim3A_1075 = vector.broadcast %jit3A_1073 : i32 to vector<16xi32>
    %select_n3A_1076 = arith.select %ge3A_1071, %broadcast_in_dim3A_1074, %broadcast_in_dim3A_1075 : vector<16xi1>, vector<16xi32>
    %add3A_1077 = arith.addi %add3A_1068, %select_n3A_1076 : vector<16xi32>
    %mul3A_1078 = arith.constant 100000 : i32
    %mul3A_1079 = vector.broadcast %mul3A_1078 : i32 to vector<16xi32>
    %mul3A_1080 = arith.muli %add3A_1077, %mul3A_1079 : vector<16xi32>
    %sub3A_1081 = arith.subi %select_n3A_1039, %mul3A_1080 : vector<16xi32>
    %lt3A_1082 = arith.constant 5 : i32
    %lt3A_1083 = vector.broadcast %lt3A_1082 : i32 to vector<16xi32>
    %lt3A_1084 = arith.cmpi slt, %iota3A, %lt3A_1083 : vector<16xi32>
    %mul3A_1085 = arith.constant 5 : i32
    %mul3A_1086 = arith.muli %add3A_551, %mul3A_1085 : i32
    %add3A_1087 = vector.broadcast %mul3A_1086 : i32 to vector<16xi32>
    %add3A_1088 = arith.addi %add3A_1087, %add3A_1077 : vector<16xi32>
    %jit3A_1089 = arith.constant 0 : i32
    %broadcast_in_dim3A_1090 = vector.broadcast %jit3A_1089 : i32 to vector<16xi32>
    %select_n3A_1091 = arith.select %lt3A_1084, %add3A_1088, %broadcast_in_dim3A_1090 : vector<16xi1>, vector<16xi32>
    %swap3A_1092 = arith.constant 0 : index
    %swap3A_1093 = tpu.vector_load %arg13[%swap3A_1092] {strides = array<i32>} : memref<16xi32, #tpu.memory_space<vmem>>, vector<16xi32>,
    tpu.vector_store %arg13[%swap3A_1092], %select_n3A_1091 {strides = array<i32>} : memref<16xi32, #tpu.memory_space<vmem>>, vector<16xi32>,
    %dma_start3A_1094 = arith.constant 0 : i32
    %dma_start3A_1095 = arith.constant 0 : i32
    %dma_start3A_1096 = tpu.memref_slice %arg5[%dma_start3A_1094, %dma_start3A_1095] : memref<320x32xi32, #tpu.memory_space<hbm>> -> memref<320x32xi32, #tpu.memory_space<hbm>>
    tpu.enqueue_indirect_dma source(%dma_start3A_1096 : memref<320x32xi32, #tpu.memory_space<hbm>>) target(%arg12 : memref<16x32xi32, #tpu.memory_space<vmem>>) offsets(%arg13 : memref<16xi32, #tpu.memory_space<vmem>>) semaphore(%arg16 : memref<!tpu.dma_semaphore, #tpu.memory_space<semaphore_mem>>)
    %dma_wait3A_1097 = arith.constant 0 : i32
    %dma_wait3A_1098 = arith.constant 0 : i32
    %dma_wait3A_1099 = tpu.memref_slice %arg5[%dma_wait3A_1097, %dma_wait3A_1098] : memref<320x32xi32, #tpu.memory_space<hbm>> -> memref<320x32xi32, #tpu.memory_space<hbm>>
    tpu.wait_indirect_dma semaphore(%arg16 : memref<!tpu.dma_semaphore, #tpu.memory_space<semaphore_mem>>) src(%dma_wait3A_1099 : memref<320x32xi32, #tpu.memory_space<hbm>>) dst(%arg12 : memref<16x32xi32, #tpu.memory_space<vmem>>)
    %mul3A_1100 = arith.constant 8 : i32
    %mul3A_1101 = arith.muli %add3A_551, %mul3A_1100 : i32
    "tpu.region"() ({
      %run_scoped3A = tpu.sem_alloc : memref<!tpu.dma_semaphore, #tpu.memory_space<semaphore_mem>>
      %dma_start3A_1114 = arith.constant 0 : i32
      %dma_start3A_1115 = arith.constant 0 : i32
      %dma_start3A_1116 = tpu.memref_slice %arg12[%dma_start3A_1114, %dma_start3A_1115] : memref<16x32xi32, #tpu.memory_space<vmem>> -> memref<8x32xi32, #tpu.memory_space<vmem>>
      %dma_start3A_1117 = arith.constant 0 : i32
      %dma_start3A_1118 = tpu.memref_slice %arg8[%mul3A_1101, %dma_start3A_1117] : memref<512x32xi32, #tpu.memory_space<hbm>> -> memref<8x32xi32, #tpu.memory_space<hbm>>
      %dma_start3A_1119 = arith.constant 0 : i32
      %dma_start3A_1120 = tpu.memref_slice %arg8[%mul3A_1101, %dma_start3A_1119] : memref<512x32xi32, #tpu.memory_space<hbm>> -> memref<8x32xi32, #tpu.memory_space<hbm>>
      %dma_start3A_1121 = arith.constant 0 : i32
      %dma_start3A_1122 = arith.constant 0 : i32
      %dma_start3A_1123 = tpu.memref_slice %arg12[%dma_start3A_1121, %dma_start3A_1122] : memref<16x32xi32, #tpu.memory_space<vmem>> -> memref<8x32xi32, #tpu.memory_space<vmem>>
      tpu.enqueue_dma source(%dma_start3A_1123 : memref<8x32xi32, #tpu.memory_space<vmem>>) target(%dma_start3A_1120 : memref<8x32xi32, #tpu.memory_space<hbm>>) target_semaphore(%run_scoped3A : memref<!tpu.dma_semaphore, #tpu.memory_space<semaphore_mem>>)
      %dma_wait3A_1124 = arith.constant 0 : i32
      %dma_wait3A_1125 = arith.constant 0 : i32
      %dma_wait3A_1126 = tpu.memref_slice %arg12[%dma_wait3A_1124, %dma_wait3A_1125] : memref<16x32xi32, #tpu.memory_space<vmem>> -> memref<8x32xi32, #tpu.memory_space<vmem>>
      %dma_wait3A_1127 = arith.constant 0 : i32
      %dma_wait3A_1128 = tpu.memref_slice %arg8[%mul3A_1101, %dma_wait3A_1127] : memref<512x32xi32, #tpu.memory_space<hbm>> -> memref<8x32xi32, #tpu.memory_space<hbm>>
      %dma_wait3A_1129 = arith.constant 0 : i32
      %dma_wait3A_1130 = tpu.memref_slice %arg8[%mul3A_1101, %dma_wait3A_1129] : memref<512x32xi32, #tpu.memory_space<hbm>> -> memref<8x32xi32, #tpu.memory_space<hbm>>
      %dma_wait3A_1131 = arith.constant 0 : i32
      %dma_wait3A_1132 = arith.constant 0 : i32
      %dma_wait3A_1133 = tpu.memref_slice %arg12[%dma_wait3A_1131, %dma_wait3A_1132] : memref<16x32xi32, #tpu.memory_space<vmem>> -> memref<8x32xi32, #tpu.memory_space<vmem>>
      tpu.wait_dma2 semaphore(%run_scoped3A : memref<!tpu.dma_semaphore, #tpu.memory_space<semaphore_mem>>) src(%dma_wait3A_1133 : memref<8x32xi32, #tpu.memory_space<vmem>>) dst(%dma_wait3A_1130 : memref<8x32xi32, #tpu.memory_space<hbm>>)
      tpu.yield
    }) : () -> ()
    %swap3A_1102 = arith.constant 1 : i32
    %swap3A_1103 = arith.index_cast %swap3A_1102 : i32 to index
    %swap3A_1104 = arith.constant 0 : index
    %swap3A_1105 = tpu.vector_load %arg14[%swap3A_1103, %swap3A_1104] {strides = array<i32>} : memref<8x16xf32, #tpu.memory_space<vmem>>, vector<16xf32>,
    tpu.vector_store %arg14[%swap3A_1103, %swap3A_1104], %select_n3A_1034 {strides = array<i32>} : memref<8x16xf32, #tpu.memory_space<vmem>>, vector<16xf32>,
    %swap3A_1106 = arith.constant 1 : i32
    %swap3A_1107 = arith.index_cast %swap3A_1106 : i32 to index
    %swap3A_1108 = arith.constant 0 : index
    %swap3A_1109 = tpu.vector_load %arg15[%swap3A_1107, %swap3A_1108] {strides = array<i32>} : memref<8x16xi32, #tpu.memory_space<vmem>>, vector<16xi32>,
    tpu.vector_store %arg15[%swap3A_1107, %swap3A_1108], %sub3A_1081 {strides = array<i32>} : memref<8x16xi32, #tpu.memory_space<vmem>>, vector<16xi32>,
    %mul3A_1110 = arith.constant 8 : i32
    %mul3A_1111 = arith.muli %add3A, %mul3A_1110 : i32
    "tpu.region"() ({
      %run_scoped3A = tpu.sem_alloc : memref<!tpu.dma_semaphore, #tpu.memory_space<semaphore_mem>>
      %dma_start3A_1114 = arith.constant 0 : i32
      %dma_start3A_1115 = tpu.memref_slice %arg6[%mul3A_1111, %dma_start3A_1114] : memref<256x16xf32, #tpu.memory_space<hbm>> -> memref<8x16xf32, #tpu.memory_space<hbm>>
      %dma_start3A_1116 = arith.constant 0 : i32
      %dma_start3A_1117 = tpu.memref_slice %arg6[%mul3A_1111, %dma_start3A_1116] : memref<256x16xf32, #tpu.memory_space<hbm>> -> memref<8x16xf32, #tpu.memory_space<hbm>>
      tpu.enqueue_dma source(%arg14 : memref<8x16xf32, #tpu.memory_space<vmem>>) target(%dma_start3A_1117 : memref<8x16xf32, #tpu.memory_space<hbm>>) target_semaphore(%run_scoped3A : memref<!tpu.dma_semaphore, #tpu.memory_space<semaphore_mem>>)
      %dma_wait3A_1118 = arith.constant 0 : i32
      %dma_wait3A_1119 = tpu.memref_slice %arg6[%mul3A_1111, %dma_wait3A_1118] : memref<256x16xf32, #tpu.memory_space<hbm>> -> memref<8x16xf32, #tpu.memory_space<hbm>>
      %dma_wait3A_1120 = arith.constant 0 : i32
      %dma_wait3A_1121 = tpu.memref_slice %arg6[%mul3A_1111, %dma_wait3A_1120] : memref<256x16xf32, #tpu.memory_space<hbm>> -> memref<8x16xf32, #tpu.memory_space<hbm>>
      tpu.wait_dma2 semaphore(%run_scoped3A : memref<!tpu.dma_semaphore, #tpu.memory_space<semaphore_mem>>) src(%arg14 : memref<8x16xf32, #tpu.memory_space<vmem>>) dst(%dma_wait3A_1121 : memref<8x16xf32, #tpu.memory_space<hbm>>)
      tpu.yield
    }) : () -> ()
    %mul3A_1112 = arith.constant 8 : i32
    %mul3A_1113 = arith.muli %add3A, %mul3A_1112 : i32
    "tpu.region"() ({
      %run_scoped3A = tpu.sem_alloc : memref<!tpu.dma_semaphore, #tpu.memory_space<semaphore_mem>>
      %dma_start3A_1114 = arith.constant 0 : i32
      %dma_start3A_1115 = tpu.memref_slice %arg7[%mul3A_1113, %dma_start3A_1114] : memref<256x16xi32, #tpu.memory_space<hbm>> -> memref<8x16xi32, #tpu.memory_space<hbm>>
      %dma_start3A_1116 = arith.constant 0 : i32
      %dma_start3A_1117 = tpu.memref_slice %arg7[%mul3A_1113, %dma_start3A_1116] : memref<256x16xi32, #tpu.memory_space<hbm>> -> memref<8x16xi32, #tpu.memory_space<hbm>>
      tpu.enqueue_dma source(%arg15 : memref<8x16xi32, #tpu.memory_space<vmem>>) target(%dma_start3A_1117 : memref<8x16xi32, #tpu.memory_space<hbm>>) target_semaphore(%run_scoped3A : memref<!tpu.dma_semaphore, #tpu.memory_space<semaphore_mem>>)
      %dma_wait3A_1118 = arith.constant 0 : i32
      %dma_wait3A_1119 = tpu.memref_slice %arg7[%mul3A_1113, %dma_wait3A_1118] : memref<256x16xi32, #tpu.memory_space<hbm>> -> memref<8x16xi32, #tpu.memory_space<hbm>>
      %dma_wait3A_1120 = arith.constant 0 : i32
      %dma_wait3A_1121 = tpu.memref_slice %arg7[%mul3A_1113, %dma_wait3A_1120] : memref<256x16xi32, #tpu.memory_space<hbm>> -> memref<8x16xi32, #tpu.memory_space<hbm>>
      tpu.wait_dma2 semaphore(%run_scoped3A : memref<!tpu.dma_semaphore, #tpu.memory_space<semaphore_mem>>) src(%arg15 : memref<8x16xi32, #tpu.memory_space<vmem>>) dst(%dma_wait3A_1121 : memref<8x16xi32, #tpu.memory_space<hbm>>)
      tpu.yield
    }) : () -> ()
    return
  }
}

module attributes {stable_mosaic.version = 14 : i64} {
  func.func @_rowtopk_body(%arg0: i32, %arg1: memref<8x100000xf32, #tpu.memory_space<vmem>>, %arg2: memref<8x1xf32, #tpu.memory_space<vmem>>, %arg3: memref<8x1xf32, #tpu.memory_space<vmem>>, %arg4: memref<8x1xf32, #tpu.memory_space<vmem>>, %arg5: memref<8x8xf32, #tpu.memory_space<vmem>>, %arg6: memref<8x8xi32, #tpu.memory_space<vmem>>, %arg7: memref<8x8xf32, #tpu.memory_space<vmem>>) attributes {dimension_semantics = [#tpu.dimension_semantics<arbitrary>], iteration_bounds = array<i64: 40>, scalar_prefetch = 0 : i64, scratch_operands = 0 : i64, tpu.core_type = #tpu.core_type<tc>, window_params = [{transform_indices = @transform_0, window_bounds = array<i64: 8, 100000>}, {transform_indices = @transform_1, window_bounds = array<i64: 8, 1>}, {transform_indices = @transform_2, window_bounds = array<i64: 8, 1>}, {transform_indices = @transform_3, window_bounds = array<i64: 8, 1>}, {transform_indices = @transform_4, window_bounds = array<i64: 8, 8>}, {transform_indices = @transform_5, window_bounds = array<i64: 8, 8>}, {transform_indices = @transform_6, window_bounds = array<i64: 8, 8>}]} {
    %get3A = arith.constant 0 : index
    %get3A_0 = arith.constant 0 : index
    %get3A_1 = vector.load %arg1[%get3A, %get3A_0] : memref<8x100000xf32, #tpu.memory_space<vmem>>, vector<8x100000xf32>
    %slice3A = vector.extract_strided_slice %get3A_1 {offsets = [0, 0], sizes = [8, 24960], strides = [1, 1]} : vector<8x100000xf32> to vector<8x24960xf32>
    %reduce_max3A = arith.constant dense<0xFF800000> : vector<8xf32>
    %reduce_max3A_2 = vector.multi_reduction <maximumf>, %slice3A, %reduce_max3A [1] : vector<8x24960xf32> to vector<8xf32>
    %broadcast_in_dim3A = vector.shape_cast %reduce_max3A_2 : vector<8xf32> to vector<8x1xf32>
    %argmax3A = tpu.reduce_index %slice3A {axis = 1 : i32, kind = #tpu.reduction_kind<arg_max>} : vector<8x24960xf32> -> vector<8xi32>
    %broadcast_in_dim3A_3 = vector.shape_cast %argmax3A : vector<8xi32> to vector<8x1xi32>
    %add3A = arith.constant 0 : i32
    %add3A_4 = vector.broadcast %add3A : i32 to vector<8x1xi32>
    %add3A_5 = arith.addi %broadcast_in_dim3A_3, %add3A_4 : vector<8x1xi32>
    %slice3A_6 = vector.extract_strided_slice %get3A_1 {offsets = [0, 24960], sizes = [8, 24960], strides = [1, 1]} : vector<8x100000xf32> to vector<8x24960xf32>
    %reduce_max3A_7 = arith.constant dense<0xFF800000> : vector<8xf32>
    %reduce_max3A_8 = vector.multi_reduction <maximumf>, %slice3A_6, %reduce_max3A_7 [1] : vector<8x24960xf32> to vector<8xf32>
    %broadcast_in_dim3A_9 = vector.shape_cast %reduce_max3A_8 : vector<8xf32> to vector<8x1xf32>
    %argmax3A_10 = tpu.reduce_index %slice3A_6 {axis = 1 : i32, kind = #tpu.reduction_kind<arg_max>} : vector<8x24960xf32> -> vector<8xi32>
    %broadcast_in_dim3A_11 = vector.shape_cast %argmax3A_10 : vector<8xi32> to vector<8x1xi32>
    %add3A_12 = arith.constant 24960 : i32
    %add3A_13 = vector.broadcast %add3A_12 : i32 to vector<8x1xi32>
    %add3A_14 = arith.addi %broadcast_in_dim3A_11, %add3A_13 : vector<8x1xi32>
    %slice3A_15 = vector.extract_strided_slice %get3A_1 {offsets = [0, 49920], sizes = [8, 24960], strides = [1, 1]} : vector<8x100000xf32> to vector<8x24960xf32>
    %reduce_max3A_16 = arith.constant dense<0xFF800000> : vector<8xf32>
    %reduce_max3A_17 = vector.multi_reduction <maximumf>, %slice3A_15, %reduce_max3A_16 [1] : vector<8x24960xf32> to vector<8xf32>
    %broadcast_in_dim3A_18 = vector.shape_cast %reduce_max3A_17 : vector<8xf32> to vector<8x1xf32>
    %argmax3A_19 = tpu.reduce_index %slice3A_15 {axis = 1 : i32, kind = #tpu.reduction_kind<arg_max>} : vector<8x24960xf32> -> vector<8xi32>
    %broadcast_in_dim3A_20 = vector.shape_cast %argmax3A_19 : vector<8xi32> to vector<8x1xi32>
    %add3A_21 = arith.constant 49920 : i32
    %add3A_22 = vector.broadcast %add3A_21 : i32 to vector<8x1xi32>
    %add3A_23 = arith.addi %broadcast_in_dim3A_20, %add3A_22 : vector<8x1xi32>
    %slice3A_24 = vector.extract_strided_slice %get3A_1 {offsets = [0, 74880], sizes = [8, 25120], strides = [1, 1]} : vector<8x100000xf32> to vector<8x25120xf32>
    %reduce_max3A_25 = arith.constant dense<0xFF800000> : vector<8xf32>
    %reduce_max3A_26 = vector.multi_reduction <maximumf>, %slice3A_24, %reduce_max3A_25 [1] : vector<8x25120xf32> to vector<8xf32>
    %broadcast_in_dim3A_27 = vector.shape_cast %reduce_max3A_26 : vector<8xf32> to vector<8x1xf32>
    %argmax3A_28 = tpu.reduce_index %slice3A_24 {axis = 1 : i32, kind = #tpu.reduction_kind<arg_max>} : vector<8x25120xf32> -> vector<8xi32>
    %broadcast_in_dim3A_29 = vector.shape_cast %argmax3A_28 : vector<8xi32> to vector<8x1xi32>
    %add3A_30 = arith.constant 74880 : i32
    %add3A_31 = vector.broadcast %add3A_30 : i32 to vector<8x1xi32>
    %add3A_32 = arith.addi %broadcast_in_dim3A_29, %add3A_31 : vector<8x1xi32>
    %gt3A = arith.cmpf ogt, %broadcast_in_dim3A_9, %broadcast_in_dim3A : vector<8x1xf32>
    %select_n3A = arith.select %gt3A, %add3A_14, %add3A_5 : vector<8x1xi1>, vector<8x1xi32>
    %select_n3A_33 = arith.select %gt3A, %broadcast_in_dim3A_9, %broadcast_in_dim3A : vector<8x1xi1>, vector<8x1xf32>
    %gt3A_34 = arith.cmpf ogt, %broadcast_in_dim3A_18, %select_n3A_33 : vector<8x1xf32>
    %select_n3A_35 = arith.select %gt3A_34, %add3A_23, %select_n3A : vector<8x1xi1>, vector<8x1xi32>
    %select_n3A_36 = arith.select %gt3A_34, %broadcast_in_dim3A_18, %select_n3A_33 : vector<8x1xi1>, vector<8x1xf32>
    %gt3A_37 = arith.cmpf ogt, %broadcast_in_dim3A_27, %select_n3A_36 : vector<8x1xf32>
    %select_n3A_38 = arith.select %gt3A_37, %add3A_32, %select_n3A_35 : vector<8x1xi1>, vector<8x1xi32>
    %select_n3A_39 = arith.select %gt3A_37, %broadcast_in_dim3A_27, %select_n3A_36 : vector<8x1xi1>, vector<8x1xf32>
    %sub3A = vector.broadcast %select_n3A_39 : vector<8x1xf32> to vector<8x100000xf32>
    %sub3A_40 = arith.subf %get3A_1, %sub3A : vector<8x100000xf32>
    %exp3A = math.exp %sub3A_40 : vector<8x100000xf32>
    %reduce_sum3A = arith.constant dense<0.000000e+00> : vector<8xf32>
    %reduce_sum3A_41 = vector.multi_reduction <add>, %exp3A, %reduce_sum3A [1] : vector<8x100000xf32> to vector<8xf32>
    %broadcast_in_dim3A_42 = vector.shape_cast %reduce_sum3A_41 : vector<8xf32> to vector<8x1xf32>
    %get3A_43 = arith.constant 0 : index
    %get3A_44 = arith.constant 0 : index
    %get3A_45 = vector.load %arg2[%get3A_43, %get3A_44] : memref<8x1xf32, #tpu.memory_space<vmem>>, vector<8x1xf32>
    %get3A_46 = arith.constant 0 : index
    %get3A_47 = arith.constant 0 : index
    %get3A_48 = vector.load %arg3[%get3A_46, %get3A_47] : memref<8x1xf32, #tpu.memory_space<vmem>>, vector<8x1xf32>
    %add3A_49 = arith.constant 6.000000e+00 : f32
    %add3A_50 = vector.broadcast %add3A_49 : f32 to vector<8x1xf32>
    %add3A_51 = arith.addf %get3A_48, %add3A_50 : vector<8x1xf32>
    %div3A = arith.constant 6.000000e+00 : f32
    %div3A_52 = vector.broadcast %div3A : f32 to vector<8x1xf32>
    %div3A_53 = arith.divf %add3A_51, %div3A_52 : vector<8x1xf32>
    %pow3A = arith.constant 8.000000e-01 : f32
    %pow3A_54 = vector.broadcast %pow3A : f32 to vector<8x1xf32>
    %pow3A_55 = math.powf %div3A_53, %pow3A_54 : vector<8x1xf32>
    %sub3A_56 = arith.subf %get3A_45, %select_n3A_39 : vector<8x1xf32>
    %log3A = math.log %broadcast_in_dim3A_42 : vector<8x1xf32>
    %sub3A_57 = arith.subf %sub3A_56, %log3A : vector<8x1xf32>
    %get3A_58 = arith.constant 0 : index
    %get3A_59 = arith.constant 0 : index
    %get3A_60 = vector.load %arg4[%get3A_58, %get3A_59] : memref<8x1xf32, #tpu.memory_space<vmem>>, vector<8x1xf32>
    %broadcast_in_dim3A_61 = arith.constant 0.000000e+00 : f32
    %broadcast_in_dim3A_62 = vector.broadcast %broadcast_in_dim3A_61 : f32 to vector<8x4xf32>
    %concatenate3A = tpu.concatenate %sub3A_57, %pow3A_55, %get3A_45, %get3A_60, %broadcast_in_dim3A_62 in 1 : vector<8x1xf32>, vector<8x1xf32>, vector<8x1xf32>, vector<8x1xf32>, vector<8x4xf32> -> vector<8x8xf32>
    %swap3A = arith.constant 0 : index
    %swap3A_63 = arith.constant 0 : index
    %swap3A_64 = vector.load %arg7[%swap3A, %swap3A_63] : memref<8x8xf32, #tpu.memory_space<vmem>>, vector<8x8xf32>
    tpu.vector_store %arg7[%swap3A, %swap3A_63], %concatenate3A {strides = array<i32>} : memref<8x8xf32, #tpu.memory_space<vmem>>, vector<8x8xf32>,
    %iota3A = tpu.iota {dimensions = array<i32: 1>} : vector<1x128xi32>
    %slice3A_65 = vector.extract_strided_slice %select_n3A_38 {offsets = [0, 0], sizes = [1, 1], strides = [1, 1]} : vector<8x1xi32> to vector<1x1xi32>
    %squeeze3A = vector.extract %slice3A_65[0, 0] : i32 from vector<1x1xi32>
    %jit3A = arith.constant 128 : i32
    %div3A_66 = arith.divsi %squeeze3A, %jit3A : i32
    %sign3A = arith.constant 0 : i32
    %sign3A_67 = arith.cmpi sgt, %squeeze3A, %sign3A : i32
    %sign3A_68 = arith.extui %sign3A_67 : i1 to i32
    %sign3A_69 = arith.constant 0 : i32
    %sign3A_70 = arith.cmpi slt, %squeeze3A, %sign3A_69 : i32
    %sign3A_71 = arith.extui %sign3A_70 : i1 to i32
    %sign3A_72 = arith.subi %sign3A_68, %sign3A_71 : i32
    %sign3A_73 = arith.constant 0 : i32
    %sign3A_74 = arith.cmpi sgt, %jit3A, %sign3A_73 : i32
    %sign3A_75 = arith.extui %sign3A_74 : i1 to i32
    %sign3A_76 = arith.constant 0 : i32
    %sign3A_77 = arith.cmpi slt, %jit3A, %sign3A_76 : i32
    %sign3A_78 = arith.extui %sign3A_77 : i1 to i32
    %sign3A_79 = arith.subi %sign3A_75, %sign3A_78 : i32
    %ne3A = arith.cmpi ne, %sign3A_72, %sign3A_79 : i32
    %rem3A = arith.remsi %squeeze3A, %jit3A : i32
    %ne3A_80 = arith.constant 0 : i32
    %ne3A_81 = arith.cmpi ne, %rem3A, %ne3A_80 : i32
    %and3A = arith.andi %ne3A, %ne3A_81 : i1
    %sub3A_82 = arith.constant 1 : i32
    %sub3A_83 = arith.subi %div3A_66, %sub3A_82 : i32
    %select_n3A_84 = arith.select %and3A, %sub3A_83, %div3A_66 : i32
    %mul3A = arith.constant 128 : i32
    %mul3A_85 = arith.muli %select_n3A_84, %mul3A : i32
    %multiple_of3A = tpu.assume_multiple %mul3A_85, 128 : i32
    %sub3A_86 = arith.subi %squeeze3A, %multiple_of3A : i32
    %get3A_87 = arith.constant 0 : index
    %get3A_88 = arith.index_cast %multiple_of3A : i32 to index
    %get3A_89 = vector.load %arg1[%get3A_87, %get3A_88] : memref<8x100000xf32, #tpu.memory_space<vmem>>, vector<1x128xf32>
    %eq3A = vector.broadcast %sub3A_86 : i32 to vector<1x128xi32>
    %eq3A_90 = arith.cmpi eq, %iota3A, %eq3A : vector<1x128xi32>
    %jit3A_91 = arith.constant 0xFF800000 : f32
    %broadcast_in_dim3A_92 = vector.broadcast %jit3A_91 : f32 to vector<1x128xf32>
    %select_n3A_93 = arith.select %eq3A_90, %broadcast_in_dim3A_92, %get3A_89 : vector<1x128xi1>, vector<1x128xf32>
    %swap3A_94 = arith.constant 0 : index
    %swap3A_95 = arith.index_cast %multiple_of3A : i32 to index
    %swap3A_96 = vector.load %arg1[%swap3A_94, %swap3A_95] : memref<8x100000xf32, #tpu.memory_space<vmem>>, vector<1x128xf32>
    tpu.vector_store %arg1[%swap3A_94, %swap3A_95], %select_n3A_93 {strides = array<i32>} : memref<8x100000xf32, #tpu.memory_space<vmem>>, vector<1x128xf32>,
    %slice3A_97 = vector.extract_strided_slice %select_n3A_38 {offsets = [1, 0], sizes = [1, 1], strides = [1, 1]} : vector<8x1xi32> to vector<1x1xi32>
    %squeeze3A_98 = vector.extract %slice3A_97[0, 0] : i32 from vector<1x1xi32>
    %jit3A_99 = arith.constant 128 : i32
    %div3A_100 = arith.divsi %squeeze3A_98, %jit3A_99 : i32
    %sign3A_101 = arith.constant 0 : i32
    %sign3A_102 = arith.cmpi sgt, %squeeze3A_98, %sign3A_101 : i32
    %sign3A_103 = arith.extui %sign3A_102 : i1 to i32
    %sign3A_104 = arith.constant 0 : i32
    %sign3A_105 = arith.cmpi slt, %squeeze3A_98, %sign3A_104 : i32
    %sign3A_106 = arith.extui %sign3A_105 : i1 to i32
    %sign3A_107 = arith.subi %sign3A_103, %sign3A_106 : i32
    %sign3A_108 = arith.constant 0 : i32
    %sign3A_109 = arith.cmpi sgt, %jit3A_99, %sign3A_108 : i32
    %sign3A_110 = arith.extui %sign3A_109 : i1 to i32
    %sign3A_111 = arith.constant 0 : i32
    %sign3A_112 = arith.cmpi slt, %jit3A_99, %sign3A_111 : i32
    %sign3A_113 = arith.extui %sign3A_112 : i1 to i32
    %sign3A_114 = arith.subi %sign3A_110, %sign3A_113 : i32
    %ne3A_115 = arith.cmpi ne, %sign3A_107, %sign3A_114 : i32
    %rem3A_116 = arith.remsi %squeeze3A_98, %jit3A_99 : i32
    %ne3A_117 = arith.constant 0 : i32
    %ne3A_118 = arith.cmpi ne, %rem3A_116, %ne3A_117 : i32
    %and3A_119 = arith.andi %ne3A_115, %ne3A_118 : i1
    %sub3A_120 = arith.constant 1 : i32
    %sub3A_121 = arith.subi %div3A_100, %sub3A_120 : i32
    %select_n3A_122 = arith.select %and3A_119, %sub3A_121, %div3A_100 : i32
    %mul3A_123 = arith.constant 128 : i32
    %mul3A_124 = arith.muli %select_n3A_122, %mul3A_123 : i32
    %multiple_of3A_125 = tpu.assume_multiple %mul3A_124, 128 : i32
    %sub3A_126 = arith.subi %squeeze3A_98, %multiple_of3A_125 : i32
    %get3A_127 = arith.constant 1 : index
    %get3A_128 = arith.index_cast %multiple_of3A_125 : i32 to index
    %get3A_129 = vector.load %arg1[%get3A_127, %get3A_128] : memref<8x100000xf32, #tpu.memory_space<vmem>>, vector<1x128xf32>
    %eq3A_130 = vector.broadcast %sub3A_126 : i32 to vector<1x128xi32>
    %eq3A_131 = arith.cmpi eq, %iota3A, %eq3A_130 : vector<1x128xi32>
    %jit3A_132 = arith.constant 0xFF800000 : f32
    %broadcast_in_dim3A_133 = vector.broadcast %jit3A_132 : f32 to vector<1x128xf32>
    %select_n3A_134 = arith.select %eq3A_131, %broadcast_in_dim3A_133, %get3A_129 : vector<1x128xi1>, vector<1x128xf32>
    %swap3A_135 = arith.constant 1 : index
    %swap3A_136 = arith.index_cast %multiple_of3A_125 : i32 to index
    %swap3A_137 = vector.load %arg1[%swap3A_135, %swap3A_136] : memref<8x100000xf32, #tpu.memory_space<vmem>>, vector<1x128xf32>
    tpu.vector_store %arg1[%swap3A_135, %swap3A_136], %select_n3A_134 {strides = array<i32>} : memref<8x100000xf32, #tpu.memory_space<vmem>>, vector<1x128xf32>,
    %slice3A_138 = vector.extract_strided_slice %select_n3A_38 {offsets = [2, 0], sizes = [1, 1], strides = [1, 1]} : vector<8x1xi32> to vector<1x1xi32>
    %squeeze3A_139 = vector.extract %slice3A_138[0, 0] : i32 from vector<1x1xi32>
    %jit3A_140 = arith.constant 128 : i32
    %div3A_141 = arith.divsi %squeeze3A_139, %jit3A_140 : i32
    %sign3A_142 = arith.constant 0 : i32
    %sign3A_143 = arith.cmpi sgt, %squeeze3A_139, %sign3A_142 : i32
    %sign3A_144 = arith.extui %sign3A_143 : i1 to i32
    %sign3A_145 = arith.constant 0 : i32
    %sign3A_146 = arith.cmpi slt, %squeeze3A_139, %sign3A_145 : i32
    %sign3A_147 = arith.extui %sign3A_146 : i1 to i32
    %sign3A_148 = arith.subi %sign3A_144, %sign3A_147 : i32
    %sign3A_149 = arith.constant 0 : i32
    %sign3A_150 = arith.cmpi sgt, %jit3A_140, %sign3A_149 : i32
    %sign3A_151 = arith.extui %sign3A_150 : i1 to i32
    %sign3A_152 = arith.constant 0 : i32
    %sign3A_153 = arith.cmpi slt, %jit3A_140, %sign3A_152 : i32
    %sign3A_154 = arith.extui %sign3A_153 : i1 to i32
    %sign3A_155 = arith.subi %sign3A_151, %sign3A_154 : i32
    %ne3A_156 = arith.cmpi ne, %sign3A_148, %sign3A_155 : i32
    %rem3A_157 = arith.remsi %squeeze3A_139, %jit3A_140 : i32
    %ne3A_158 = arith.constant 0 : i32
    %ne3A_159 = arith.cmpi ne, %rem3A_157, %ne3A_158 : i32
    %and3A_160 = arith.andi %ne3A_156, %ne3A_159 : i1
    %sub3A_161 = arith.constant 1 : i32
    %sub3A_162 = arith.subi %div3A_141, %sub3A_161 : i32
    %select_n3A_163 = arith.select %and3A_160, %sub3A_162, %div3A_141 : i32
    %mul3A_164 = arith.constant 128 : i32
    %mul3A_165 = arith.muli %select_n3A_163, %mul3A_164 : i32
    %multiple_of3A_166 = tpu.assume_multiple %mul3A_165, 128 : i32
    %sub3A_167 = arith.subi %squeeze3A_139, %multiple_of3A_166 : i32
    %get3A_168 = arith.constant 2 : index
    %get3A_169 = arith.index_cast %multiple_of3A_166 : i32 to index
    %get3A_170 = vector.load %arg1[%get3A_168, %get3A_169] : memref<8x100000xf32, #tpu.memory_space<vmem>>, vector<1x128xf32>
    %eq3A_171 = vector.broadcast %sub3A_167 : i32 to vector<1x128xi32>
    %eq3A_172 = arith.cmpi eq, %iota3A, %eq3A_171 : vector<1x128xi32>
    %jit3A_173 = arith.constant 0xFF800000 : f32
    %broadcast_in_dim3A_174 = vector.broadcast %jit3A_173 : f32 to vector<1x128xf32>
    %select_n3A_175 = arith.select %eq3A_172, %broadcast_in_dim3A_174, %get3A_170 : vector<1x128xi1>, vector<1x128xf32>
    %swap3A_176 = arith.constant 2 : index
    %swap3A_177 = arith.index_cast %multiple_of3A_166 : i32 to index
    %swap3A_178 = vector.load %arg1[%swap3A_176, %swap3A_177] : memref<8x100000xf32, #tpu.memory_space<vmem>>, vector<1x128xf32>
    tpu.vector_store %arg1[%swap3A_176, %swap3A_177], %select_n3A_175 {strides = array<i32>} : memref<8x100000xf32, #tpu.memory_space<vmem>>, vector<1x128xf32>,
    %slice3A_179 = vector.extract_strided_slice %select_n3A_38 {offsets = [3, 0], sizes = [1, 1], strides = [1, 1]} : vector<8x1xi32> to vector<1x1xi32>
    %squeeze3A_180 = vector.extract %slice3A_179[0, 0] : i32 from vector<1x1xi32>
    %jit3A_181 = arith.constant 128 : i32
    %div3A_182 = arith.divsi %squeeze3A_180, %jit3A_181 : i32
    %sign3A_183 = arith.constant 0 : i32
    %sign3A_184 = arith.cmpi sgt, %squeeze3A_180, %sign3A_183 : i32
    %sign3A_185 = arith.extui %sign3A_184 : i1 to i32
    %sign3A_186 = arith.constant 0 : i32
    %sign3A_187 = arith.cmpi slt, %squeeze3A_180, %sign3A_186 : i32
    %sign3A_188 = arith.extui %sign3A_187 : i1 to i32
    %sign3A_189 = arith.subi %sign3A_185, %sign3A_188 : i32
    %sign3A_190 = arith.constant 0 : i32
    %sign3A_191 = arith.cmpi sgt, %jit3A_181, %sign3A_190 : i32
    %sign3A_192 = arith.extui %sign3A_191 : i1 to i32
    %sign3A_193 = arith.constant 0 : i32
    %sign3A_194 = arith.cmpi slt, %jit3A_181, %sign3A_193 : i32
    %sign3A_195 = arith.extui %sign3A_194 : i1 to i32
    %sign3A_196 = arith.subi %sign3A_192, %sign3A_195 : i32
    %ne3A_197 = arith.cmpi ne, %sign3A_189, %sign3A_196 : i32
    %rem3A_198 = arith.remsi %squeeze3A_180, %jit3A_181 : i32
    %ne3A_199 = arith.constant 0 : i32
    %ne3A_200 = arith.cmpi ne, %rem3A_198, %ne3A_199 : i32
    %and3A_201 = arith.andi %ne3A_197, %ne3A_200 : i1
    %sub3A_202 = arith.constant 1 : i32
    %sub3A_203 = arith.subi %div3A_182, %sub3A_202 : i32
    %select_n3A_204 = arith.select %and3A_201, %sub3A_203, %div3A_182 : i32
    %mul3A_205 = arith.constant 128 : i32
    %mul3A_206 = arith.muli %select_n3A_204, %mul3A_205 : i32
    %multiple_of3A_207 = tpu.assume_multiple %mul3A_206, 128 : i32
    %sub3A_208 = arith.subi %squeeze3A_180, %multiple_of3A_207 : i32
    %get3A_209 = arith.constant 3 : index
    %get3A_210 = arith.index_cast %multiple_of3A_207 : i32 to index
    %get3A_211 = vector.load %arg1[%get3A_209, %get3A_210] : memref<8x100000xf32, #tpu.memory_space<vmem>>, vector<1x128xf32>
    %eq3A_212 = vector.broadcast %sub3A_208 : i32 to vector<1x128xi32>
    %eq3A_213 = arith.cmpi eq, %iota3A, %eq3A_212 : vector<1x128xi32>
    %jit3A_214 = arith.constant 0xFF800000 : f32
    %broadcast_in_dim3A_215 = vector.broadcast %jit3A_214 : f32 to vector<1x128xf32>
    %select_n3A_216 = arith.select %eq3A_213, %broadcast_in_dim3A_215, %get3A_211 : vector<1x128xi1>, vector<1x128xf32>
    %swap3A_217 = arith.constant 3 : index
    %swap3A_218 = arith.index_cast %multiple_of3A_207 : i32 to index
    %swap3A_219 = vector.load %arg1[%swap3A_217, %swap3A_218] : memref<8x100000xf32, #tpu.memory_space<vmem>>, vector<1x128xf32>
    tpu.vector_store %arg1[%swap3A_217, %swap3A_218], %select_n3A_216 {strides = array<i32>} : memref<8x100000xf32, #tpu.memory_space<vmem>>, vector<1x128xf32>,
    %slice3A_220 = vector.extract_strided_slice %select_n3A_38 {offsets = [4, 0], sizes = [1, 1], strides = [1, 1]} : vector<8x1xi32> to vector<1x1xi32>
    %squeeze3A_221 = vector.extract %slice3A_220[0, 0] : i32 from vector<1x1xi32>
    %jit3A_222 = arith.constant 128 : i32
    %div3A_223 = arith.divsi %squeeze3A_221, %jit3A_222 : i32
    %sign3A_224 = arith.constant 0 : i32
    %sign3A_225 = arith.cmpi sgt, %squeeze3A_221, %sign3A_224 : i32
    %sign3A_226 = arith.extui %sign3A_225 : i1 to i32
    %sign3A_227 = arith.constant 0 : i32
    %sign3A_228 = arith.cmpi slt, %squeeze3A_221, %sign3A_227 : i32
    %sign3A_229 = arith.extui %sign3A_228 : i1 to i32
    %sign3A_230 = arith.subi %sign3A_226, %sign3A_229 : i32
    %sign3A_231 = arith.constant 0 : i32
    %sign3A_232 = arith.cmpi sgt, %jit3A_222, %sign3A_231 : i32
    %sign3A_233 = arith.extui %sign3A_232 : i1 to i32
    %sign3A_234 = arith.constant 0 : i32
    %sign3A_235 = arith.cmpi slt, %jit3A_222, %sign3A_234 : i32
    %sign3A_236 = arith.extui %sign3A_235 : i1 to i32
    %sign3A_237 = arith.subi %sign3A_233, %sign3A_236 : i32
    %ne3A_238 = arith.cmpi ne, %sign3A_230, %sign3A_237 : i32
    %rem3A_239 = arith.remsi %squeeze3A_221, %jit3A_222 : i32
    %ne3A_240 = arith.constant 0 : i32
    %ne3A_241 = arith.cmpi ne, %rem3A_239, %ne3A_240 : i32
    %and3A_242 = arith.andi %ne3A_238, %ne3A_241 : i1
    %sub3A_243 = arith.constant 1 : i32
    %sub3A_244 = arith.subi %div3A_223, %sub3A_243 : i32
    %select_n3A_245 = arith.select %and3A_242, %sub3A_244, %div3A_223 : i32
    %mul3A_246 = arith.constant 128 : i32
    %mul3A_247 = arith.muli %select_n3A_245, %mul3A_246 : i32
    %multiple_of3A_248 = tpu.assume_multiple %mul3A_247, 128 : i32
    %sub3A_249 = arith.subi %squeeze3A_221, %multiple_of3A_248 : i32
    %get3A_250 = arith.constant 4 : index
    %get3A_251 = arith.index_cast %multiple_of3A_248 : i32 to index
    %get3A_252 = vector.load %arg1[%get3A_250, %get3A_251] : memref<8x100000xf32, #tpu.memory_space<vmem>>, vector<1x128xf32>
    %eq3A_253 = vector.broadcast %sub3A_249 : i32 to vector<1x128xi32>
    %eq3A_254 = arith.cmpi eq, %iota3A, %eq3A_253 : vector<1x128xi32>
    %jit3A_255 = arith.constant 0xFF800000 : f32
    %broadcast_in_dim3A_256 = vector.broadcast %jit3A_255 : f32 to vector<1x128xf32>
    %select_n3A_257 = arith.select %eq3A_254, %broadcast_in_dim3A_256, %get3A_252 : vector<1x128xi1>, vector<1x128xf32>
    %swap3A_258 = arith.constant 4 : index
    %swap3A_259 = arith.index_cast %multiple_of3A_248 : i32 to index
    %swap3A_260 = vector.load %arg1[%swap3A_258, %swap3A_259] : memref<8x100000xf32, #tpu.memory_space<vmem>>, vector<1x128xf32>
    tpu.vector_store %arg1[%swap3A_258, %swap3A_259], %select_n3A_257 {strides = array<i32>} : memref<8x100000xf32, #tpu.memory_space<vmem>>, vector<1x128xf32>,
    %slice3A_261 = vector.extract_strided_slice %select_n3A_38 {offsets = [5, 0], sizes = [1, 1], strides = [1, 1]} : vector<8x1xi32> to vector<1x1xi32>
    %squeeze3A_262 = vector.extract %slice3A_261[0, 0] : i32 from vector<1x1xi32>
    %jit3A_263 = arith.constant 128 : i32
    %div3A_264 = arith.divsi %squeeze3A_262, %jit3A_263 : i32
    %sign3A_265 = arith.constant 0 : i32
    %sign3A_266 = arith.cmpi sgt, %squeeze3A_262, %sign3A_265 : i32
    %sign3A_267 = arith.extui %sign3A_266 : i1 to i32
    %sign3A_268 = arith.constant 0 : i32
    %sign3A_269 = arith.cmpi slt, %squeeze3A_262, %sign3A_268 : i32
    %sign3A_270 = arith.extui %sign3A_269 : i1 to i32
    %sign3A_271 = arith.subi %sign3A_267, %sign3A_270 : i32
    %sign3A_272 = arith.constant 0 : i32
    %sign3A_273 = arith.cmpi sgt, %jit3A_263, %sign3A_272 : i32
    %sign3A_274 = arith.extui %sign3A_273 : i1 to i32
    %sign3A_275 = arith.constant 0 : i32
    %sign3A_276 = arith.cmpi slt, %jit3A_263, %sign3A_275 : i32
    %sign3A_277 = arith.extui %sign3A_276 : i1 to i32
    %sign3A_278 = arith.subi %sign3A_274, %sign3A_277 : i32
    %ne3A_279 = arith.cmpi ne, %sign3A_271, %sign3A_278 : i32
    %rem3A_280 = arith.remsi %squeeze3A_262, %jit3A_263 : i32
    %ne3A_281 = arith.constant 0 : i32
    %ne3A_282 = arith.cmpi ne, %rem3A_280, %ne3A_281 : i32
    %and3A_283 = arith.andi %ne3A_279, %ne3A_282 : i1
    %sub3A_284 = arith.constant 1 : i32
    %sub3A_285 = arith.subi %div3A_264, %sub3A_284 : i32
    %select_n3A_286 = arith.select %and3A_283, %sub3A_285, %div3A_264 : i32
    %mul3A_287 = arith.constant 128 : i32
    %mul3A_288 = arith.muli %select_n3A_286, %mul3A_287 : i32
    %multiple_of3A_289 = tpu.assume_multiple %mul3A_288, 128 : i32
    %sub3A_290 = arith.subi %squeeze3A_262, %multiple_of3A_289 : i32
    %get3A_291 = arith.constant 5 : index
    %get3A_292 = arith.index_cast %multiple_of3A_289 : i32 to index
    %get3A_293 = vector.load %arg1[%get3A_291, %get3A_292] : memref<8x100000xf32, #tpu.memory_space<vmem>>, vector<1x128xf32>
    %eq3A_294 = vector.broadcast %sub3A_290 : i32 to vector<1x128xi32>
    %eq3A_295 = arith.cmpi eq, %iota3A, %eq3A_294 : vector<1x128xi32>
    %jit3A_296 = arith.constant 0xFF800000 : f32
    %broadcast_in_dim3A_297 = vector.broadcast %jit3A_296 : f32 to vector<1x128xf32>
    %select_n3A_298 = arith.select %eq3A_295, %broadcast_in_dim3A_297, %get3A_293 : vector<1x128xi1>, vector<1x128xf32>
    %swap3A_299 = arith.constant 5 : index
    %swap3A_300 = arith.index_cast %multiple_of3A_289 : i32 to index
    %swap3A_301 = vector.load %arg1[%swap3A_299, %swap3A_300] : memref<8x100000xf32, #tpu.memory_space<vmem>>, vector<1x128xf32>
    tpu.vector_store %arg1[%swap3A_299, %swap3A_300], %select_n3A_298 {strides = array<i32>} : memref<8x100000xf32, #tpu.memory_space<vmem>>, vector<1x128xf32>,
    %slice3A_302 = vector.extract_strided_slice %select_n3A_38 {offsets = [6, 0], sizes = [1, 1], strides = [1, 1]} : vector<8x1xi32> to vector<1x1xi32>
    %squeeze3A_303 = vector.extract %slice3A_302[0, 0] : i32 from vector<1x1xi32>
    %jit3A_304 = arith.constant 128 : i32
    %div3A_305 = arith.divsi %squeeze3A_303, %jit3A_304 : i32
    %sign3A_306 = arith.constant 0 : i32
    %sign3A_307 = arith.cmpi sgt, %squeeze3A_303, %sign3A_306 : i32
    %sign3A_308 = arith.extui %sign3A_307 : i1 to i32
    %sign3A_309 = arith.constant 0 : i32
    %sign3A_310 = arith.cmpi slt, %squeeze3A_303, %sign3A_309 : i32
    %sign3A_311 = arith.extui %sign3A_310 : i1 to i32
    %sign3A_312 = arith.subi %sign3A_308, %sign3A_311 : i32
    %sign3A_313 = arith.constant 0 : i32
    %sign3A_314 = arith.cmpi sgt, %jit3A_304, %sign3A_313 : i32
    %sign3A_315 = arith.extui %sign3A_314 : i1 to i32
    %sign3A_316 = arith.constant 0 : i32
    %sign3A_317 = arith.cmpi slt, %jit3A_304, %sign3A_316 : i32
    %sign3A_318 = arith.extui %sign3A_317 : i1 to i32
    %sign3A_319 = arith.subi %sign3A_315, %sign3A_318 : i32
    %ne3A_320 = arith.cmpi ne, %sign3A_312, %sign3A_319 : i32
    %rem3A_321 = arith.remsi %squeeze3A_303, %jit3A_304 : i32
    %ne3A_322 = arith.constant 0 : i32
    %ne3A_323 = arith.cmpi ne, %rem3A_321, %ne3A_322 : i32
    %and3A_324 = arith.andi %ne3A_320, %ne3A_323 : i1
    %sub3A_325 = arith.constant 1 : i32
    %sub3A_326 = arith.subi %div3A_305, %sub3A_325 : i32
    %select_n3A_327 = arith.select %and3A_324, %sub3A_326, %div3A_305 : i32
    %mul3A_328 = arith.constant 128 : i32
    %mul3A_329 = arith.muli %select_n3A_327, %mul3A_328 : i32
    %multiple_of3A_330 = tpu.assume_multiple %mul3A_329, 128 : i32
    %sub3A_331 = arith.subi %squeeze3A_303, %multiple_of3A_330 : i32
    %get3A_332 = arith.constant 6 : index
    %get3A_333 = arith.index_cast %multiple_of3A_330 : i32 to index
    %get3A_334 = vector.load %arg1[%get3A_332, %get3A_333] : memref<8x100000xf32, #tpu.memory_space<vmem>>, vector<1x128xf32>
    %eq3A_335 = vector.broadcast %sub3A_331 : i32 to vector<1x128xi32>
    %eq3A_336 = arith.cmpi eq, %iota3A, %eq3A_335 : vector<1x128xi32>
    %jit3A_337 = arith.constant 0xFF800000 : f32
    %broadcast_in_dim3A_338 = vector.broadcast %jit3A_337 : f32 to vector<1x128xf32>
    %select_n3A_339 = arith.select %eq3A_336, %broadcast_in_dim3A_338, %get3A_334 : vector<1x128xi1>, vector<1x128xf32>
    %swap3A_340 = arith.constant 6 : index
    %swap3A_341 = arith.index_cast %multiple_of3A_330 : i32 to index
    %swap3A_342 = vector.load %arg1[%swap3A_340, %swap3A_341] : memref<8x100000xf32, #tpu.memory_space<vmem>>, vector<1x128xf32>
    tpu.vector_store %arg1[%swap3A_340, %swap3A_341], %select_n3A_339 {strides = array<i32>} : memref<8x100000xf32, #tpu.memory_space<vmem>>, vector<1x128xf32>,
    %slice3A_343 = vector.extract_strided_slice %select_n3A_38 {offsets = [7, 0], sizes = [1, 1], strides = [1, 1]} : vector<8x1xi32> to vector<1x1xi32>
    %squeeze3A_344 = vector.extract %slice3A_343[0, 0] : i32 from vector<1x1xi32>
    %jit3A_345 = arith.constant 128 : i32
    %div3A_346 = arith.divsi %squeeze3A_344, %jit3A_345 : i32
    %sign3A_347 = arith.constant 0 : i32
    %sign3A_348 = arith.cmpi sgt, %squeeze3A_344, %sign3A_347 : i32
    %sign3A_349 = arith.extui %sign3A_348 : i1 to i32
    %sign3A_350 = arith.constant 0 : i32
    %sign3A_351 = arith.cmpi slt, %squeeze3A_344, %sign3A_350 : i32
    %sign3A_352 = arith.extui %sign3A_351 : i1 to i32
    %sign3A_353 = arith.subi %sign3A_349, %sign3A_352 : i32
    %sign3A_354 = arith.constant 0 : i32
    %sign3A_355 = arith.cmpi sgt, %jit3A_345, %sign3A_354 : i32
    %sign3A_356 = arith.extui %sign3A_355 : i1 to i32
    %sign3A_357 = arith.constant 0 : i32
    %sign3A_358 = arith.cmpi slt, %jit3A_345, %sign3A_357 : i32
    %sign3A_359 = arith.extui %sign3A_358 : i1 to i32
    %sign3A_360 = arith.subi %sign3A_356, %sign3A_359 : i32
    %ne3A_361 = arith.cmpi ne, %sign3A_353, %sign3A_360 : i32
    %rem3A_362 = arith.remsi %squeeze3A_344, %jit3A_345 : i32
    %ne3A_363 = arith.constant 0 : i32
    %ne3A_364 = arith.cmpi ne, %rem3A_362, %ne3A_363 : i32
    %and3A_365 = arith.andi %ne3A_361, %ne3A_364 : i1
    %sub3A_366 = arith.constant 1 : i32
    %sub3A_367 = arith.subi %div3A_346, %sub3A_366 : i32
    %select_n3A_368 = arith.select %and3A_365, %sub3A_367, %div3A_346 : i32
    %mul3A_369 = arith.constant 128 : i32
    %mul3A_370 = arith.muli %select_n3A_368, %mul3A_369 : i32
    %multiple_of3A_371 = tpu.assume_multiple %mul3A_370, 128 : i32
    %sub3A_372 = arith.subi %squeeze3A_344, %multiple_of3A_371 : i32
    %get3A_373 = arith.constant 7 : index
    %get3A_374 = arith.index_cast %multiple_of3A_371 : i32 to index
    %get3A_375 = vector.load %arg1[%get3A_373, %get3A_374] : memref<8x100000xf32, #tpu.memory_space<vmem>>, vector<1x128xf32>
    %eq3A_376 = vector.broadcast %sub3A_372 : i32 to vector<1x128xi32>
    %eq3A_377 = arith.cmpi eq, %iota3A, %eq3A_376 : vector<1x128xi32>
    %jit3A_378 = arith.constant 0xFF800000 : f32
    %broadcast_in_dim3A_379 = vector.broadcast %jit3A_378 : f32 to vector<1x128xf32>
    %select_n3A_380 = arith.select %eq3A_377, %broadcast_in_dim3A_379, %get3A_375 : vector<1x128xi1>, vector<1x128xf32>
    %swap3A_381 = arith.constant 7 : index
    %swap3A_382 = arith.index_cast %multiple_of3A_371 : i32 to index
    %swap3A_383 = vector.load %arg1[%swap3A_381, %swap3A_382] : memref<8x100000xf32, #tpu.memory_space<vmem>>, vector<1x128xf32>
    tpu.vector_store %arg1[%swap3A_381, %swap3A_382], %select_n3A_380 {strides = array<i32>} : memref<8x100000xf32, #tpu.memory_space<vmem>>, vector<1x128xf32>,
    %get3A_384 = arith.constant 0 : index
    %get3A_385 = arith.constant 0 : index
    %get3A_386 = vector.load %arg1[%get3A_384, %get3A_385] : memref<8x100000xf32, #tpu.memory_space<vmem>>, vector<8x100000xf32>
    %slice3A_387 = vector.extract_strided_slice %get3A_386 {offsets = [0, 0], sizes = [8, 24960], strides = [1, 1]} : vector<8x100000xf32> to vector<8x24960xf32>
    %reduce_max3A_388 = arith.constant dense<0xFF800000> : vector<8xf32>
    %reduce_max3A_389 = vector.multi_reduction <maximumf>, %slice3A_387, %reduce_max3A_388 [1] : vector<8x24960xf32> to vector<8xf32>
    %broadcast_in_dim3A_390 = vector.shape_cast %reduce_max3A_389 : vector<8xf32> to vector<8x1xf32>
    %argmax3A_391 = tpu.reduce_index %slice3A_387 {axis = 1 : i32, kind = #tpu.reduction_kind<arg_max>} : vector<8x24960xf32> -> vector<8xi32>
    %broadcast_in_dim3A_392 = vector.shape_cast %argmax3A_391 : vector<8xi32> to vector<8x1xi32>
    %add3A_393 = arith.constant 0 : i32
    %add3A_394 = vector.broadcast %add3A_393 : i32 to vector<8x1xi32>
    %add3A_395 = arith.addi %broadcast_in_dim3A_392, %add3A_394 : vector<8x1xi32>
    %slice3A_396 = vector.extract_strided_slice %get3A_386 {offsets = [0, 24960], sizes = [8, 24960], strides = [1, 1]} : vector<8x100000xf32> to vector<8x24960xf32>
    %reduce_max3A_397 = arith.constant dense<0xFF800000> : vector<8xf32>
    %reduce_max3A_398 = vector.multi_reduction <maximumf>, %slice3A_396, %reduce_max3A_397 [1] : vector<8x24960xf32> to vector<8xf32>
    %broadcast_in_dim3A_399 = vector.shape_cast %reduce_max3A_398 : vector<8xf32> to vector<8x1xf32>
    %argmax3A_400 = tpu.reduce_index %slice3A_396 {axis = 1 : i32, kind = #tpu.reduction_kind<arg_max>} : vector<8x24960xf32> -> vector<8xi32>
    %broadcast_in_dim3A_401 = vector.shape_cast %argmax3A_400 : vector<8xi32> to vector<8x1xi32>
    %add3A_402 = arith.constant 24960 : i32
    %add3A_403 = vector.broadcast %add3A_402 : i32 to vector<8x1xi32>
    %add3A_404 = arith.addi %broadcast_in_dim3A_401, %add3A_403 : vector<8x1xi32>
    %slice3A_405 = vector.extract_strided_slice %get3A_386 {offsets = [0, 49920], sizes = [8, 24960], strides = [1, 1]} : vector<8x100000xf32> to vector<8x24960xf32>
    %reduce_max3A_406 = arith.constant dense<0xFF800000> : vector<8xf32>
    %reduce_max3A_407 = vector.multi_reduction <maximumf>, %slice3A_405, %reduce_max3A_406 [1] : vector<8x24960xf32> to vector<8xf32>
    %broadcast_in_dim3A_408 = vector.shape_cast %reduce_max3A_407 : vector<8xf32> to vector<8x1xf32>
    %argmax3A_409 = tpu.reduce_index %slice3A_405 {axis = 1 : i32, kind = #tpu.reduction_kind<arg_max>} : vector<8x24960xf32> -> vector<8xi32>
    %broadcast_in_dim3A_410 = vector.shape_cast %argmax3A_409 : vector<8xi32> to vector<8x1xi32>
    %add3A_411 = arith.constant 49920 : i32
    %add3A_412 = vector.broadcast %add3A_411 : i32 to vector<8x1xi32>
    %add3A_413 = arith.addi %broadcast_in_dim3A_410, %add3A_412 : vector<8x1xi32>
    %slice3A_414 = vector.extract_strided_slice %get3A_386 {offsets = [0, 74880], sizes = [8, 25120], strides = [1, 1]} : vector<8x100000xf32> to vector<8x25120xf32>
    %reduce_max3A_415 = arith.constant dense<0xFF800000> : vector<8xf32>
    %reduce_max3A_416 = vector.multi_reduction <maximumf>, %slice3A_414, %reduce_max3A_415 [1] : vector<8x25120xf32> to vector<8xf32>
    %broadcast_in_dim3A_417 = vector.shape_cast %reduce_max3A_416 : vector<8xf32> to vector<8x1xf32>
    %argmax3A_418 = tpu.reduce_index %slice3A_414 {axis = 1 : i32, kind = #tpu.reduction_kind<arg_max>} : vector<8x25120xf32> -> vector<8xi32>
    %broadcast_in_dim3A_419 = vector.shape_cast %argmax3A_418 : vector<8xi32> to vector<8x1xi32>
    %add3A_420 = arith.constant 74880 : i32
    %add3A_421 = vector.broadcast %add3A_420 : i32 to vector<8x1xi32>
    %add3A_422 = arith.addi %broadcast_in_dim3A_419, %add3A_421 : vector<8x1xi32>
    %gt3A_423 = arith.cmpf ogt, %broadcast_in_dim3A_399, %broadcast_in_dim3A_390 : vector<8x1xf32>
    %select_n3A_424 = arith.select %gt3A_423, %add3A_404, %add3A_395 : vector<8x1xi1>, vector<8x1xi32>
    %select_n3A_425 = arith.select %gt3A_423, %broadcast_in_dim3A_399, %broadcast_in_dim3A_390 : vector<8x1xi1>, vector<8x1xf32>
    %gt3A_426 = arith.cmpf ogt, %broadcast_in_dim3A_408, %select_n3A_425 : vector<8x1xf32>
    %select_n3A_427 = arith.select %gt3A_426, %add3A_413, %select_n3A_424 : vector<8x1xi1>, vector<8x1xi32>
    %select_n3A_428 = arith.select %gt3A_426, %broadcast_in_dim3A_408, %select_n3A_425 : vector<8x1xi1>, vector<8x1xf32>
    %gt3A_429 = arith.cmpf ogt, %broadcast_in_dim3A_417, %select_n3A_428 : vector<8x1xf32>
    %select_n3A_430 = arith.select %gt3A_429, %add3A_422, %select_n3A_427 : vector<8x1xi1>, vector<8x1xi32>
    %select_n3A_431 = arith.select %gt3A_429, %broadcast_in_dim3A_417, %select_n3A_428 : vector<8x1xi1>, vector<8x1xf32>
    %slice3A_432 = vector.extract_strided_slice %select_n3A_430 {offsets = [0, 0], sizes = [1, 1], strides = [1, 1]} : vector<8x1xi32> to vector<1x1xi32>
    %squeeze3A_433 = vector.extract %slice3A_432[0, 0] : i32 from vector<1x1xi32>
    %jit3A_434 = arith.constant 128 : i32
    %div3A_435 = arith.divsi %squeeze3A_433, %jit3A_434 : i32
    %sign3A_436 = arith.constant 0 : i32
    %sign3A_437 = arith.cmpi sgt, %squeeze3A_433, %sign3A_436 : i32
    %sign3A_438 = arith.extui %sign3A_437 : i1 to i32
    %sign3A_439 = arith.constant 0 : i32
    %sign3A_440 = arith.cmpi slt, %squeeze3A_433, %sign3A_439 : i32
    %sign3A_441 = arith.extui %sign3A_440 : i1 to i32
    %sign3A_442 = arith.subi %sign3A_438, %sign3A_441 : i32
    %sign3A_443 = arith.constant 0 : i32
    %sign3A_444 = arith.cmpi sgt, %jit3A_434, %sign3A_443 : i32
    %sign3A_445 = arith.extui %sign3A_444 : i1 to i32
    %sign3A_446 = arith.constant 0 : i32
    %sign3A_447 = arith.cmpi slt, %jit3A_434, %sign3A_446 : i32
    %sign3A_448 = arith.extui %sign3A_447 : i1 to i32
    %sign3A_449 = arith.subi %sign3A_445, %sign3A_448 : i32
    %ne3A_450 = arith.cmpi ne, %sign3A_442, %sign3A_449 : i32
    %rem3A_451 = arith.remsi %squeeze3A_433, %jit3A_434 : i32
    %ne3A_452 = arith.constant 0 : i32
    %ne3A_453 = arith.cmpi ne, %rem3A_451, %ne3A_452 : i32
    %and3A_454 = arith.andi %ne3A_450, %ne3A_453 : i1
    %sub3A_455 = arith.constant 1 : i32
    %sub3A_456 = arith.subi %div3A_435, %sub3A_455 : i32
    %select_n3A_457 = arith.select %and3A_454, %sub3A_456, %div3A_435 : i32
    %mul3A_458 = arith.constant 128 : i32
    %mul3A_459 = arith.muli %select_n3A_457, %mul3A_458 : i32
    %multiple_of3A_460 = tpu.assume_multiple %mul3A_459, 128 : i32
    %sub3A_461 = arith.subi %squeeze3A_433, %multiple_of3A_460 : i32
    %get3A_462 = arith.constant 0 : index
    %get3A_463 = arith.index_cast %multiple_of3A_460 : i32 to index
    %get3A_464 = vector.load %arg1[%get3A_462, %get3A_463] : memref<8x100000xf32, #tpu.memory_space<vmem>>, vector<1x128xf32>
    %eq3A_465 = vector.broadcast %sub3A_461 : i32 to vector<1x128xi32>
    %eq3A_466 = arith.cmpi eq, %iota3A, %eq3A_465 : vector<1x128xi32>
    %jit3A_467 = arith.constant 0xFF800000 : f32
    %broadcast_in_dim3A_468 = vector.broadcast %jit3A_467 : f32 to vector<1x128xf32>
    %select_n3A_469 = arith.select %eq3A_466, %broadcast_in_dim3A_468, %get3A_464 : vector<1x128xi1>, vector<1x128xf32>
    %swap3A_470 = arith.constant 0 : index
    %swap3A_471 = arith.index_cast %multiple_of3A_460 : i32 to index
    %swap3A_472 = vector.load %arg1[%swap3A_470, %swap3A_471] : memref<8x100000xf32, #tpu.memory_space<vmem>>, vector<1x128xf32>
    tpu.vector_store %arg1[%swap3A_470, %swap3A_471], %select_n3A_469 {strides = array<i32>} : memref<8x100000xf32, #tpu.memory_space<vmem>>, vector<1x128xf32>,
    %slice3A_473 = vector.extract_strided_slice %select_n3A_430 {offsets = [1, 0], sizes = [1, 1], strides = [1, 1]} : vector<8x1xi32> to vector<1x1xi32>
    %squeeze3A_474 = vector.extract %slice3A_473[0, 0] : i32 from vector<1x1xi32>
    %jit3A_475 = arith.constant 128 : i32
    %div3A_476 = arith.divsi %squeeze3A_474, %jit3A_475 : i32
    %sign3A_477 = arith.constant 0 : i32
    %sign3A_478 = arith.cmpi sgt, %squeeze3A_474, %sign3A_477 : i32
    %sign3A_479 = arith.extui %sign3A_478 : i1 to i32
    %sign3A_480 = arith.constant 0 : i32
    %sign3A_481 = arith.cmpi slt, %squeeze3A_474, %sign3A_480 : i32
    %sign3A_482 = arith.extui %sign3A_481 : i1 to i32
    %sign3A_483 = arith.subi %sign3A_479, %sign3A_482 : i32
    %sign3A_484 = arith.constant 0 : i32
    %sign3A_485 = arith.cmpi sgt, %jit3A_475, %sign3A_484 : i32
    %sign3A_486 = arith.extui %sign3A_485 : i1 to i32
    %sign3A_487 = arith.constant 0 : i32
    %sign3A_488 = arith.cmpi slt, %jit3A_475, %sign3A_487 : i32
    %sign3A_489 = arith.extui %sign3A_488 : i1 to i32
    %sign3A_490 = arith.subi %sign3A_486, %sign3A_489 : i32
    %ne3A_491 = arith.cmpi ne, %sign3A_483, %sign3A_490 : i32
    %rem3A_492 = arith.remsi %squeeze3A_474, %jit3A_475 : i32
    %ne3A_493 = arith.constant 0 : i32
    %ne3A_494 = arith.cmpi ne, %rem3A_492, %ne3A_493 : i32
    %and3A_495 = arith.andi %ne3A_491, %ne3A_494 : i1
    %sub3A_496 = arith.constant 1 : i32
    %sub3A_497 = arith.subi %div3A_476, %sub3A_496 : i32
    %select_n3A_498 = arith.select %and3A_495, %sub3A_497, %div3A_476 : i32
    %mul3A_499 = arith.constant 128 : i32
    %mul3A_500 = arith.muli %select_n3A_498, %mul3A_499 : i32
    %multiple_of3A_501 = tpu.assume_multiple %mul3A_500, 128 : i32
    %sub3A_502 = arith.subi %squeeze3A_474, %multiple_of3A_501 : i32
    %get3A_503 = arith.constant 1 : index
    %get3A_504 = arith.index_cast %multiple_of3A_501 : i32 to index
    %get3A_505 = vector.load %arg1[%get3A_503, %get3A_504] : memref<8x100000xf32, #tpu.memory_space<vmem>>, vector<1x128xf32>
    %eq3A_506 = vector.broadcast %sub3A_502 : i32 to vector<1x128xi32>
    %eq3A_507 = arith.cmpi eq, %iota3A, %eq3A_506 : vector<1x128xi32>
    %jit3A_508 = arith.constant 0xFF800000 : f32
    %broadcast_in_dim3A_509 = vector.broadcast %jit3A_508 : f32 to vector<1x128xf32>
    %select_n3A_510 = arith.select %eq3A_507, %broadcast_in_dim3A_509, %get3A_505 : vector<1x128xi1>, vector<1x128xf32>
    %swap3A_511 = arith.constant 1 : index
    %swap3A_512 = arith.index_cast %multiple_of3A_501 : i32 to index
    %swap3A_513 = vector.load %arg1[%swap3A_511, %swap3A_512] : memref<8x100000xf32, #tpu.memory_space<vmem>>, vector<1x128xf32>
    tpu.vector_store %arg1[%swap3A_511, %swap3A_512], %select_n3A_510 {strides = array<i32>} : memref<8x100000xf32, #tpu.memory_space<vmem>>, vector<1x128xf32>,
    %slice3A_514 = vector.extract_strided_slice %select_n3A_430 {offsets = [2, 0], sizes = [1, 1], strides = [1, 1]} : vector<8x1xi32> to vector<1x1xi32>
    %squeeze3A_515 = vector.extract %slice3A_514[0, 0] : i32 from vector<1x1xi32>
    %jit3A_516 = arith.constant 128 : i32
    %div3A_517 = arith.divsi %squeeze3A_515, %jit3A_516 : i32
    %sign3A_518 = arith.constant 0 : i32
    %sign3A_519 = arith.cmpi sgt, %squeeze3A_515, %sign3A_518 : i32
    %sign3A_520 = arith.extui %sign3A_519 : i1 to i32
    %sign3A_521 = arith.constant 0 : i32
    %sign3A_522 = arith.cmpi slt, %squeeze3A_515, %sign3A_521 : i32
    %sign3A_523 = arith.extui %sign3A_522 : i1 to i32
    %sign3A_524 = arith.subi %sign3A_520, %sign3A_523 : i32
    %sign3A_525 = arith.constant 0 : i32
    %sign3A_526 = arith.cmpi sgt, %jit3A_516, %sign3A_525 : i32
    %sign3A_527 = arith.extui %sign3A_526 : i1 to i32
    %sign3A_528 = arith.constant 0 : i32
    %sign3A_529 = arith.cmpi slt, %jit3A_516, %sign3A_528 : i32
    %sign3A_530 = arith.extui %sign3A_529 : i1 to i32
    %sign3A_531 = arith.subi %sign3A_527, %sign3A_530 : i32
    %ne3A_532 = arith.cmpi ne, %sign3A_524, %sign3A_531 : i32
    %rem3A_533 = arith.remsi %squeeze3A_515, %jit3A_516 : i32
    %ne3A_534 = arith.constant 0 : i32
    %ne3A_535 = arith.cmpi ne, %rem3A_533, %ne3A_534 : i32
    %and3A_536 = arith.andi %ne3A_532, %ne3A_535 : i1
    %sub3A_537 = arith.constant 1 : i32
    %sub3A_538 = arith.subi %div3A_517, %sub3A_537 : i32
    %select_n3A_539 = arith.select %and3A_536, %sub3A_538, %div3A_517 : i32
    %mul3A_540 = arith.constant 128 : i32
    %mul3A_541 = arith.muli %select_n3A_539, %mul3A_540 : i32
    %multiple_of3A_542 = tpu.assume_multiple %mul3A_541, 128 : i32
    %sub3A_543 = arith.subi %squeeze3A_515, %multiple_of3A_542 : i32
    %get3A_544 = arith.constant 2 : index
    %get3A_545 = arith.index_cast %multiple_of3A_542 : i32 to index
    %get3A_546 = vector.load %arg1[%get3A_544, %get3A_545] : memref<8x100000xf32, #tpu.memory_space<vmem>>, vector<1x128xf32>
    %eq3A_547 = vector.broadcast %sub3A_543 : i32 to vector<1x128xi32>
    %eq3A_548 = arith.cmpi eq, %iota3A, %eq3A_547 : vector<1x128xi32>
    %jit3A_549 = arith.constant 0xFF800000 : f32
    %broadcast_in_dim3A_550 = vector.broadcast %jit3A_549 : f32 to vector<1x128xf32>
    %select_n3A_551 = arith.select %eq3A_548, %broadcast_in_dim3A_550, %get3A_546 : vector<1x128xi1>, vector<1x128xf32>
    %swap3A_552 = arith.constant 2 : index
    %swap3A_553 = arith.index_cast %multiple_of3A_542 : i32 to index
    %swap3A_554 = vector.load %arg1[%swap3A_552, %swap3A_553] : memref<8x100000xf32, #tpu.memory_space<vmem>>, vector<1x128xf32>
    tpu.vector_store %arg1[%swap3A_552, %swap3A_553], %select_n3A_551 {strides = array<i32>} : memref<8x100000xf32, #tpu.memory_space<vmem>>, vector<1x128xf32>,
    %slice3A_555 = vector.extract_strided_slice %select_n3A_430 {offsets = [3, 0], sizes = [1, 1], strides = [1, 1]} : vector<8x1xi32> to vector<1x1xi32>
    %squeeze3A_556 = vector.extract %slice3A_555[0, 0] : i32 from vector<1x1xi32>
    %jit3A_557 = arith.constant 128 : i32
    %div3A_558 = arith.divsi %squeeze3A_556, %jit3A_557 : i32
    %sign3A_559 = arith.constant 0 : i32
    %sign3A_560 = arith.cmpi sgt, %squeeze3A_556, %sign3A_559 : i32
    %sign3A_561 = arith.extui %sign3A_560 : i1 to i32
    %sign3A_562 = arith.constant 0 : i32
    %sign3A_563 = arith.cmpi slt, %squeeze3A_556, %sign3A_562 : i32
    %sign3A_564 = arith.extui %sign3A_563 : i1 to i32
    %sign3A_565 = arith.subi %sign3A_561, %sign3A_564 : i32
    %sign3A_566 = arith.constant 0 : i32
    %sign3A_567 = arith.cmpi sgt, %jit3A_557, %sign3A_566 : i32
    %sign3A_568 = arith.extui %sign3A_567 : i1 to i32
    %sign3A_569 = arith.constant 0 : i32
    %sign3A_570 = arith.cmpi slt, %jit3A_557, %sign3A_569 : i32
    %sign3A_571 = arith.extui %sign3A_570 : i1 to i32
    %sign3A_572 = arith.subi %sign3A_568, %sign3A_571 : i32
    %ne3A_573 = arith.cmpi ne, %sign3A_565, %sign3A_572 : i32
    %rem3A_574 = arith.remsi %squeeze3A_556, %jit3A_557 : i32
    %ne3A_575 = arith.constant 0 : i32
    %ne3A_576 = arith.cmpi ne, %rem3A_574, %ne3A_575 : i32
    %and3A_577 = arith.andi %ne3A_573, %ne3A_576 : i1
    %sub3A_578 = arith.constant 1 : i32
    %sub3A_579 = arith.subi %div3A_558, %sub3A_578 : i32
    %select_n3A_580 = arith.select %and3A_577, %sub3A_579, %div3A_558 : i32
    %mul3A_581 = arith.constant 128 : i32
    %mul3A_582 = arith.muli %select_n3A_580, %mul3A_581 : i32
    %multiple_of3A_583 = tpu.assume_multiple %mul3A_582, 128 : i32
    %sub3A_584 = arith.subi %squeeze3A_556, %multiple_of3A_583 : i32
    %get3A_585 = arith.constant 3 : index
    %get3A_586 = arith.index_cast %multiple_of3A_583 : i32 to index
    %get3A_587 = vector.load %arg1[%get3A_585, %get3A_586] : memref<8x100000xf32, #tpu.memory_space<vmem>>, vector<1x128xf32>
    %eq3A_588 = vector.broadcast %sub3A_584 : i32 to vector<1x128xi32>
    %eq3A_589 = arith.cmpi eq, %iota3A, %eq3A_588 : vector<1x128xi32>
    %jit3A_590 = arith.constant 0xFF800000 : f32
    %broadcast_in_dim3A_591 = vector.broadcast %jit3A_590 : f32 to vector<1x128xf32>
    %select_n3A_592 = arith.select %eq3A_589, %broadcast_in_dim3A_591, %get3A_587 : vector<1x128xi1>, vector<1x128xf32>
    %swap3A_593 = arith.constant 3 : index
    %swap3A_594 = arith.index_cast %multiple_of3A_583 : i32 to index
    %swap3A_595 = vector.load %arg1[%swap3A_593, %swap3A_594] : memref<8x100000xf32, #tpu.memory_space<vmem>>, vector<1x128xf32>
    tpu.vector_store %arg1[%swap3A_593, %swap3A_594], %select_n3A_592 {strides = array<i32>} : memref<8x100000xf32, #tpu.memory_space<vmem>>, vector<1x128xf32>,
    %slice3A_596 = vector.extract_strided_slice %select_n3A_430 {offsets = [4, 0], sizes = [1, 1], strides = [1, 1]} : vector<8x1xi32> to vector<1x1xi32>
    %squeeze3A_597 = vector.extract %slice3A_596[0, 0] : i32 from vector<1x1xi32>
    %jit3A_598 = arith.constant 128 : i32
    %div3A_599 = arith.divsi %squeeze3A_597, %jit3A_598 : i32
    %sign3A_600 = arith.constant 0 : i32
    %sign3A_601 = arith.cmpi sgt, %squeeze3A_597, %sign3A_600 : i32
    %sign3A_602 = arith.extui %sign3A_601 : i1 to i32
    %sign3A_603 = arith.constant 0 : i32
    %sign3A_604 = arith.cmpi slt, %squeeze3A_597, %sign3A_603 : i32
    %sign3A_605 = arith.extui %sign3A_604 : i1 to i32
    %sign3A_606 = arith.subi %sign3A_602, %sign3A_605 : i32
    %sign3A_607 = arith.constant 0 : i32
    %sign3A_608 = arith.cmpi sgt, %jit3A_598, %sign3A_607 : i32
    %sign3A_609 = arith.extui %sign3A_608 : i1 to i32
    %sign3A_610 = arith.constant 0 : i32
    %sign3A_611 = arith.cmpi slt, %jit3A_598, %sign3A_610 : i32
    %sign3A_612 = arith.extui %sign3A_611 : i1 to i32
    %sign3A_613 = arith.subi %sign3A_609, %sign3A_612 : i32
    %ne3A_614 = arith.cmpi ne, %sign3A_606, %sign3A_613 : i32
    %rem3A_615 = arith.remsi %squeeze3A_597, %jit3A_598 : i32
    %ne3A_616 = arith.constant 0 : i32
    %ne3A_617 = arith.cmpi ne, %rem3A_615, %ne3A_616 : i32
    %and3A_618 = arith.andi %ne3A_614, %ne3A_617 : i1
    %sub3A_619 = arith.constant 1 : i32
    %sub3A_620 = arith.subi %div3A_599, %sub3A_619 : i32
    %select_n3A_621 = arith.select %and3A_618, %sub3A_620, %div3A_599 : i32
    %mul3A_622 = arith.constant 128 : i32
    %mul3A_623 = arith.muli %select_n3A_621, %mul3A_622 : i32
    %multiple_of3A_624 = tpu.assume_multiple %mul3A_623, 128 : i32
    %sub3A_625 = arith.subi %squeeze3A_597, %multiple_of3A_624 : i32
    %get3A_626 = arith.constant 4 : index
    %get3A_627 = arith.index_cast %multiple_of3A_624 : i32 to index
    %get3A_628 = vector.load %arg1[%get3A_626, %get3A_627] : memref<8x100000xf32, #tpu.memory_space<vmem>>, vector<1x128xf32>
    %eq3A_629 = vector.broadcast %sub3A_625 : i32 to vector<1x128xi32>
    %eq3A_630 = arith.cmpi eq, %iota3A, %eq3A_629 : vector<1x128xi32>
    %jit3A_631 = arith.constant 0xFF800000 : f32
    %broadcast_in_dim3A_632 = vector.broadcast %jit3A_631 : f32 to vector<1x128xf32>
    %select_n3A_633 = arith.select %eq3A_630, %broadcast_in_dim3A_632, %get3A_628 : vector<1x128xi1>, vector<1x128xf32>
    %swap3A_634 = arith.constant 4 : index
    %swap3A_635 = arith.index_cast %multiple_of3A_624 : i32 to index
    %swap3A_636 = vector.load %arg1[%swap3A_634, %swap3A_635] : memref<8x100000xf32, #tpu.memory_space<vmem>>, vector<1x128xf32>
    tpu.vector_store %arg1[%swap3A_634, %swap3A_635], %select_n3A_633 {strides = array<i32>} : memref<8x100000xf32, #tpu.memory_space<vmem>>, vector<1x128xf32>,
    %slice3A_637 = vector.extract_strided_slice %select_n3A_430 {offsets = [5, 0], sizes = [1, 1], strides = [1, 1]} : vector<8x1xi32> to vector<1x1xi32>
    %squeeze3A_638 = vector.extract %slice3A_637[0, 0] : i32 from vector<1x1xi32>
    %jit3A_639 = arith.constant 128 : i32
    %div3A_640 = arith.divsi %squeeze3A_638, %jit3A_639 : i32
    %sign3A_641 = arith.constant 0 : i32
    %sign3A_642 = arith.cmpi sgt, %squeeze3A_638, %sign3A_641 : i32
    %sign3A_643 = arith.extui %sign3A_642 : i1 to i32
    %sign3A_644 = arith.constant 0 : i32
    %sign3A_645 = arith.cmpi slt, %squeeze3A_638, %sign3A_644 : i32
    %sign3A_646 = arith.extui %sign3A_645 : i1 to i32
    %sign3A_647 = arith.subi %sign3A_643, %sign3A_646 : i32
    %sign3A_648 = arith.constant 0 : i32
    %sign3A_649 = arith.cmpi sgt, %jit3A_639, %sign3A_648 : i32
    %sign3A_650 = arith.extui %sign3A_649 : i1 to i32
    %sign3A_651 = arith.constant 0 : i32
    %sign3A_652 = arith.cmpi slt, %jit3A_639, %sign3A_651 : i32
    %sign3A_653 = arith.extui %sign3A_652 : i1 to i32
    %sign3A_654 = arith.subi %sign3A_650, %sign3A_653 : i32
    %ne3A_655 = arith.cmpi ne, %sign3A_647, %sign3A_654 : i32
    %rem3A_656 = arith.remsi %squeeze3A_638, %jit3A_639 : i32
    %ne3A_657 = arith.constant 0 : i32
    %ne3A_658 = arith.cmpi ne, %rem3A_656, %ne3A_657 : i32
    %and3A_659 = arith.andi %ne3A_655, %ne3A_658 : i1
    %sub3A_660 = arith.constant 1 : i32
    %sub3A_661 = arith.subi %div3A_640, %sub3A_660 : i32
    %select_n3A_662 = arith.select %and3A_659, %sub3A_661, %div3A_640 : i32
    %mul3A_663 = arith.constant 128 : i32
    %mul3A_664 = arith.muli %select_n3A_662, %mul3A_663 : i32
    %multiple_of3A_665 = tpu.assume_multiple %mul3A_664, 128 : i32
    %sub3A_666 = arith.subi %squeeze3A_638, %multiple_of3A_665 : i32
    %get3A_667 = arith.constant 5 : index
    %get3A_668 = arith.index_cast %multiple_of3A_665 : i32 to index
    %get3A_669 = vector.load %arg1[%get3A_667, %get3A_668] : memref<8x100000xf32, #tpu.memory_space<vmem>>, vector<1x128xf32>
    %eq3A_670 = vector.broadcast %sub3A_666 : i32 to vector<1x128xi32>
    %eq3A_671 = arith.cmpi eq, %iota3A, %eq3A_670 : vector<1x128xi32>
    %jit3A_672 = arith.constant 0xFF800000 : f32
    %broadcast_in_dim3A_673 = vector.broadcast %jit3A_672 : f32 to vector<1x128xf32>
    %select_n3A_674 = arith.select %eq3A_671, %broadcast_in_dim3A_673, %get3A_669 : vector<1x128xi1>, vector<1x128xf32>
    %swap3A_675 = arith.constant 5 : index
    %swap3A_676 = arith.index_cast %multiple_of3A_665 : i32 to index
    %swap3A_677 = vector.load %arg1[%swap3A_675, %swap3A_676] : memref<8x100000xf32, #tpu.memory_space<vmem>>, vector<1x128xf32>
    tpu.vector_store %arg1[%swap3A_675, %swap3A_676], %select_n3A_674 {strides = array<i32>} : memref<8x100000xf32, #tpu.memory_space<vmem>>, vector<1x128xf32>,
    %slice3A_678 = vector.extract_strided_slice %select_n3A_430 {offsets = [6, 0], sizes = [1, 1], strides = [1, 1]} : vector<8x1xi32> to vector<1x1xi32>
    %squeeze3A_679 = vector.extract %slice3A_678[0, 0] : i32 from vector<1x1xi32>
    %jit3A_680 = arith.constant 128 : i32
    %div3A_681 = arith.divsi %squeeze3A_679, %jit3A_680 : i32
    %sign3A_682 = arith.constant 0 : i32
    %sign3A_683 = arith.cmpi sgt, %squeeze3A_679, %sign3A_682 : i32
    %sign3A_684 = arith.extui %sign3A_683 : i1 to i32
    %sign3A_685 = arith.constant 0 : i32
    %sign3A_686 = arith.cmpi slt, %squeeze3A_679, %sign3A_685 : i32
    %sign3A_687 = arith.extui %sign3A_686 : i1 to i32
    %sign3A_688 = arith.subi %sign3A_684, %sign3A_687 : i32
    %sign3A_689 = arith.constant 0 : i32
    %sign3A_690 = arith.cmpi sgt, %jit3A_680, %sign3A_689 : i32
    %sign3A_691 = arith.extui %sign3A_690 : i1 to i32
    %sign3A_692 = arith.constant 0 : i32
    %sign3A_693 = arith.cmpi slt, %jit3A_680, %sign3A_692 : i32
    %sign3A_694 = arith.extui %sign3A_693 : i1 to i32
    %sign3A_695 = arith.subi %sign3A_691, %sign3A_694 : i32
    %ne3A_696 = arith.cmpi ne, %sign3A_688, %sign3A_695 : i32
    %rem3A_697 = arith.remsi %squeeze3A_679, %jit3A_680 : i32
    %ne3A_698 = arith.constant 0 : i32
    %ne3A_699 = arith.cmpi ne, %rem3A_697, %ne3A_698 : i32
    %and3A_700 = arith.andi %ne3A_696, %ne3A_699 : i1
    %sub3A_701 = arith.constant 1 : i32
    %sub3A_702 = arith.subi %div3A_681, %sub3A_701 : i32
    %select_n3A_703 = arith.select %and3A_700, %sub3A_702, %div3A_681 : i32
    %mul3A_704 = arith.constant 128 : i32
    %mul3A_705 = arith.muli %select_n3A_703, %mul3A_704 : i32
    %multiple_of3A_706 = tpu.assume_multiple %mul3A_705, 128 : i32
    %sub3A_707 = arith.subi %squeeze3A_679, %multiple_of3A_706 : i32
    %get3A_708 = arith.constant 6 : index
    %get3A_709 = arith.index_cast %multiple_of3A_706 : i32 to index
    %get3A_710 = vector.load %arg1[%get3A_708, %get3A_709] : memref<8x100000xf32, #tpu.memory_space<vmem>>, vector<1x128xf32>
    %eq3A_711 = vector.broadcast %sub3A_707 : i32 to vector<1x128xi32>
    %eq3A_712 = arith.cmpi eq, %iota3A, %eq3A_711 : vector<1x128xi32>
    %jit3A_713 = arith.constant 0xFF800000 : f32
    %broadcast_in_dim3A_714 = vector.broadcast %jit3A_713 : f32 to vector<1x128xf32>
    %select_n3A_715 = arith.select %eq3A_712, %broadcast_in_dim3A_714, %get3A_710 : vector<1x128xi1>, vector<1x128xf32>
    %swap3A_716 = arith.constant 6 : index
    %swap3A_717 = arith.index_cast %multiple_of3A_706 : i32 to index
    %swap3A_718 = vector.load %arg1[%swap3A_716, %swap3A_717] : memref<8x100000xf32, #tpu.memory_space<vmem>>, vector<1x128xf32>
    tpu.vector_store %arg1[%swap3A_716, %swap3A_717], %select_n3A_715 {strides = array<i32>} : memref<8x100000xf32, #tpu.memory_space<vmem>>, vector<1x128xf32>,
    %slice3A_719 = vector.extract_strided_slice %select_n3A_430 {offsets = [7, 0], sizes = [1, 1], strides = [1, 1]} : vector<8x1xi32> to vector<1x1xi32>
    %squeeze3A_720 = vector.extract %slice3A_719[0, 0] : i32 from vector<1x1xi32>
    %jit3A_721 = arith.constant 128 : i32
    %div3A_722 = arith.divsi %squeeze3A_720, %jit3A_721 : i32
    %sign3A_723 = arith.constant 0 : i32
    %sign3A_724 = arith.cmpi sgt, %squeeze3A_720, %sign3A_723 : i32
    %sign3A_725 = arith.extui %sign3A_724 : i1 to i32
    %sign3A_726 = arith.constant 0 : i32
    %sign3A_727 = arith.cmpi slt, %squeeze3A_720, %sign3A_726 : i32
    %sign3A_728 = arith.extui %sign3A_727 : i1 to i32
    %sign3A_729 = arith.subi %sign3A_725, %sign3A_728 : i32
    %sign3A_730 = arith.constant 0 : i32
    %sign3A_731 = arith.cmpi sgt, %jit3A_721, %sign3A_730 : i32
    %sign3A_732 = arith.extui %sign3A_731 : i1 to i32
    %sign3A_733 = arith.constant 0 : i32
    %sign3A_734 = arith.cmpi slt, %jit3A_721, %sign3A_733 : i32
    %sign3A_735 = arith.extui %sign3A_734 : i1 to i32
    %sign3A_736 = arith.subi %sign3A_732, %sign3A_735 : i32
    %ne3A_737 = arith.cmpi ne, %sign3A_729, %sign3A_736 : i32
    %rem3A_738 = arith.remsi %squeeze3A_720, %jit3A_721 : i32
    %ne3A_739 = arith.constant 0 : i32
    %ne3A_740 = arith.cmpi ne, %rem3A_738, %ne3A_739 : i32
    %and3A_741 = arith.andi %ne3A_737, %ne3A_740 : i1
    %sub3A_742 = arith.constant 1 : i32
    %sub3A_743 = arith.subi %div3A_722, %sub3A_742 : i32
    %select_n3A_744 = arith.select %and3A_741, %sub3A_743, %div3A_722 : i32
    %mul3A_745 = arith.constant 128 : i32
    %mul3A_746 = arith.muli %select_n3A_744, %mul3A_745 : i32
    %multiple_of3A_747 = tpu.assume_multiple %mul3A_746, 128 : i32
    %sub3A_748 = arith.subi %squeeze3A_720, %multiple_of3A_747 : i32
    %get3A_749 = arith.constant 7 : index
    %get3A_750 = arith.index_cast %multiple_of3A_747 : i32 to index
    %get3A_751 = vector.load %arg1[%get3A_749, %get3A_750] : memref<8x100000xf32, #tpu.memory_space<vmem>>, vector<1x128xf32>
    %eq3A_752 = vector.broadcast %sub3A_748 : i32 to vector<1x128xi32>
    %eq3A_753 = arith.cmpi eq, %iota3A, %eq3A_752 : vector<1x128xi32>
    %jit3A_754 = arith.constant 0xFF800000 : f32
    %broadcast_in_dim3A_755 = vector.broadcast %jit3A_754 : f32 to vector<1x128xf32>
    %select_n3A_756 = arith.select %eq3A_753, %broadcast_in_dim3A_755, %get3A_751 : vector<1x128xi1>, vector<1x128xf32>
    %swap3A_757 = arith.constant 7 : index
    %swap3A_758 = arith.index_cast %multiple_of3A_747 : i32 to index
    %swap3A_759 = vector.load %arg1[%swap3A_757, %swap3A_758] : memref<8x100000xf32, #tpu.memory_space<vmem>>, vector<1x128xf32>
    tpu.vector_store %arg1[%swap3A_757, %swap3A_758], %select_n3A_756 {strides = array<i32>} : memref<8x100000xf32, #tpu.memory_space<vmem>>, vector<1x128xf32>,
    %get3A_760 = arith.constant 0 : index
    %get3A_761 = arith.constant 0 : index
    %get3A_762 = vector.load %arg1[%get3A_760, %get3A_761] : memref<8x100000xf32, #tpu.memory_space<vmem>>, vector<8x100000xf32>
    %slice3A_763 = vector.extract_strided_slice %get3A_762 {offsets = [0, 0], sizes = [8, 24960], strides = [1, 1]} : vector<8x100000xf32> to vector<8x24960xf32>
    %reduce_max3A_764 = arith.constant dense<0xFF800000> : vector<8xf32>
    %reduce_max3A_765 = vector.multi_reduction <maximumf>, %slice3A_763, %reduce_max3A_764 [1] : vector<8x24960xf32> to vector<8xf32>
    %broadcast_in_dim3A_766 = vector.shape_cast %reduce_max3A_765 : vector<8xf32> to vector<8x1xf32>
    %argmax3A_767 = tpu.reduce_index %slice3A_763 {axis = 1 : i32, kind = #tpu.reduction_kind<arg_max>} : vector<8x24960xf32> -> vector<8xi32>
    %broadcast_in_dim3A_768 = vector.shape_cast %argmax3A_767 : vector<8xi32> to vector<8x1xi32>
    %add3A_769 = arith.constant 0 : i32
    %add3A_770 = vector.broadcast %add3A_769 : i32 to vector<8x1xi32>
    %add3A_771 = arith.addi %broadcast_in_dim3A_768, %add3A_770 : vector<8x1xi32>
    %slice3A_772 = vector.extract_strided_slice %get3A_762 {offsets = [0, 24960], sizes = [8, 24960], strides = [1, 1]} : vector<8x100000xf32> to vector<8x24960xf32>
    %reduce_max3A_773 = arith.constant dense<0xFF800000> : vector<8xf32>
    %reduce_max3A_774 = vector.multi_reduction <maximumf>, %slice3A_772, %reduce_max3A_773 [1] : vector<8x24960xf32> to vector<8xf32>
    %broadcast_in_dim3A_775 = vector.shape_cast %reduce_max3A_774 : vector<8xf32> to vector<8x1xf32>
    %argmax3A_776 = tpu.reduce_index %slice3A_772 {axis = 1 : i32, kind = #tpu.reduction_kind<arg_max>} : vector<8x24960xf32> -> vector<8xi32>
    %broadcast_in_dim3A_777 = vector.shape_cast %argmax3A_776 : vector<8xi32> to vector<8x1xi32>
    %add3A_778 = arith.constant 24960 : i32
    %add3A_779 = vector.broadcast %add3A_778 : i32 to vector<8x1xi32>
    %add3A_780 = arith.addi %broadcast_in_dim3A_777, %add3A_779 : vector<8x1xi32>
    %slice3A_781 = vector.extract_strided_slice %get3A_762 {offsets = [0, 49920], sizes = [8, 24960], strides = [1, 1]} : vector<8x100000xf32> to vector<8x24960xf32>
    %reduce_max3A_782 = arith.constant dense<0xFF800000> : vector<8xf32>
    %reduce_max3A_783 = vector.multi_reduction <maximumf>, %slice3A_781, %reduce_max3A_782 [1] : vector<8x24960xf32> to vector<8xf32>
    %broadcast_in_dim3A_784 = vector.shape_cast %reduce_max3A_783 : vector<8xf32> to vector<8x1xf32>
    %argmax3A_785 = tpu.reduce_index %slice3A_781 {axis = 1 : i32, kind = #tpu.reduction_kind<arg_max>} : vector<8x24960xf32> -> vector<8xi32>
    %broadcast_in_dim3A_786 = vector.shape_cast %argmax3A_785 : vector<8xi32> to vector<8x1xi32>
    %add3A_787 = arith.constant 49920 : i32
    %add3A_788 = vector.broadcast %add3A_787 : i32 to vector<8x1xi32>
    %add3A_789 = arith.addi %broadcast_in_dim3A_786, %add3A_788 : vector<8x1xi32>
    %slice3A_790 = vector.extract_strided_slice %get3A_762 {offsets = [0, 74880], sizes = [8, 25120], strides = [1, 1]} : vector<8x100000xf32> to vector<8x25120xf32>
    %reduce_max3A_791 = arith.constant dense<0xFF800000> : vector<8xf32>
    %reduce_max3A_792 = vector.multi_reduction <maximumf>, %slice3A_790, %reduce_max3A_791 [1] : vector<8x25120xf32> to vector<8xf32>
    %broadcast_in_dim3A_793 = vector.shape_cast %reduce_max3A_792 : vector<8xf32> to vector<8x1xf32>
    %argmax3A_794 = tpu.reduce_index %slice3A_790 {axis = 1 : i32, kind = #tpu.reduction_kind<arg_max>} : vector<8x25120xf32> -> vector<8xi32>
    %broadcast_in_dim3A_795 = vector.shape_cast %argmax3A_794 : vector<8xi32> to vector<8x1xi32>
    %add3A_796 = arith.constant 74880 : i32
    %add3A_797 = vector.broadcast %add3A_796 : i32 to vector<8x1xi32>
    %add3A_798 = arith.addi %broadcast_in_dim3A_795, %add3A_797 : vector<8x1xi32>
    %gt3A_799 = arith.cmpf ogt, %broadcast_in_dim3A_775, %broadcast_in_dim3A_766 : vector<8x1xf32>
    %select_n3A_800 = arith.select %gt3A_799, %add3A_780, %add3A_771 : vector<8x1xi1>, vector<8x1xi32>
    %select_n3A_801 = arith.select %gt3A_799, %broadcast_in_dim3A_775, %broadcast_in_dim3A_766 : vector<8x1xi1>, vector<8x1xf32>
    %gt3A_802 = arith.cmpf ogt, %broadcast_in_dim3A_784, %select_n3A_801 : vector<8x1xf32>
    %select_n3A_803 = arith.select %gt3A_802, %add3A_789, %select_n3A_800 : vector<8x1xi1>, vector<8x1xi32>
    %select_n3A_804 = arith.select %gt3A_802, %broadcast_in_dim3A_784, %select_n3A_801 : vector<8x1xi1>, vector<8x1xf32>
    %gt3A_805 = arith.cmpf ogt, %broadcast_in_dim3A_793, %select_n3A_804 : vector<8x1xf32>
    %select_n3A_806 = arith.select %gt3A_805, %add3A_798, %select_n3A_803 : vector<8x1xi1>, vector<8x1xi32>
    %select_n3A_807 = arith.select %gt3A_805, %broadcast_in_dim3A_793, %select_n3A_804 : vector<8x1xi1>, vector<8x1xf32>
    %slice3A_808 = vector.extract_strided_slice %select_n3A_806 {offsets = [0, 0], sizes = [1, 1], strides = [1, 1]} : vector<8x1xi32> to vector<1x1xi32>
    %squeeze3A_809 = vector.extract %slice3A_808[0, 0] : i32 from vector<1x1xi32>
    %jit3A_810 = arith.constant 128 : i32
    %div3A_811 = arith.divsi %squeeze3A_809, %jit3A_810 : i32
    %sign3A_812 = arith.constant 0 : i32
    %sign3A_813 = arith.cmpi sgt, %squeeze3A_809, %sign3A_812 : i32
    %sign3A_814 = arith.extui %sign3A_813 : i1 to i32
    %sign3A_815 = arith.constant 0 : i32
    %sign3A_816 = arith.cmpi slt, %squeeze3A_809, %sign3A_815 : i32
    %sign3A_817 = arith.extui %sign3A_816 : i1 to i32
    %sign3A_818 = arith.subi %sign3A_814, %sign3A_817 : i32
    %sign3A_819 = arith.constant 0 : i32
    %sign3A_820 = arith.cmpi sgt, %jit3A_810, %sign3A_819 : i32
    %sign3A_821 = arith.extui %sign3A_820 : i1 to i32
    %sign3A_822 = arith.constant 0 : i32
    %sign3A_823 = arith.cmpi slt, %jit3A_810, %sign3A_822 : i32
    %sign3A_824 = arith.extui %sign3A_823 : i1 to i32
    %sign3A_825 = arith.subi %sign3A_821, %sign3A_824 : i32
    %ne3A_826 = arith.cmpi ne, %sign3A_818, %sign3A_825 : i32
    %rem3A_827 = arith.remsi %squeeze3A_809, %jit3A_810 : i32
    %ne3A_828 = arith.constant 0 : i32
    %ne3A_829 = arith.cmpi ne, %rem3A_827, %ne3A_828 : i32
    %and3A_830 = arith.andi %ne3A_826, %ne3A_829 : i1
    %sub3A_831 = arith.constant 1 : i32
    %sub3A_832 = arith.subi %div3A_811, %sub3A_831 : i32
    %select_n3A_833 = arith.select %and3A_830, %sub3A_832, %div3A_811 : i32
    %mul3A_834 = arith.constant 128 : i32
    %mul3A_835 = arith.muli %select_n3A_833, %mul3A_834 : i32
    %multiple_of3A_836 = tpu.assume_multiple %mul3A_835, 128 : i32
    %sub3A_837 = arith.subi %squeeze3A_809, %multiple_of3A_836 : i32
    %get3A_838 = arith.constant 0 : index
    %get3A_839 = arith.index_cast %multiple_of3A_836 : i32 to index
    %get3A_840 = vector.load %arg1[%get3A_838, %get3A_839] : memref<8x100000xf32, #tpu.memory_space<vmem>>, vector<1x128xf32>
    %eq3A_841 = vector.broadcast %sub3A_837 : i32 to vector<1x128xi32>
    %eq3A_842 = arith.cmpi eq, %iota3A, %eq3A_841 : vector<1x128xi32>
    %jit3A_843 = arith.constant 0xFF800000 : f32
    %broadcast_in_dim3A_844 = vector.broadcast %jit3A_843 : f32 to vector<1x128xf32>
    %select_n3A_845 = arith.select %eq3A_842, %broadcast_in_dim3A_844, %get3A_840 : vector<1x128xi1>, vector<1x128xf32>
    %swap3A_846 = arith.constant 0 : index
    %swap3A_847 = arith.index_cast %multiple_of3A_836 : i32 to index
    %swap3A_848 = vector.load %arg1[%swap3A_846, %swap3A_847] : memref<8x100000xf32, #tpu.memory_space<vmem>>, vector<1x128xf32>
    tpu.vector_store %arg1[%swap3A_846, %swap3A_847], %select_n3A_845 {strides = array<i32>} : memref<8x100000xf32, #tpu.memory_space<vmem>>, vector<1x128xf32>,
    %slice3A_849 = vector.extract_strided_slice %select_n3A_806 {offsets = [1, 0], sizes = [1, 1], strides = [1, 1]} : vector<8x1xi32> to vector<1x1xi32>
    %squeeze3A_850 = vector.extract %slice3A_849[0, 0] : i32 from vector<1x1xi32>
    %jit3A_851 = arith.constant 128 : i32
    %div3A_852 = arith.divsi %squeeze3A_850, %jit3A_851 : i32
    %sign3A_853 = arith.constant 0 : i32
    %sign3A_854 = arith.cmpi sgt, %squeeze3A_850, %sign3A_853 : i32
    %sign3A_855 = arith.extui %sign3A_854 : i1 to i32
    %sign3A_856 = arith.constant 0 : i32
    %sign3A_857 = arith.cmpi slt, %squeeze3A_850, %sign3A_856 : i32
    %sign3A_858 = arith.extui %sign3A_857 : i1 to i32
    %sign3A_859 = arith.subi %sign3A_855, %sign3A_858 : i32
    %sign3A_860 = arith.constant 0 : i32
    %sign3A_861 = arith.cmpi sgt, %jit3A_851, %sign3A_860 : i32
    %sign3A_862 = arith.extui %sign3A_861 : i1 to i32
    %sign3A_863 = arith.constant 0 : i32
    %sign3A_864 = arith.cmpi slt, %jit3A_851, %sign3A_863 : i32
    %sign3A_865 = arith.extui %sign3A_864 : i1 to i32
    %sign3A_866 = arith.subi %sign3A_862, %sign3A_865 : i32
    %ne3A_867 = arith.cmpi ne, %sign3A_859, %sign3A_866 : i32
    %rem3A_868 = arith.remsi %squeeze3A_850, %jit3A_851 : i32
    %ne3A_869 = arith.constant 0 : i32
    %ne3A_870 = arith.cmpi ne, %rem3A_868, %ne3A_869 : i32
    %and3A_871 = arith.andi %ne3A_867, %ne3A_870 : i1
    %sub3A_872 = arith.constant 1 : i32
    %sub3A_873 = arith.subi %div3A_852, %sub3A_872 : i32
    %select_n3A_874 = arith.select %and3A_871, %sub3A_873, %div3A_852 : i32
    %mul3A_875 = arith.constant 128 : i32
    %mul3A_876 = arith.muli %select_n3A_874, %mul3A_875 : i32
    %multiple_of3A_877 = tpu.assume_multiple %mul3A_876, 128 : i32
    %sub3A_878 = arith.subi %squeeze3A_850, %multiple_of3A_877 : i32
    %get3A_879 = arith.constant 1 : index
    %get3A_880 = arith.index_cast %multiple_of3A_877 : i32 to index
    %get3A_881 = vector.load %arg1[%get3A_879, %get3A_880] : memref<8x100000xf32, #tpu.memory_space<vmem>>, vector<1x128xf32>
    %eq3A_882 = vector.broadcast %sub3A_878 : i32 to vector<1x128xi32>
    %eq3A_883 = arith.cmpi eq, %iota3A, %eq3A_882 : vector<1x128xi32>
    %jit3A_884 = arith.constant 0xFF800000 : f32
    %broadcast_in_dim3A_885 = vector.broadcast %jit3A_884 : f32 to vector<1x128xf32>
    %select_n3A_886 = arith.select %eq3A_883, %broadcast_in_dim3A_885, %get3A_881 : vector<1x128xi1>, vector<1x128xf32>
    %swap3A_887 = arith.constant 1 : index
    %swap3A_888 = arith.index_cast %multiple_of3A_877 : i32 to index
    %swap3A_889 = vector.load %arg1[%swap3A_887, %swap3A_888] : memref<8x100000xf32, #tpu.memory_space<vmem>>, vector<1x128xf32>
    tpu.vector_store %arg1[%swap3A_887, %swap3A_888], %select_n3A_886 {strides = array<i32>} : memref<8x100000xf32, #tpu.memory_space<vmem>>, vector<1x128xf32>,
    %slice3A_890 = vector.extract_strided_slice %select_n3A_806 {offsets = [2, 0], sizes = [1, 1], strides = [1, 1]} : vector<8x1xi32> to vector<1x1xi32>
    %squeeze3A_891 = vector.extract %slice3A_890[0, 0] : i32 from vector<1x1xi32>
    %jit3A_892 = arith.constant 128 : i32
    %div3A_893 = arith.divsi %squeeze3A_891, %jit3A_892 : i32
    %sign3A_894 = arith.constant 0 : i32
    %sign3A_895 = arith.cmpi sgt, %squeeze3A_891, %sign3A_894 : i32
    %sign3A_896 = arith.extui %sign3A_895 : i1 to i32
    %sign3A_897 = arith.constant 0 : i32
    %sign3A_898 = arith.cmpi slt, %squeeze3A_891, %sign3A_897 : i32
    %sign3A_899 = arith.extui %sign3A_898 : i1 to i32
    %sign3A_900 = arith.subi %sign3A_896, %sign3A_899 : i32
    %sign3A_901 = arith.constant 0 : i32
    %sign3A_902 = arith.cmpi sgt, %jit3A_892, %sign3A_901 : i32
    %sign3A_903 = arith.extui %sign3A_902 : i1 to i32
    %sign3A_904 = arith.constant 0 : i32
    %sign3A_905 = arith.cmpi slt, %jit3A_892, %sign3A_904 : i32
    %sign3A_906 = arith.extui %sign3A_905 : i1 to i32
    %sign3A_907 = arith.subi %sign3A_903, %sign3A_906 : i32
    %ne3A_908 = arith.cmpi ne, %sign3A_900, %sign3A_907 : i32
    %rem3A_909 = arith.remsi %squeeze3A_891, %jit3A_892 : i32
    %ne3A_910 = arith.constant 0 : i32
    %ne3A_911 = arith.cmpi ne, %rem3A_909, %ne3A_910 : i32
    %and3A_912 = arith.andi %ne3A_908, %ne3A_911 : i1
    %sub3A_913 = arith.constant 1 : i32
    %sub3A_914 = arith.subi %div3A_893, %sub3A_913 : i32
    %select_n3A_915 = arith.select %and3A_912, %sub3A_914, %div3A_893 : i32
    %mul3A_916 = arith.constant 128 : i32
    %mul3A_917 = arith.muli %select_n3A_915, %mul3A_916 : i32
    %multiple_of3A_918 = tpu.assume_multiple %mul3A_917, 128 : i32
    %sub3A_919 = arith.subi %squeeze3A_891, %multiple_of3A_918 : i32
    %get3A_920 = arith.constant 2 : index
    %get3A_921 = arith.index_cast %multiple_of3A_918 : i32 to index
    %get3A_922 = vector.load %arg1[%get3A_920, %get3A_921] : memref<8x100000xf32, #tpu.memory_space<vmem>>, vector<1x128xf32>
    %eq3A_923 = vector.broadcast %sub3A_919 : i32 to vector<1x128xi32>
    %eq3A_924 = arith.cmpi eq, %iota3A, %eq3A_923 : vector<1x128xi32>
    %jit3A_925 = arith.constant 0xFF800000 : f32
    %broadcast_in_dim3A_926 = vector.broadcast %jit3A_925 : f32 to vector<1x128xf32>
    %select_n3A_927 = arith.select %eq3A_924, %broadcast_in_dim3A_926, %get3A_922 : vector<1x128xi1>, vector<1x128xf32>
    %swap3A_928 = arith.constant 2 : index
    %swap3A_929 = arith.index_cast %multiple_of3A_918 : i32 to index
    %swap3A_930 = vector.load %arg1[%swap3A_928, %swap3A_929] : memref<8x100000xf32, #tpu.memory_space<vmem>>, vector<1x128xf32>
    tpu.vector_store %arg1[%swap3A_928, %swap3A_929], %select_n3A_927 {strides = array<i32>} : memref<8x100000xf32, #tpu.memory_space<vmem>>, vector<1x128xf32>,
    %slice3A_931 = vector.extract_strided_slice %select_n3A_806 {offsets = [3, 0], sizes = [1, 1], strides = [1, 1]} : vector<8x1xi32> to vector<1x1xi32>
    %squeeze3A_932 = vector.extract %slice3A_931[0, 0] : i32 from vector<1x1xi32>
    %jit3A_933 = arith.constant 128 : i32
    %div3A_934 = arith.divsi %squeeze3A_932, %jit3A_933 : i32
    %sign3A_935 = arith.constant 0 : i32
    %sign3A_936 = arith.cmpi sgt, %squeeze3A_932, %sign3A_935 : i32
    %sign3A_937 = arith.extui %sign3A_936 : i1 to i32
    %sign3A_938 = arith.constant 0 : i32
    %sign3A_939 = arith.cmpi slt, %squeeze3A_932, %sign3A_938 : i32
    %sign3A_940 = arith.extui %sign3A_939 : i1 to i32
    %sign3A_941 = arith.subi %sign3A_937, %sign3A_940 : i32
    %sign3A_942 = arith.constant 0 : i32
    %sign3A_943 = arith.cmpi sgt, %jit3A_933, %sign3A_942 : i32
    %sign3A_944 = arith.extui %sign3A_943 : i1 to i32
    %sign3A_945 = arith.constant 0 : i32
    %sign3A_946 = arith.cmpi slt, %jit3A_933, %sign3A_945 : i32
    %sign3A_947 = arith.extui %sign3A_946 : i1 to i32
    %sign3A_948 = arith.subi %sign3A_944, %sign3A_947 : i32
    %ne3A_949 = arith.cmpi ne, %sign3A_941, %sign3A_948 : i32
    %rem3A_950 = arith.remsi %squeeze3A_932, %jit3A_933 : i32
    %ne3A_951 = arith.constant 0 : i32
    %ne3A_952 = arith.cmpi ne, %rem3A_950, %ne3A_951 : i32
    %and3A_953 = arith.andi %ne3A_949, %ne3A_952 : i1
    %sub3A_954 = arith.constant 1 : i32
    %sub3A_955 = arith.subi %div3A_934, %sub3A_954 : i32
    %select_n3A_956 = arith.select %and3A_953, %sub3A_955, %div3A_934 : i32
    %mul3A_957 = arith.constant 128 : i32
    %mul3A_958 = arith.muli %select_n3A_956, %mul3A_957 : i32
    %multiple_of3A_959 = tpu.assume_multiple %mul3A_958, 128 : i32
    %sub3A_960 = arith.subi %squeeze3A_932, %multiple_of3A_959 : i32
    %get3A_961 = arith.constant 3 : index
    %get3A_962 = arith.index_cast %multiple_of3A_959 : i32 to index
    %get3A_963 = vector.load %arg1[%get3A_961, %get3A_962] : memref<8x100000xf32, #tpu.memory_space<vmem>>, vector<1x128xf32>
    %eq3A_964 = vector.broadcast %sub3A_960 : i32 to vector<1x128xi32>
    %eq3A_965 = arith.cmpi eq, %iota3A, %eq3A_964 : vector<1x128xi32>
    %jit3A_966 = arith.constant 0xFF800000 : f32
    %broadcast_in_dim3A_967 = vector.broadcast %jit3A_966 : f32 to vector<1x128xf32>
    %select_n3A_968 = arith.select %eq3A_965, %broadcast_in_dim3A_967, %get3A_963 : vector<1x128xi1>, vector<1x128xf32>
    %swap3A_969 = arith.constant 3 : index
    %swap3A_970 = arith.index_cast %multiple_of3A_959 : i32 to index
    %swap3A_971 = vector.load %arg1[%swap3A_969, %swap3A_970] : memref<8x100000xf32, #tpu.memory_space<vmem>>, vector<1x128xf32>
    tpu.vector_store %arg1[%swap3A_969, %swap3A_970], %select_n3A_968 {strides = array<i32>} : memref<8x100000xf32, #tpu.memory_space<vmem>>, vector<1x128xf32>,
    %slice3A_972 = vector.extract_strided_slice %select_n3A_806 {offsets = [4, 0], sizes = [1, 1], strides = [1, 1]} : vector<8x1xi32> to vector<1x1xi32>
    %squeeze3A_973 = vector.extract %slice3A_972[0, 0] : i32 from vector<1x1xi32>
    %jit3A_974 = arith.constant 128 : i32
    %div3A_975 = arith.divsi %squeeze3A_973, %jit3A_974 : i32
    %sign3A_976 = arith.constant 0 : i32
    %sign3A_977 = arith.cmpi sgt, %squeeze3A_973, %sign3A_976 : i32
    %sign3A_978 = arith.extui %sign3A_977 : i1 to i32
    %sign3A_979 = arith.constant 0 : i32
    %sign3A_980 = arith.cmpi slt, %squeeze3A_973, %sign3A_979 : i32
    %sign3A_981 = arith.extui %sign3A_980 : i1 to i32
    %sign3A_982 = arith.subi %sign3A_978, %sign3A_981 : i32
    %sign3A_983 = arith.constant 0 : i32
    %sign3A_984 = arith.cmpi sgt, %jit3A_974, %sign3A_983 : i32
    %sign3A_985 = arith.extui %sign3A_984 : i1 to i32
    %sign3A_986 = arith.constant 0 : i32
    %sign3A_987 = arith.cmpi slt, %jit3A_974, %sign3A_986 : i32
    %sign3A_988 = arith.extui %sign3A_987 : i1 to i32
    %sign3A_989 = arith.subi %sign3A_985, %sign3A_988 : i32
    %ne3A_990 = arith.cmpi ne, %sign3A_982, %sign3A_989 : i32
    %rem3A_991 = arith.remsi %squeeze3A_973, %jit3A_974 : i32
    %ne3A_992 = arith.constant 0 : i32
    %ne3A_993 = arith.cmpi ne, %rem3A_991, %ne3A_992 : i32
    %and3A_994 = arith.andi %ne3A_990, %ne3A_993 : i1
    %sub3A_995 = arith.constant 1 : i32
    %sub3A_996 = arith.subi %div3A_975, %sub3A_995 : i32
    %select_n3A_997 = arith.select %and3A_994, %sub3A_996, %div3A_975 : i32
    %mul3A_998 = arith.constant 128 : i32
    %mul3A_999 = arith.muli %select_n3A_997, %mul3A_998 : i32
    %multiple_of3A_1000 = tpu.assume_multiple %mul3A_999, 128 : i32
    %sub3A_1001 = arith.subi %squeeze3A_973, %multiple_of3A_1000 : i32
    %get3A_1002 = arith.constant 4 : index
    %get3A_1003 = arith.index_cast %multiple_of3A_1000 : i32 to index
    %get3A_1004 = vector.load %arg1[%get3A_1002, %get3A_1003] : memref<8x100000xf32, #tpu.memory_space<vmem>>, vector<1x128xf32>
    %eq3A_1005 = vector.broadcast %sub3A_1001 : i32 to vector<1x128xi32>
    %eq3A_1006 = arith.cmpi eq, %iota3A, %eq3A_1005 : vector<1x128xi32>
    %jit3A_1007 = arith.constant 0xFF800000 : f32
    %broadcast_in_dim3A_1008 = vector.broadcast %jit3A_1007 : f32 to vector<1x128xf32>
    %select_n3A_1009 = arith.select %eq3A_1006, %broadcast_in_dim3A_1008, %get3A_1004 : vector<1x128xi1>, vector<1x128xf32>
    %swap3A_1010 = arith.constant 4 : index
    %swap3A_1011 = arith.index_cast %multiple_of3A_1000 : i32 to index
    %swap3A_1012 = vector.load %arg1[%swap3A_1010, %swap3A_1011] : memref<8x100000xf32, #tpu.memory_space<vmem>>, vector<1x128xf32>
    tpu.vector_store %arg1[%swap3A_1010, %swap3A_1011], %select_n3A_1009 {strides = array<i32>} : memref<8x100000xf32, #tpu.memory_space<vmem>>, vector<1x128xf32>,
    %slice3A_1013 = vector.extract_strided_slice %select_n3A_806 {offsets = [5, 0], sizes = [1, 1], strides = [1, 1]} : vector<8x1xi32> to vector<1x1xi32>
    %squeeze3A_1014 = vector.extract %slice3A_1013[0, 0] : i32 from vector<1x1xi32>
    %jit3A_1015 = arith.constant 128 : i32
    %div3A_1016 = arith.divsi %squeeze3A_1014, %jit3A_1015 : i32
    %sign3A_1017 = arith.constant 0 : i32
    %sign3A_1018 = arith.cmpi sgt, %squeeze3A_1014, %sign3A_1017 : i32
    %sign3A_1019 = arith.extui %sign3A_1018 : i1 to i32
    %sign3A_1020 = arith.constant 0 : i32
    %sign3A_1021 = arith.cmpi slt, %squeeze3A_1014, %sign3A_1020 : i32
    %sign3A_1022 = arith.extui %sign3A_1021 : i1 to i32
    %sign3A_1023 = arith.subi %sign3A_1019, %sign3A_1022 : i32
    %sign3A_1024 = arith.constant 0 : i32
    %sign3A_1025 = arith.cmpi sgt, %jit3A_1015, %sign3A_1024 : i32
    %sign3A_1026 = arith.extui %sign3A_1025 : i1 to i32
    %sign3A_1027 = arith.constant 0 : i32
    %sign3A_1028 = arith.cmpi slt, %jit3A_1015, %sign3A_1027 : i32
    %sign3A_1029 = arith.extui %sign3A_1028 : i1 to i32
    %sign3A_1030 = arith.subi %sign3A_1026, %sign3A_1029 : i32
    %ne3A_1031 = arith.cmpi ne, %sign3A_1023, %sign3A_1030 : i32
    %rem3A_1032 = arith.remsi %squeeze3A_1014, %jit3A_1015 : i32
    %ne3A_1033 = arith.constant 0 : i32
    %ne3A_1034 = arith.cmpi ne, %rem3A_1032, %ne3A_1033 : i32
    %and3A_1035 = arith.andi %ne3A_1031, %ne3A_1034 : i1
    %sub3A_1036 = arith.constant 1 : i32
    %sub3A_1037 = arith.subi %div3A_1016, %sub3A_1036 : i32
    %select_n3A_1038 = arith.select %and3A_1035, %sub3A_1037, %div3A_1016 : i32
    %mul3A_1039 = arith.constant 128 : i32
    %mul3A_1040 = arith.muli %select_n3A_1038, %mul3A_1039 : i32
    %multiple_of3A_1041 = tpu.assume_multiple %mul3A_1040, 128 : i32
    %sub3A_1042 = arith.subi %squeeze3A_1014, %multiple_of3A_1041 : i32
    %get3A_1043 = arith.constant 5 : index
    %get3A_1044 = arith.index_cast %multiple_of3A_1041 : i32 to index
    %get3A_1045 = vector.load %arg1[%get3A_1043, %get3A_1044] : memref<8x100000xf32, #tpu.memory_space<vmem>>, vector<1x128xf32>
    %eq3A_1046 = vector.broadcast %sub3A_1042 : i32 to vector<1x128xi32>
    %eq3A_1047 = arith.cmpi eq, %iota3A, %eq3A_1046 : vector<1x128xi32>
    %jit3A_1048 = arith.constant 0xFF800000 : f32
    %broadcast_in_dim3A_1049 = vector.broadcast %jit3A_1048 : f32 to vector<1x128xf32>
    %select_n3A_1050 = arith.select %eq3A_1047, %broadcast_in_dim3A_1049, %get3A_1045 : vector<1x128xi1>, vector<1x128xf32>
    %swap3A_1051 = arith.constant 5 : index
    %swap3A_1052 = arith.index_cast %multiple_of3A_1041 : i32 to index
    %swap3A_1053 = vector.load %arg1[%swap3A_1051, %swap3A_1052] : memref<8x100000xf32, #tpu.memory_space<vmem>>, vector<1x128xf32>
    tpu.vector_store %arg1[%swap3A_1051, %swap3A_1052], %select_n3A_1050 {strides = array<i32>} : memref<8x100000xf32, #tpu.memory_space<vmem>>, vector<1x128xf32>,
    %slice3A_1054 = vector.extract_strided_slice %select_n3A_806 {offsets = [6, 0], sizes = [1, 1], strides = [1, 1]} : vector<8x1xi32> to vector<1x1xi32>
    %squeeze3A_1055 = vector.extract %slice3A_1054[0, 0] : i32 from vector<1x1xi32>
    %jit3A_1056 = arith.constant 128 : i32
    %div3A_1057 = arith.divsi %squeeze3A_1055, %jit3A_1056 : i32
    %sign3A_1058 = arith.constant 0 : i32
    %sign3A_1059 = arith.cmpi sgt, %squeeze3A_1055, %sign3A_1058 : i32
    %sign3A_1060 = arith.extui %sign3A_1059 : i1 to i32
    %sign3A_1061 = arith.constant 0 : i32
    %sign3A_1062 = arith.cmpi slt, %squeeze3A_1055, %sign3A_1061 : i32
    %sign3A_1063 = arith.extui %sign3A_1062 : i1 to i32
    %sign3A_1064 = arith.subi %sign3A_1060, %sign3A_1063 : i32
    %sign3A_1065 = arith.constant 0 : i32
    %sign3A_1066 = arith.cmpi sgt, %jit3A_1056, %sign3A_1065 : i32
    %sign3A_1067 = arith.extui %sign3A_1066 : i1 to i32
    %sign3A_1068 = arith.constant 0 : i32
    %sign3A_1069 = arith.cmpi slt, %jit3A_1056, %sign3A_1068 : i32
    %sign3A_1070 = arith.extui %sign3A_1069 : i1 to i32
    %sign3A_1071 = arith.subi %sign3A_1067, %sign3A_1070 : i32
    %ne3A_1072 = arith.cmpi ne, %sign3A_1064, %sign3A_1071 : i32
    %rem3A_1073 = arith.remsi %squeeze3A_1055, %jit3A_1056 : i32
    %ne3A_1074 = arith.constant 0 : i32
    %ne3A_1075 = arith.cmpi ne, %rem3A_1073, %ne3A_1074 : i32
    %and3A_1076 = arith.andi %ne3A_1072, %ne3A_1075 : i1
    %sub3A_1077 = arith.constant 1 : i32
    %sub3A_1078 = arith.subi %div3A_1057, %sub3A_1077 : i32
    %select_n3A_1079 = arith.select %and3A_1076, %sub3A_1078, %div3A_1057 : i32
    %mul3A_1080 = arith.constant 128 : i32
    %mul3A_1081 = arith.muli %select_n3A_1079, %mul3A_1080 : i32
    %multiple_of3A_1082 = tpu.assume_multiple %mul3A_1081, 128 : i32
    %sub3A_1083 = arith.subi %squeeze3A_1055, %multiple_of3A_1082 : i32
    %get3A_1084 = arith.constant 6 : index
    %get3A_1085 = arith.index_cast %multiple_of3A_1082 : i32 to index
    %get3A_1086 = vector.load %arg1[%get3A_1084, %get3A_1085] : memref<8x100000xf32, #tpu.memory_space<vmem>>, vector<1x128xf32>
    %eq3A_1087 = vector.broadcast %sub3A_1083 : i32 to vector<1x128xi32>
    %eq3A_1088 = arith.cmpi eq, %iota3A, %eq3A_1087 : vector<1x128xi32>
    %jit3A_1089 = arith.constant 0xFF800000 : f32
    %broadcast_in_dim3A_1090 = vector.broadcast %jit3A_1089 : f32 to vector<1x128xf32>
    %select_n3A_1091 = arith.select %eq3A_1088, %broadcast_in_dim3A_1090, %get3A_1086 : vector<1x128xi1>, vector<1x128xf32>
    %swap3A_1092 = arith.constant 6 : index
    %swap3A_1093 = arith.index_cast %multiple_of3A_1082 : i32 to index
    %swap3A_1094 = vector.load %arg1[%swap3A_1092, %swap3A_1093] : memref<8x100000xf32, #tpu.memory_space<vmem>>, vector<1x128xf32>
    tpu.vector_store %arg1[%swap3A_1092, %swap3A_1093], %select_n3A_1091 {strides = array<i32>} : memref<8x100000xf32, #tpu.memory_space<vmem>>, vector<1x128xf32>,
    %slice3A_1095 = vector.extract_strided_slice %select_n3A_806 {offsets = [7, 0], sizes = [1, 1], strides = [1, 1]} : vector<8x1xi32> to vector<1x1xi32>
    %squeeze3A_1096 = vector.extract %slice3A_1095[0, 0] : i32 from vector<1x1xi32>
    %jit3A_1097 = arith.constant 128 : i32
    %div3A_1098 = arith.divsi %squeeze3A_1096, %jit3A_1097 : i32
    %sign3A_1099 = arith.constant 0 : i32
    %sign3A_1100 = arith.cmpi sgt, %squeeze3A_1096, %sign3A_1099 : i32
    %sign3A_1101 = arith.extui %sign3A_1100 : i1 to i32
    %sign3A_1102 = arith.constant 0 : i32
    %sign3A_1103 = arith.cmpi slt, %squeeze3A_1096, %sign3A_1102 : i32
    %sign3A_1104 = arith.extui %sign3A_1103 : i1 to i32
    %sign3A_1105 = arith.subi %sign3A_1101, %sign3A_1104 : i32
    %sign3A_1106 = arith.constant 0 : i32
    %sign3A_1107 = arith.cmpi sgt, %jit3A_1097, %sign3A_1106 : i32
    %sign3A_1108 = arith.extui %sign3A_1107 : i1 to i32
    %sign3A_1109 = arith.constant 0 : i32
    %sign3A_1110 = arith.cmpi slt, %jit3A_1097, %sign3A_1109 : i32
    %sign3A_1111 = arith.extui %sign3A_1110 : i1 to i32
    %sign3A_1112 = arith.subi %sign3A_1108, %sign3A_1111 : i32
    %ne3A_1113 = arith.cmpi ne, %sign3A_1105, %sign3A_1112 : i32
    %rem3A_1114 = arith.remsi %squeeze3A_1096, %jit3A_1097 : i32
    %ne3A_1115 = arith.constant 0 : i32
    %ne3A_1116 = arith.cmpi ne, %rem3A_1114, %ne3A_1115 : i32
    %and3A_1117 = arith.andi %ne3A_1113, %ne3A_1116 : i1
    %sub3A_1118 = arith.constant 1 : i32
    %sub3A_1119 = arith.subi %div3A_1098, %sub3A_1118 : i32
    %select_n3A_1120 = arith.select %and3A_1117, %sub3A_1119, %div3A_1098 : i32
    %mul3A_1121 = arith.constant 128 : i32
    %mul3A_1122 = arith.muli %select_n3A_1120, %mul3A_1121 : i32
    %multiple_of3A_1123 = tpu.assume_multiple %mul3A_1122, 128 : i32
    %sub3A_1124 = arith.subi %squeeze3A_1096, %multiple_of3A_1123 : i32
    %get3A_1125 = arith.constant 7 : index
    %get3A_1126 = arith.index_cast %multiple_of3A_1123 : i32 to index
    %get3A_1127 = vector.load %arg1[%get3A_1125, %get3A_1126] : memref<8x100000xf32, #tpu.memory_space<vmem>>, vector<1x128xf32>
    %eq3A_1128 = vector.broadcast %sub3A_1124 : i32 to vector<1x128xi32>
    %eq3A_1129 = arith.cmpi eq, %iota3A, %eq3A_1128 : vector<1x128xi32>
    %jit3A_1130 = arith.constant 0xFF800000 : f32
    %broadcast_in_dim3A_1131 = vector.broadcast %jit3A_1130 : f32 to vector<1x128xf32>
    %select_n3A_1132 = arith.select %eq3A_1129, %broadcast_in_dim3A_1131, %get3A_1127 : vector<1x128xi1>, vector<1x128xf32>
    %swap3A_1133 = arith.constant 7 : index
    %swap3A_1134 = arith.index_cast %multiple_of3A_1123 : i32 to index
    %swap3A_1135 = vector.load %arg1[%swap3A_1133, %swap3A_1134] : memref<8x100000xf32, #tpu.memory_space<vmem>>, vector<1x128xf32>
    tpu.vector_store %arg1[%swap3A_1133, %swap3A_1134], %select_n3A_1132 {strides = array<i32>} : memref<8x100000xf32, #tpu.memory_space<vmem>>, vector<1x128xf32>,
    %get3A_1136 = arith.constant 0 : index
    %get3A_1137 = arith.constant 0 : index
    %get3A_1138 = vector.load %arg1[%get3A_1136, %get3A_1137] : memref<8x100000xf32, #tpu.memory_space<vmem>>, vector<8x100000xf32>
    %slice3A_1139 = vector.extract_strided_slice %get3A_1138 {offsets = [0, 0], sizes = [8, 24960], strides = [1, 1]} : vector<8x100000xf32> to vector<8x24960xf32>
    %reduce_max3A_1140 = arith.constant dense<0xFF800000> : vector<8xf32>
    %reduce_max3A_1141 = vector.multi_reduction <maximumf>, %slice3A_1139, %reduce_max3A_1140 [1] : vector<8x24960xf32> to vector<8xf32>
    %broadcast_in_dim3A_1142 = vector.shape_cast %reduce_max3A_1141 : vector<8xf32> to vector<8x1xf32>
    %argmax3A_1143 = tpu.reduce_index %slice3A_1139 {axis = 1 : i32, kind = #tpu.reduction_kind<arg_max>} : vector<8x24960xf32> -> vector<8xi32>
    %broadcast_in_dim3A_1144 = vector.shape_cast %argmax3A_1143 : vector<8xi32> to vector<8x1xi32>
    %add3A_1145 = arith.constant 0 : i32
    %add3A_1146 = vector.broadcast %add3A_1145 : i32 to vector<8x1xi32>
    %add3A_1147 = arith.addi %broadcast_in_dim3A_1144, %add3A_1146 : vector<8x1xi32>
    %slice3A_1148 = vector.extract_strided_slice %get3A_1138 {offsets = [0, 24960], sizes = [8, 24960], strides = [1, 1]} : vector<8x100000xf32> to vector<8x24960xf32>
    %reduce_max3A_1149 = arith.constant dense<0xFF800000> : vector<8xf32>
    %reduce_max3A_1150 = vector.multi_reduction <maximumf>, %slice3A_1148, %reduce_max3A_1149 [1] : vector<8x24960xf32> to vector<8xf32>
    %broadcast_in_dim3A_1151 = vector.shape_cast %reduce_max3A_1150 : vector<8xf32> to vector<8x1xf32>
    %argmax3A_1152 = tpu.reduce_index %slice3A_1148 {axis = 1 : i32, kind = #tpu.reduction_kind<arg_max>} : vector<8x24960xf32> -> vector<8xi32>
    %broadcast_in_dim3A_1153 = vector.shape_cast %argmax3A_1152 : vector<8xi32> to vector<8x1xi32>
    %add3A_1154 = arith.constant 24960 : i32
    %add3A_1155 = vector.broadcast %add3A_1154 : i32 to vector<8x1xi32>
    %add3A_1156 = arith.addi %broadcast_in_dim3A_1153, %add3A_1155 : vector<8x1xi32>
    %slice3A_1157 = vector.extract_strided_slice %get3A_1138 {offsets = [0, 49920], sizes = [8, 24960], strides = [1, 1]} : vector<8x100000xf32> to vector<8x24960xf32>
    %reduce_max3A_1158 = arith.constant dense<0xFF800000> : vector<8xf32>
    %reduce_max3A_1159 = vector.multi_reduction <maximumf>, %slice3A_1157, %reduce_max3A_1158 [1] : vector<8x24960xf32> to vector<8xf32>
    %broadcast_in_dim3A_1160 = vector.shape_cast %reduce_max3A_1159 : vector<8xf32> to vector<8x1xf32>
    %argmax3A_1161 = tpu.reduce_index %slice3A_1157 {axis = 1 : i32, kind = #tpu.reduction_kind<arg_max>} : vector<8x24960xf32> -> vector<8xi32>
    %broadcast_in_dim3A_1162 = vector.shape_cast %argmax3A_1161 : vector<8xi32> to vector<8x1xi32>
    %add3A_1163 = arith.constant 49920 : i32
    %add3A_1164 = vector.broadcast %add3A_1163 : i32 to vector<8x1xi32>
    %add3A_1165 = arith.addi %broadcast_in_dim3A_1162, %add3A_1164 : vector<8x1xi32>
    %slice3A_1166 = vector.extract_strided_slice %get3A_1138 {offsets = [0, 74880], sizes = [8, 25120], strides = [1, 1]} : vector<8x100000xf32> to vector<8x25120xf32>
    %reduce_max3A_1167 = arith.constant dense<0xFF800000> : vector<8xf32>
    %reduce_max3A_1168 = vector.multi_reduction <maximumf>, %slice3A_1166, %reduce_max3A_1167 [1] : vector<8x25120xf32> to vector<8xf32>
    %broadcast_in_dim3A_1169 = vector.shape_cast %reduce_max3A_1168 : vector<8xf32> to vector<8x1xf32>
    %argmax3A_1170 = tpu.reduce_index %slice3A_1166 {axis = 1 : i32, kind = #tpu.reduction_kind<arg_max>} : vector<8x25120xf32> -> vector<8xi32>
    %broadcast_in_dim3A_1171 = vector.shape_cast %argmax3A_1170 : vector<8xi32> to vector<8x1xi32>
    %add3A_1172 = arith.constant 74880 : i32
    %add3A_1173 = vector.broadcast %add3A_1172 : i32 to vector<8x1xi32>
    %add3A_1174 = arith.addi %broadcast_in_dim3A_1171, %add3A_1173 : vector<8x1xi32>
    %gt3A_1175 = arith.cmpf ogt, %broadcast_in_dim3A_1151, %broadcast_in_dim3A_1142 : vector<8x1xf32>
    %select_n3A_1176 = arith.select %gt3A_1175, %add3A_1156, %add3A_1147 : vector<8x1xi1>, vector<8x1xi32>
    %select_n3A_1177 = arith.select %gt3A_1175, %broadcast_in_dim3A_1151, %broadcast_in_dim3A_1142 : vector<8x1xi1>, vector<8x1xf32>
    %gt3A_1178 = arith.cmpf ogt, %broadcast_in_dim3A_1160, %select_n3A_1177 : vector<8x1xf32>
    %select_n3A_1179 = arith.select %gt3A_1178, %add3A_1165, %select_n3A_1176 : vector<8x1xi1>, vector<8x1xi32>
    %select_n3A_1180 = arith.select %gt3A_1178, %broadcast_in_dim3A_1160, %select_n3A_1177 : vector<8x1xi1>, vector<8x1xf32>
    %gt3A_1181 = arith.cmpf ogt, %broadcast_in_dim3A_1169, %select_n3A_1180 : vector<8x1xf32>
    %select_n3A_1182 = arith.select %gt3A_1181, %add3A_1174, %select_n3A_1179 : vector<8x1xi1>, vector<8x1xi32>
    %select_n3A_1183 = arith.select %gt3A_1181, %broadcast_in_dim3A_1169, %select_n3A_1180 : vector<8x1xi1>, vector<8x1xf32>
    %slice3A_1184 = vector.extract_strided_slice %select_n3A_1182 {offsets = [0, 0], sizes = [1, 1], strides = [1, 1]} : vector<8x1xi32> to vector<1x1xi32>
    %squeeze3A_1185 = vector.extract %slice3A_1184[0, 0] : i32 from vector<1x1xi32>
    %jit3A_1186 = arith.constant 128 : i32
    %div3A_1187 = arith.divsi %squeeze3A_1185, %jit3A_1186 : i32
    %sign3A_1188 = arith.constant 0 : i32
    %sign3A_1189 = arith.cmpi sgt, %squeeze3A_1185, %sign3A_1188 : i32
    %sign3A_1190 = arith.extui %sign3A_1189 : i1 to i32
    %sign3A_1191 = arith.constant 0 : i32
    %sign3A_1192 = arith.cmpi slt, %squeeze3A_1185, %sign3A_1191 : i32
    %sign3A_1193 = arith.extui %sign3A_1192 : i1 to i32
    %sign3A_1194 = arith.subi %sign3A_1190, %sign3A_1193 : i32
    %sign3A_1195 = arith.constant 0 : i32
    %sign3A_1196 = arith.cmpi sgt, %jit3A_1186, %sign3A_1195 : i32
    %sign3A_1197 = arith.extui %sign3A_1196 : i1 to i32
    %sign3A_1198 = arith.constant 0 : i32
    %sign3A_1199 = arith.cmpi slt, %jit3A_1186, %sign3A_1198 : i32
    %sign3A_1200 = arith.extui %sign3A_1199 : i1 to i32
    %sign3A_1201 = arith.subi %sign3A_1197, %sign3A_1200 : i32
    %ne3A_1202 = arith.cmpi ne, %sign3A_1194, %sign3A_1201 : i32
    %rem3A_1203 = arith.remsi %squeeze3A_1185, %jit3A_1186 : i32
    %ne3A_1204 = arith.constant 0 : i32
    %ne3A_1205 = arith.cmpi ne, %rem3A_1203, %ne3A_1204 : i32
    %and3A_1206 = arith.andi %ne3A_1202, %ne3A_1205 : i1
    %sub3A_1207 = arith.constant 1 : i32
    %sub3A_1208 = arith.subi %div3A_1187, %sub3A_1207 : i32
    %select_n3A_1209 = arith.select %and3A_1206, %sub3A_1208, %div3A_1187 : i32
    %mul3A_1210 = arith.constant 128 : i32
    %mul3A_1211 = arith.muli %select_n3A_1209, %mul3A_1210 : i32
    %multiple_of3A_1212 = tpu.assume_multiple %mul3A_1211, 128 : i32
    %sub3A_1213 = arith.subi %squeeze3A_1185, %multiple_of3A_1212 : i32
    %get3A_1214 = arith.constant 0 : index
    %get3A_1215 = arith.index_cast %multiple_of3A_1212 : i32 to index
    %get3A_1216 = vector.load %arg1[%get3A_1214, %get3A_1215] : memref<8x100000xf32, #tpu.memory_space<vmem>>, vector<1x128xf32>
    %eq3A_1217 = vector.broadcast %sub3A_1213 : i32 to vector<1x128xi32>
    %eq3A_1218 = arith.cmpi eq, %iota3A, %eq3A_1217 : vector<1x128xi32>
    %jit3A_1219 = arith.constant 0xFF800000 : f32
    %broadcast_in_dim3A_1220 = vector.broadcast %jit3A_1219 : f32 to vector<1x128xf32>
    %select_n3A_1221 = arith.select %eq3A_1218, %broadcast_in_dim3A_1220, %get3A_1216 : vector<1x128xi1>, vector<1x128xf32>
    %swap3A_1222 = arith.constant 0 : index
    %swap3A_1223 = arith.index_cast %multiple_of3A_1212 : i32 to index
    %swap3A_1224 = vector.load %arg1[%swap3A_1222, %swap3A_1223] : memref<8x100000xf32, #tpu.memory_space<vmem>>, vector<1x128xf32>
    tpu.vector_store %arg1[%swap3A_1222, %swap3A_1223], %select_n3A_1221 {strides = array<i32>} : memref<8x100000xf32, #tpu.memory_space<vmem>>, vector<1x128xf32>,
    %slice3A_1225 = vector.extract_strided_slice %select_n3A_1182 {offsets = [1, 0], sizes = [1, 1], strides = [1, 1]} : vector<8x1xi32> to vector<1x1xi32>
    %squeeze3A_1226 = vector.extract %slice3A_1225[0, 0] : i32 from vector<1x1xi32>
    %jit3A_1227 = arith.constant 128 : i32
    %div3A_1228 = arith.divsi %squeeze3A_1226, %jit3A_1227 : i32
    %sign3A_1229 = arith.constant 0 : i32
    %sign3A_1230 = arith.cmpi sgt, %squeeze3A_1226, %sign3A_1229 : i32
    %sign3A_1231 = arith.extui %sign3A_1230 : i1 to i32
    %sign3A_1232 = arith.constant 0 : i32
    %sign3A_1233 = arith.cmpi slt, %squeeze3A_1226, %sign3A_1232 : i32
    %sign3A_1234 = arith.extui %sign3A_1233 : i1 to i32
    %sign3A_1235 = arith.subi %sign3A_1231, %sign3A_1234 : i32
    %sign3A_1236 = arith.constant 0 : i32
    %sign3A_1237 = arith.cmpi sgt, %jit3A_1227, %sign3A_1236 : i32
    %sign3A_1238 = arith.extui %sign3A_1237 : i1 to i32
    %sign3A_1239 = arith.constant 0 : i32
    %sign3A_1240 = arith.cmpi slt, %jit3A_1227, %sign3A_1239 : i32
    %sign3A_1241 = arith.extui %sign3A_1240 : i1 to i32
    %sign3A_1242 = arith.subi %sign3A_1238, %sign3A_1241 : i32
    %ne3A_1243 = arith.cmpi ne, %sign3A_1235, %sign3A_1242 : i32
    %rem3A_1244 = arith.remsi %squeeze3A_1226, %jit3A_1227 : i32
    %ne3A_1245 = arith.constant 0 : i32
    %ne3A_1246 = arith.cmpi ne, %rem3A_1244, %ne3A_1245 : i32
    %and3A_1247 = arith.andi %ne3A_1243, %ne3A_1246 : i1
    %sub3A_1248 = arith.constant 1 : i32
    %sub3A_1249 = arith.subi %div3A_1228, %sub3A_1248 : i32
    %select_n3A_1250 = arith.select %and3A_1247, %sub3A_1249, %div3A_1228 : i32
    %mul3A_1251 = arith.constant 128 : i32
    %mul3A_1252 = arith.muli %select_n3A_1250, %mul3A_1251 : i32
    %multiple_of3A_1253 = tpu.assume_multiple %mul3A_1252, 128 : i32
    %sub3A_1254 = arith.subi %squeeze3A_1226, %multiple_of3A_1253 : i32
    %get3A_1255 = arith.constant 1 : index
    %get3A_1256 = arith.index_cast %multiple_of3A_1253 : i32 to index
    %get3A_1257 = vector.load %arg1[%get3A_1255, %get3A_1256] : memref<8x100000xf32, #tpu.memory_space<vmem>>, vector<1x128xf32>
    %eq3A_1258 = vector.broadcast %sub3A_1254 : i32 to vector<1x128xi32>
    %eq3A_1259 = arith.cmpi eq, %iota3A, %eq3A_1258 : vector<1x128xi32>
    %jit3A_1260 = arith.constant 0xFF800000 : f32
    %broadcast_in_dim3A_1261 = vector.broadcast %jit3A_1260 : f32 to vector<1x128xf32>
    %select_n3A_1262 = arith.select %eq3A_1259, %broadcast_in_dim3A_1261, %get3A_1257 : vector<1x128xi1>, vector<1x128xf32>
    %swap3A_1263 = arith.constant 1 : index
    %swap3A_1264 = arith.index_cast %multiple_of3A_1253 : i32 to index
    %swap3A_1265 = vector.load %arg1[%swap3A_1263, %swap3A_1264] : memref<8x100000xf32, #tpu.memory_space<vmem>>, vector<1x128xf32>
    tpu.vector_store %arg1[%swap3A_1263, %swap3A_1264], %select_n3A_1262 {strides = array<i32>} : memref<8x100000xf32, #tpu.memory_space<vmem>>, vector<1x128xf32>,
    %slice3A_1266 = vector.extract_strided_slice %select_n3A_1182 {offsets = [2, 0], sizes = [1, 1], strides = [1, 1]} : vector<8x1xi32> to vector<1x1xi32>
    %squeeze3A_1267 = vector.extract %slice3A_1266[0, 0] : i32 from vector<1x1xi32>
    %jit3A_1268 = arith.constant 128 : i32
    %div3A_1269 = arith.divsi %squeeze3A_1267, %jit3A_1268 : i32
    %sign3A_1270 = arith.constant 0 : i32
    %sign3A_1271 = arith.cmpi sgt, %squeeze3A_1267, %sign3A_1270 : i32
    %sign3A_1272 = arith.extui %sign3A_1271 : i1 to i32
    %sign3A_1273 = arith.constant 0 : i32
    %sign3A_1274 = arith.cmpi slt, %squeeze3A_1267, %sign3A_1273 : i32
    %sign3A_1275 = arith.extui %sign3A_1274 : i1 to i32
    %sign3A_1276 = arith.subi %sign3A_1272, %sign3A_1275 : i32
    %sign3A_1277 = arith.constant 0 : i32
    %sign3A_1278 = arith.cmpi sgt, %jit3A_1268, %sign3A_1277 : i32
    %sign3A_1279 = arith.extui %sign3A_1278 : i1 to i32
    %sign3A_1280 = arith.constant 0 : i32
    %sign3A_1281 = arith.cmpi slt, %jit3A_1268, %sign3A_1280 : i32
    %sign3A_1282 = arith.extui %sign3A_1281 : i1 to i32
    %sign3A_1283 = arith.subi %sign3A_1279, %sign3A_1282 : i32
    %ne3A_1284 = arith.cmpi ne, %sign3A_1276, %sign3A_1283 : i32
    %rem3A_1285 = arith.remsi %squeeze3A_1267, %jit3A_1268 : i32
    %ne3A_1286 = arith.constant 0 : i32
    %ne3A_1287 = arith.cmpi ne, %rem3A_1285, %ne3A_1286 : i32
    %and3A_1288 = arith.andi %ne3A_1284, %ne3A_1287 : i1
    %sub3A_1289 = arith.constant 1 : i32
    %sub3A_1290 = arith.subi %div3A_1269, %sub3A_1289 : i32
    %select_n3A_1291 = arith.select %and3A_1288, %sub3A_1290, %div3A_1269 : i32
    %mul3A_1292 = arith.constant 128 : i32
    %mul3A_1293 = arith.muli %select_n3A_1291, %mul3A_1292 : i32
    %multiple_of3A_1294 = tpu.assume_multiple %mul3A_1293, 128 : i32
    %sub3A_1295 = arith.subi %squeeze3A_1267, %multiple_of3A_1294 : i32
    %get3A_1296 = arith.constant 2 : index
    %get3A_1297 = arith.index_cast %multiple_of3A_1294 : i32 to index
    %get3A_1298 = vector.load %arg1[%get3A_1296, %get3A_1297] : memref<8x100000xf32, #tpu.memory_space<vmem>>, vector<1x128xf32>
    %eq3A_1299 = vector.broadcast %sub3A_1295 : i32 to vector<1x128xi32>
    %eq3A_1300 = arith.cmpi eq, %iota3A, %eq3A_1299 : vector<1x128xi32>
    %jit3A_1301 = arith.constant 0xFF800000 : f32
    %broadcast_in_dim3A_1302 = vector.broadcast %jit3A_1301 : f32 to vector<1x128xf32>
    %select_n3A_1303 = arith.select %eq3A_1300, %broadcast_in_dim3A_1302, %get3A_1298 : vector<1x128xi1>, vector<1x128xf32>
    %swap3A_1304 = arith.constant 2 : index
    %swap3A_1305 = arith.index_cast %multiple_of3A_1294 : i32 to index
    %swap3A_1306 = vector.load %arg1[%swap3A_1304, %swap3A_1305] : memref<8x100000xf32, #tpu.memory_space<vmem>>, vector<1x128xf32>
    tpu.vector_store %arg1[%swap3A_1304, %swap3A_1305], %select_n3A_1303 {strides = array<i32>} : memref<8x100000xf32, #tpu.memory_space<vmem>>, vector<1x128xf32>,
    %slice3A_1307 = vector.extract_strided_slice %select_n3A_1182 {offsets = [3, 0], sizes = [1, 1], strides = [1, 1]} : vector<8x1xi32> to vector<1x1xi32>
    %squeeze3A_1308 = vector.extract %slice3A_1307[0, 0] : i32 from vector<1x1xi32>
    %jit3A_1309 = arith.constant 128 : i32
    %div3A_1310 = arith.divsi %squeeze3A_1308, %jit3A_1309 : i32
    %sign3A_1311 = arith.constant 0 : i32
    %sign3A_1312 = arith.cmpi sgt, %squeeze3A_1308, %sign3A_1311 : i32
    %sign3A_1313 = arith.extui %sign3A_1312 : i1 to i32
    %sign3A_1314 = arith.constant 0 : i32
    %sign3A_1315 = arith.cmpi slt, %squeeze3A_1308, %sign3A_1314 : i32
    %sign3A_1316 = arith.extui %sign3A_1315 : i1 to i32
    %sign3A_1317 = arith.subi %sign3A_1313, %sign3A_1316 : i32
    %sign3A_1318 = arith.constant 0 : i32
    %sign3A_1319 = arith.cmpi sgt, %jit3A_1309, %sign3A_1318 : i32
    %sign3A_1320 = arith.extui %sign3A_1319 : i1 to i32
    %sign3A_1321 = arith.constant 0 : i32
    %sign3A_1322 = arith.cmpi slt, %jit3A_1309, %sign3A_1321 : i32
    %sign3A_1323 = arith.extui %sign3A_1322 : i1 to i32
    %sign3A_1324 = arith.subi %sign3A_1320, %sign3A_1323 : i32
    %ne3A_1325 = arith.cmpi ne, %sign3A_1317, %sign3A_1324 : i32
    %rem3A_1326 = arith.remsi %squeeze3A_1308, %jit3A_1309 : i32
    %ne3A_1327 = arith.constant 0 : i32
    %ne3A_1328 = arith.cmpi ne, %rem3A_1326, %ne3A_1327 : i32
    %and3A_1329 = arith.andi %ne3A_1325, %ne3A_1328 : i1
    %sub3A_1330 = arith.constant 1 : i32
    %sub3A_1331 = arith.subi %div3A_1310, %sub3A_1330 : i32
    %select_n3A_1332 = arith.select %and3A_1329, %sub3A_1331, %div3A_1310 : i32
    %mul3A_1333 = arith.constant 128 : i32
    %mul3A_1334 = arith.muli %select_n3A_1332, %mul3A_1333 : i32
    %multiple_of3A_1335 = tpu.assume_multiple %mul3A_1334, 128 : i32
    %sub3A_1336 = arith.subi %squeeze3A_1308, %multiple_of3A_1335 : i32
    %get3A_1337 = arith.constant 3 : index
    %get3A_1338 = arith.index_cast %multiple_of3A_1335 : i32 to index
    %get3A_1339 = vector.load %arg1[%get3A_1337, %get3A_1338] : memref<8x100000xf32, #tpu.memory_space<vmem>>, vector<1x128xf32>
    %eq3A_1340 = vector.broadcast %sub3A_1336 : i32 to vector<1x128xi32>
    %eq3A_1341 = arith.cmpi eq, %iota3A, %eq3A_1340 : vector<1x128xi32>
    %jit3A_1342 = arith.constant 0xFF800000 : f32
    %broadcast_in_dim3A_1343 = vector.broadcast %jit3A_1342 : f32 to vector<1x128xf32>
    %select_n3A_1344 = arith.select %eq3A_1341, %broadcast_in_dim3A_1343, %get3A_1339 : vector<1x128xi1>, vector<1x128xf32>
    %swap3A_1345 = arith.constant 3 : index
    %swap3A_1346 = arith.index_cast %multiple_of3A_1335 : i32 to index
    %swap3A_1347 = vector.load %arg1[%swap3A_1345, %swap3A_1346] : memref<8x100000xf32, #tpu.memory_space<vmem>>, vector<1x128xf32>
    tpu.vector_store %arg1[%swap3A_1345, %swap3A_1346], %select_n3A_1344 {strides = array<i32>} : memref<8x100000xf32, #tpu.memory_space<vmem>>, vector<1x128xf32>,
    %slice3A_1348 = vector.extract_strided_slice %select_n3A_1182 {offsets = [4, 0], sizes = [1, 1], strides = [1, 1]} : vector<8x1xi32> to vector<1x1xi32>
    %squeeze3A_1349 = vector.extract %slice3A_1348[0, 0] : i32 from vector<1x1xi32>
    %jit3A_1350 = arith.constant 128 : i32
    %div3A_1351 = arith.divsi %squeeze3A_1349, %jit3A_1350 : i32
    %sign3A_1352 = arith.constant 0 : i32
    %sign3A_1353 = arith.cmpi sgt, %squeeze3A_1349, %sign3A_1352 : i32
    %sign3A_1354 = arith.extui %sign3A_1353 : i1 to i32
    %sign3A_1355 = arith.constant 0 : i32
    %sign3A_1356 = arith.cmpi slt, %squeeze3A_1349, %sign3A_1355 : i32
    %sign3A_1357 = arith.extui %sign3A_1356 : i1 to i32
    %sign3A_1358 = arith.subi %sign3A_1354, %sign3A_1357 : i32
    %sign3A_1359 = arith.constant 0 : i32
    %sign3A_1360 = arith.cmpi sgt, %jit3A_1350, %sign3A_1359 : i32
    %sign3A_1361 = arith.extui %sign3A_1360 : i1 to i32
    %sign3A_1362 = arith.constant 0 : i32
    %sign3A_1363 = arith.cmpi slt, %jit3A_1350, %sign3A_1362 : i32
    %sign3A_1364 = arith.extui %sign3A_1363 : i1 to i32
    %sign3A_1365 = arith.subi %sign3A_1361, %sign3A_1364 : i32
    %ne3A_1366 = arith.cmpi ne, %sign3A_1358, %sign3A_1365 : i32
    %rem3A_1367 = arith.remsi %squeeze3A_1349, %jit3A_1350 : i32
    %ne3A_1368 = arith.constant 0 : i32
    %ne3A_1369 = arith.cmpi ne, %rem3A_1367, %ne3A_1368 : i32
    %and3A_1370 = arith.andi %ne3A_1366, %ne3A_1369 : i1
    %sub3A_1371 = arith.constant 1 : i32
    %sub3A_1372 = arith.subi %div3A_1351, %sub3A_1371 : i32
    %select_n3A_1373 = arith.select %and3A_1370, %sub3A_1372, %div3A_1351 : i32
    %mul3A_1374 = arith.constant 128 : i32
    %mul3A_1375 = arith.muli %select_n3A_1373, %mul3A_1374 : i32
    %multiple_of3A_1376 = tpu.assume_multiple %mul3A_1375, 128 : i32
    %sub3A_1377 = arith.subi %squeeze3A_1349, %multiple_of3A_1376 : i32
    %get3A_1378 = arith.constant 4 : index
    %get3A_1379 = arith.index_cast %multiple_of3A_1376 : i32 to index
    %get3A_1380 = vector.load %arg1[%get3A_1378, %get3A_1379] : memref<8x100000xf32, #tpu.memory_space<vmem>>, vector<1x128xf32>
    %eq3A_1381 = vector.broadcast %sub3A_1377 : i32 to vector<1x128xi32>
    %eq3A_1382 = arith.cmpi eq, %iota3A, %eq3A_1381 : vector<1x128xi32>
    %jit3A_1383 = arith.constant 0xFF800000 : f32
    %broadcast_in_dim3A_1384 = vector.broadcast %jit3A_1383 : f32 to vector<1x128xf32>
    %select_n3A_1385 = arith.select %eq3A_1382, %broadcast_in_dim3A_1384, %get3A_1380 : vector<1x128xi1>, vector<1x128xf32>
    %swap3A_1386 = arith.constant 4 : index
    %swap3A_1387 = arith.index_cast %multiple_of3A_1376 : i32 to index
    %swap3A_1388 = vector.load %arg1[%swap3A_1386, %swap3A_1387] : memref<8x100000xf32, #tpu.memory_space<vmem>>, vector<1x128xf32>
    tpu.vector_store %arg1[%swap3A_1386, %swap3A_1387], %select_n3A_1385 {strides = array<i32>} : memref<8x100000xf32, #tpu.memory_space<vmem>>, vector<1x128xf32>,
    %slice3A_1389 = vector.extract_strided_slice %select_n3A_1182 {offsets = [5, 0], sizes = [1, 1], strides = [1, 1]} : vector<8x1xi32> to vector<1x1xi32>
    %squeeze3A_1390 = vector.extract %slice3A_1389[0, 0] : i32 from vector<1x1xi32>
    %jit3A_1391 = arith.constant 128 : i32
    %div3A_1392 = arith.divsi %squeeze3A_1390, %jit3A_1391 : i32
    %sign3A_1393 = arith.constant 0 : i32
    %sign3A_1394 = arith.cmpi sgt, %squeeze3A_1390, %sign3A_1393 : i32
    %sign3A_1395 = arith.extui %sign3A_1394 : i1 to i32
    %sign3A_1396 = arith.constant 0 : i32
    %sign3A_1397 = arith.cmpi slt, %squeeze3A_1390, %sign3A_1396 : i32
    %sign3A_1398 = arith.extui %sign3A_1397 : i1 to i32
    %sign3A_1399 = arith.subi %sign3A_1395, %sign3A_1398 : i32
    %sign3A_1400 = arith.constant 0 : i32
    %sign3A_1401 = arith.cmpi sgt, %jit3A_1391, %sign3A_1400 : i32
    %sign3A_1402 = arith.extui %sign3A_1401 : i1 to i32
    %sign3A_1403 = arith.constant 0 : i32
    %sign3A_1404 = arith.cmpi slt, %jit3A_1391, %sign3A_1403 : i32
    %sign3A_1405 = arith.extui %sign3A_1404 : i1 to i32
    %sign3A_1406 = arith.subi %sign3A_1402, %sign3A_1405 : i32
    %ne3A_1407 = arith.cmpi ne, %sign3A_1399, %sign3A_1406 : i32
    %rem3A_1408 = arith.remsi %squeeze3A_1390, %jit3A_1391 : i32
    %ne3A_1409 = arith.constant 0 : i32
    %ne3A_1410 = arith.cmpi ne, %rem3A_1408, %ne3A_1409 : i32
    %and3A_1411 = arith.andi %ne3A_1407, %ne3A_1410 : i1
    %sub3A_1412 = arith.constant 1 : i32
    %sub3A_1413 = arith.subi %div3A_1392, %sub3A_1412 : i32
    %select_n3A_1414 = arith.select %and3A_1411, %sub3A_1413, %div3A_1392 : i32
    %mul3A_1415 = arith.constant 128 : i32
    %mul3A_1416 = arith.muli %select_n3A_1414, %mul3A_1415 : i32
    %multiple_of3A_1417 = tpu.assume_multiple %mul3A_1416, 128 : i32
    %sub3A_1418 = arith.subi %squeeze3A_1390, %multiple_of3A_1417 : i32
    %get3A_1419 = arith.constant 5 : index
    %get3A_1420 = arith.index_cast %multiple_of3A_1417 : i32 to index
    %get3A_1421 = vector.load %arg1[%get3A_1419, %get3A_1420] : memref<8x100000xf32, #tpu.memory_space<vmem>>, vector<1x128xf32>
    %eq3A_1422 = vector.broadcast %sub3A_1418 : i32 to vector<1x128xi32>
    %eq3A_1423 = arith.cmpi eq, %iota3A, %eq3A_1422 : vector<1x128xi32>
    %jit3A_1424 = arith.constant 0xFF800000 : f32
    %broadcast_in_dim3A_1425 = vector.broadcast %jit3A_1424 : f32 to vector<1x128xf32>
    %select_n3A_1426 = arith.select %eq3A_1423, %broadcast_in_dim3A_1425, %get3A_1421 : vector<1x128xi1>, vector<1x128xf32>
    %swap3A_1427 = arith.constant 5 : index
    %swap3A_1428 = arith.index_cast %multiple_of3A_1417 : i32 to index
    %swap3A_1429 = vector.load %arg1[%swap3A_1427, %swap3A_1428] : memref<8x100000xf32, #tpu.memory_space<vmem>>, vector<1x128xf32>
    tpu.vector_store %arg1[%swap3A_1427, %swap3A_1428], %select_n3A_1426 {strides = array<i32>} : memref<8x100000xf32, #tpu.memory_space<vmem>>, vector<1x128xf32>,
    %slice3A_1430 = vector.extract_strided_slice %select_n3A_1182 {offsets = [6, 0], sizes = [1, 1], strides = [1, 1]} : vector<8x1xi32> to vector<1x1xi32>
    %squeeze3A_1431 = vector.extract %slice3A_1430[0, 0] : i32 from vector<1x1xi32>
    %jit3A_1432 = arith.constant 128 : i32
    %div3A_1433 = arith.divsi %squeeze3A_1431, %jit3A_1432 : i32
    %sign3A_1434 = arith.constant 0 : i32
    %sign3A_1435 = arith.cmpi sgt, %squeeze3A_1431, %sign3A_1434 : i32
    %sign3A_1436 = arith.extui %sign3A_1435 : i1 to i32
    %sign3A_1437 = arith.constant 0 : i32
    %sign3A_1438 = arith.cmpi slt, %squeeze3A_1431, %sign3A_1437 : i32
    %sign3A_1439 = arith.extui %sign3A_1438 : i1 to i32
    %sign3A_1440 = arith.subi %sign3A_1436, %sign3A_1439 : i32
    %sign3A_1441 = arith.constant 0 : i32
    %sign3A_1442 = arith.cmpi sgt, %jit3A_1432, %sign3A_1441 : i32
    %sign3A_1443 = arith.extui %sign3A_1442 : i1 to i32
    %sign3A_1444 = arith.constant 0 : i32
    %sign3A_1445 = arith.cmpi slt, %jit3A_1432, %sign3A_1444 : i32
    %sign3A_1446 = arith.extui %sign3A_1445 : i1 to i32
    %sign3A_1447 = arith.subi %sign3A_1443, %sign3A_1446 : i32
    %ne3A_1448 = arith.cmpi ne, %sign3A_1440, %sign3A_1447 : i32
    %rem3A_1449 = arith.remsi %squeeze3A_1431, %jit3A_1432 : i32
    %ne3A_1450 = arith.constant 0 : i32
    %ne3A_1451 = arith.cmpi ne, %rem3A_1449, %ne3A_1450 : i32
    %and3A_1452 = arith.andi %ne3A_1448, %ne3A_1451 : i1
    %sub3A_1453 = arith.constant 1 : i32
    %sub3A_1454 = arith.subi %div3A_1433, %sub3A_1453 : i32
    %select_n3A_1455 = arith.select %and3A_1452, %sub3A_1454, %div3A_1433 : i32
    %mul3A_1456 = arith.constant 128 : i32
    %mul3A_1457 = arith.muli %select_n3A_1455, %mul3A_1456 : i32
    %multiple_of3A_1458 = tpu.assume_multiple %mul3A_1457, 128 : i32
    %sub3A_1459 = arith.subi %squeeze3A_1431, %multiple_of3A_1458 : i32
    %get3A_1460 = arith.constant 6 : index
    %get3A_1461 = arith.index_cast %multiple_of3A_1458 : i32 to index
    %get3A_1462 = vector.load %arg1[%get3A_1460, %get3A_1461] : memref<8x100000xf32, #tpu.memory_space<vmem>>, vector<1x128xf32>
    %eq3A_1463 = vector.broadcast %sub3A_1459 : i32 to vector<1x128xi32>
    %eq3A_1464 = arith.cmpi eq, %iota3A, %eq3A_1463 : vector<1x128xi32>
    %jit3A_1465 = arith.constant 0xFF800000 : f32
    %broadcast_in_dim3A_1466 = vector.broadcast %jit3A_1465 : f32 to vector<1x128xf32>
    %select_n3A_1467 = arith.select %eq3A_1464, %broadcast_in_dim3A_1466, %get3A_1462 : vector<1x128xi1>, vector<1x128xf32>
    %swap3A_1468 = arith.constant 6 : index
    %swap3A_1469 = arith.index_cast %multiple_of3A_1458 : i32 to index
    %swap3A_1470 = vector.load %arg1[%swap3A_1468, %swap3A_1469] : memref<8x100000xf32, #tpu.memory_space<vmem>>, vector<1x128xf32>
    tpu.vector_store %arg1[%swap3A_1468, %swap3A_1469], %select_n3A_1467 {strides = array<i32>} : memref<8x100000xf32, #tpu.memory_space<vmem>>, vector<1x128xf32>,
    %slice3A_1471 = vector.extract_strided_slice %select_n3A_1182 {offsets = [7, 0], sizes = [1, 1], strides = [1, 1]} : vector<8x1xi32> to vector<1x1xi32>
    %squeeze3A_1472 = vector.extract %slice3A_1471[0, 0] : i32 from vector<1x1xi32>
    %jit3A_1473 = arith.constant 128 : i32
    %div3A_1474 = arith.divsi %squeeze3A_1472, %jit3A_1473 : i32
    %sign3A_1475 = arith.constant 0 : i32
    %sign3A_1476 = arith.cmpi sgt, %squeeze3A_1472, %sign3A_1475 : i32
    %sign3A_1477 = arith.extui %sign3A_1476 : i1 to i32
    %sign3A_1478 = arith.constant 0 : i32
    %sign3A_1479 = arith.cmpi slt, %squeeze3A_1472, %sign3A_1478 : i32
    %sign3A_1480 = arith.extui %sign3A_1479 : i1 to i32
    %sign3A_1481 = arith.subi %sign3A_1477, %sign3A_1480 : i32
    %sign3A_1482 = arith.constant 0 : i32
    %sign3A_1483 = arith.cmpi sgt, %jit3A_1473, %sign3A_1482 : i32
    %sign3A_1484 = arith.extui %sign3A_1483 : i1 to i32
    %sign3A_1485 = arith.constant 0 : i32
    %sign3A_1486 = arith.cmpi slt, %jit3A_1473, %sign3A_1485 : i32
    %sign3A_1487 = arith.extui %sign3A_1486 : i1 to i32
    %sign3A_1488 = arith.subi %sign3A_1484, %sign3A_1487 : i32
    %ne3A_1489 = arith.cmpi ne, %sign3A_1481, %sign3A_1488 : i32
    %rem3A_1490 = arith.remsi %squeeze3A_1472, %jit3A_1473 : i32
    %ne3A_1491 = arith.constant 0 : i32
    %ne3A_1492 = arith.cmpi ne, %rem3A_1490, %ne3A_1491 : i32
    %and3A_1493 = arith.andi %ne3A_1489, %ne3A_1492 : i1
    %sub3A_1494 = arith.constant 1 : i32
    %sub3A_1495 = arith.subi %div3A_1474, %sub3A_1494 : i32
    %select_n3A_1496 = arith.select %and3A_1493, %sub3A_1495, %div3A_1474 : i32
    %mul3A_1497 = arith.constant 128 : i32
    %mul3A_1498 = arith.muli %select_n3A_1496, %mul3A_1497 : i32
    %multiple_of3A_1499 = tpu.assume_multiple %mul3A_1498, 128 : i32
    %sub3A_1500 = arith.subi %squeeze3A_1472, %multiple_of3A_1499 : i32
    %get3A_1501 = arith.constant 7 : index
    %get3A_1502 = arith.index_cast %multiple_of3A_1499 : i32 to index
    %get3A_1503 = vector.load %arg1[%get3A_1501, %get3A_1502] : memref<8x100000xf32, #tpu.memory_space<vmem>>, vector<1x128xf32>
    %eq3A_1504 = vector.broadcast %sub3A_1500 : i32 to vector<1x128xi32>
    %eq3A_1505 = arith.cmpi eq, %iota3A, %eq3A_1504 : vector<1x128xi32>
    %jit3A_1506 = arith.constant 0xFF800000 : f32
    %broadcast_in_dim3A_1507 = vector.broadcast %jit3A_1506 : f32 to vector<1x128xf32>
    %select_n3A_1508 = arith.select %eq3A_1505, %broadcast_in_dim3A_1507, %get3A_1503 : vector<1x128xi1>, vector<1x128xf32>
    %swap3A_1509 = arith.constant 7 : index
    %swap3A_1510 = arith.index_cast %multiple_of3A_1499 : i32 to index
    %swap3A_1511 = vector.load %arg1[%swap3A_1509, %swap3A_1510] : memref<8x100000xf32, #tpu.memory_space<vmem>>, vector<1x128xf32>
    tpu.vector_store %arg1[%swap3A_1509, %swap3A_1510], %select_n3A_1508 {strides = array<i32>} : memref<8x100000xf32, #tpu.memory_space<vmem>>, vector<1x128xf32>,
    %get3A_1512 = arith.constant 0 : index
    %get3A_1513 = arith.constant 0 : index
    %get3A_1514 = vector.load %arg1[%get3A_1512, %get3A_1513] : memref<8x100000xf32, #tpu.memory_space<vmem>>, vector<8x100000xf32>
    %slice3A_1515 = vector.extract_strided_slice %get3A_1514 {offsets = [0, 0], sizes = [8, 24960], strides = [1, 1]} : vector<8x100000xf32> to vector<8x24960xf32>
    %reduce_max3A_1516 = arith.constant dense<0xFF800000> : vector<8xf32>
    %reduce_max3A_1517 = vector.multi_reduction <maximumf>, %slice3A_1515, %reduce_max3A_1516 [1] : vector<8x24960xf32> to vector<8xf32>
    %broadcast_in_dim3A_1518 = vector.shape_cast %reduce_max3A_1517 : vector<8xf32> to vector<8x1xf32>
    %argmax3A_1519 = tpu.reduce_index %slice3A_1515 {axis = 1 : i32, kind = #tpu.reduction_kind<arg_max>} : vector<8x24960xf32> -> vector<8xi32>
    %broadcast_in_dim3A_1520 = vector.shape_cast %argmax3A_1519 : vector<8xi32> to vector<8x1xi32>
    %add3A_1521 = arith.constant 0 : i32
    %add3A_1522 = vector.broadcast %add3A_1521 : i32 to vector<8x1xi32>
    %add3A_1523 = arith.addi %broadcast_in_dim3A_1520, %add3A_1522 : vector<8x1xi32>
    %slice3A_1524 = vector.extract_strided_slice %get3A_1514 {offsets = [0, 24960], sizes = [8, 24960], strides = [1, 1]} : vector<8x100000xf32> to vector<8x24960xf32>
    %reduce_max3A_1525 = arith.constant dense<0xFF800000> : vector<8xf32>
    %reduce_max3A_1526 = vector.multi_reduction <maximumf>, %slice3A_1524, %reduce_max3A_1525 [1] : vector<8x24960xf32> to vector<8xf32>
    %broadcast_in_dim3A_1527 = vector.shape_cast %reduce_max3A_1526 : vector<8xf32> to vector<8x1xf32>
    %argmax3A_1528 = tpu.reduce_index %slice3A_1524 {axis = 1 : i32, kind = #tpu.reduction_kind<arg_max>} : vector<8x24960xf32> -> vector<8xi32>
    %broadcast_in_dim3A_1529 = vector.shape_cast %argmax3A_1528 : vector<8xi32> to vector<8x1xi32>
    %add3A_1530 = arith.constant 24960 : i32
    %add3A_1531 = vector.broadcast %add3A_1530 : i32 to vector<8x1xi32>
    %add3A_1532 = arith.addi %broadcast_in_dim3A_1529, %add3A_1531 : vector<8x1xi32>
    %slice3A_1533 = vector.extract_strided_slice %get3A_1514 {offsets = [0, 49920], sizes = [8, 24960], strides = [1, 1]} : vector<8x100000xf32> to vector<8x24960xf32>
    %reduce_max3A_1534 = arith.constant dense<0xFF800000> : vector<8xf32>
    %reduce_max3A_1535 = vector.multi_reduction <maximumf>, %slice3A_1533, %reduce_max3A_1534 [1] : vector<8x24960xf32> to vector<8xf32>
    %broadcast_in_dim3A_1536 = vector.shape_cast %reduce_max3A_1535 : vector<8xf32> to vector<8x1xf32>
    %argmax3A_1537 = tpu.reduce_index %slice3A_1533 {axis = 1 : i32, kind = #tpu.reduction_kind<arg_max>} : vector<8x24960xf32> -> vector<8xi32>
    %broadcast_in_dim3A_1538 = vector.shape_cast %argmax3A_1537 : vector<8xi32> to vector<8x1xi32>
    %add3A_1539 = arith.constant 49920 : i32
    %add3A_1540 = vector.broadcast %add3A_1539 : i32 to vector<8x1xi32>
    %add3A_1541 = arith.addi %broadcast_in_dim3A_1538, %add3A_1540 : vector<8x1xi32>
    %slice3A_1542 = vector.extract_strided_slice %get3A_1514 {offsets = [0, 74880], sizes = [8, 25120], strides = [1, 1]} : vector<8x100000xf32> to vector<8x25120xf32>
    %reduce_max3A_1543 = arith.constant dense<0xFF800000> : vector<8xf32>
    %reduce_max3A_1544 = vector.multi_reduction <maximumf>, %slice3A_1542, %reduce_max3A_1543 [1] : vector<8x25120xf32> to vector<8xf32>
    %broadcast_in_dim3A_1545 = vector.shape_cast %reduce_max3A_1544 : vector<8xf32> to vector<8x1xf32>
    %argmax3A_1546 = tpu.reduce_index %slice3A_1542 {axis = 1 : i32, kind = #tpu.reduction_kind<arg_max>} : vector<8x25120xf32> -> vector<8xi32>
    %broadcast_in_dim3A_1547 = vector.shape_cast %argmax3A_1546 : vector<8xi32> to vector<8x1xi32>
    %add3A_1548 = arith.constant 74880 : i32
    %add3A_1549 = vector.broadcast %add3A_1548 : i32 to vector<8x1xi32>
    %add3A_1550 = arith.addi %broadcast_in_dim3A_1547, %add3A_1549 : vector<8x1xi32>
    %gt3A_1551 = arith.cmpf ogt, %broadcast_in_dim3A_1527, %broadcast_in_dim3A_1518 : vector<8x1xf32>
    %select_n3A_1552 = arith.select %gt3A_1551, %add3A_1532, %add3A_1523 : vector<8x1xi1>, vector<8x1xi32>
    %select_n3A_1553 = arith.select %gt3A_1551, %broadcast_in_dim3A_1527, %broadcast_in_dim3A_1518 : vector<8x1xi1>, vector<8x1xf32>
    %gt3A_1554 = arith.cmpf ogt, %broadcast_in_dim3A_1536, %select_n3A_1553 : vector<8x1xf32>
    %select_n3A_1555 = arith.select %gt3A_1554, %add3A_1541, %select_n3A_1552 : vector<8x1xi1>, vector<8x1xi32>
    %select_n3A_1556 = arith.select %gt3A_1554, %broadcast_in_dim3A_1536, %select_n3A_1553 : vector<8x1xi1>, vector<8x1xf32>
    %gt3A_1557 = arith.cmpf ogt, %broadcast_in_dim3A_1545, %select_n3A_1556 : vector<8x1xf32>
    %select_n3A_1558 = arith.select %gt3A_1557, %add3A_1550, %select_n3A_1555 : vector<8x1xi1>, vector<8x1xi32>
    %select_n3A_1559 = arith.select %gt3A_1557, %broadcast_in_dim3A_1545, %select_n3A_1556 : vector<8x1xi1>, vector<8x1xf32>
    %broadcast_in_dim3A_1560 = arith.constant 0.000000e+00 : f32
    %broadcast_in_dim3A_1561 = vector.broadcast %broadcast_in_dim3A_1560 : f32 to vector<8x3xf32>
    %concatenate3A_1562 = tpu.concatenate %select_n3A_39, %select_n3A_431, %select_n3A_807, %select_n3A_1183, %select_n3A_1559, %broadcast_in_dim3A_1561 in 1 : vector<8x1xf32>, vector<8x1xf32>, vector<8x1xf32>, vector<8x1xf32>, vector<8x1xf32>, vector<8x3xf32> -> vector<8x8xf32>
    %swap3A_1563 = arith.constant 0 : index
    %swap3A_1564 = arith.constant 0 : index
    %swap3A_1565 = vector.load %arg5[%swap3A_1563, %swap3A_1564] : memref<8x8xf32, #tpu.memory_space<vmem>>, vector<8x8xf32>
    tpu.vector_store %arg5[%swap3A_1563, %swap3A_1564], %concatenate3A_1562 {strides = array<i32>} : memref<8x8xf32, #tpu.memory_space<vmem>>, vector<8x8xf32>,
    %convert_element_type3A = arith.fptosi %broadcast_in_dim3A_1561 : vector<8x3xf32> to vector<8x3xi32>
    %concatenate3A_1566 = tpu.concatenate %select_n3A_38, %select_n3A_430, %select_n3A_806, %select_n3A_1182, %select_n3A_1558, %convert_element_type3A in 1 : vector<8x1xi32>, vector<8x1xi32>, vector<8x1xi32>, vector<8x1xi32>, vector<8x1xi32>, vector<8x3xi32> -> vector<8x8xi32>
    %swap3A_1567 = arith.constant 0 : index
    %swap3A_1568 = arith.constant 0 : index
    %swap3A_1569 = vector.load %arg6[%swap3A_1567, %swap3A_1568] : memref<8x8xi32, #tpu.memory_space<vmem>>, vector<8x8xi32>
    tpu.vector_store %arg6[%swap3A_1567, %swap3A_1568], %concatenate3A_1566 {strides = array<i32>} : memref<8x8xi32, #tpu.memory_space<vmem>>, vector<8x8xi32>,
    return
  }
  func.func @transform_0(%arg0: i32) -> (i32, i32) {
    %c0_i32 = arith.constant 0 : i32
    %c0_i32_0 = arith.constant 0 : i32
    return %arg0, %c0_i32 : i32, i32
  }
  func.func @transform_1(%arg0: i32) -> (i32, i32) {
    %c0_i32 = arith.constant 0 : i32
    %c0_i32_0 = arith.constant 0 : i32
    return %arg0, %c0_i32 : i32, i32
  }
  func.func @transform_2(%arg0: i32) -> (i32, i32) {
    %c0_i32 = arith.constant 0 : i32
    %c0_i32_0 = arith.constant 0 : i32
    return %arg0, %c0_i32 : i32, i32
  }
  func.func @transform_3(%arg0: i32) -> (i32, i32) {
    %c0_i32 = arith.constant 0 : i32
    %c0_i32_0 = arith.constant 0 : i32
    return %arg0, %c0_i32 : i32, i32
  }
  func.func @transform_4(%arg0: i32) -> (i32, i32) {
    %c0_i32 = arith.constant 0 : i32
    %c0_i32_0 = arith.constant 0 : i32
    return %arg0, %c0_i32 : i32, i32
  }
  func.func @transform_5(%arg0: i32) -> (i32, i32) {
    %c0_i32 = arith.constant 0 : i32
    %c0_i32_0 = arith.constant 0 : i32
    return %arg0, %c0_i32 : i32, i32
  }
  func.func @transform_6(%arg0: i32) -> (i32, i32) {
    %c0_i32 = arith.constant 0 : i32
    %c0_i32_0 = arith.constant 0 : i32
    return %arg0, %c0_i32 : i32, i32
  }
}

</mosaic_0001>

<sc_bundles>
// kernel: kernel.4.cloned.1.call-start
scs
__scs_entry_jumppad:
0x0: {  	(pc) =	sbr.rel $0x88, $3  }
0x1: {  	(tag) =	ssettag $0x0;
	lr =	simm.s32 $0x1  }
0x2: {  	[smem:$0x3F9B] =	sst lr;
	_ =	strace $0xD0000000  }
0x3: {  	_ = 	snop  }
0x4: {  	_ = 	snop  }
0x5: {  	_ = 	snop  }
0x6: {  	_ = 	snop  }
0x7: {  	_ = 	snop  }
__scs_overlays_trampoline_lowered:
0x8: {  	[smem:$0x3FAA] =	sst s0  }
0x9: {  	[smem:$0x3FAB] =	sst s1  }
0xa: {  	[smem:$0x3FAC] =	sst s2  }
0xb: {  	[smem:$0x3FAD] =	sst s3  }
0xc: {  	[smem:$0x3FAE] =	sst s4  }
0xd: {  	[smem:$0x3FAF] =	sst s5  }
0xe: {  	[smem:$0x3FB0] =	sst s6  }
0xf: {  	[smem:$0x3FB1] =	sst s7  }
0x10: {  	[smem:$0x3FB2] =	sst s8  }
0x11: {  	[smem:$0x3FB3] =	sst s9;
	s0 =	simm.s32 @!p0 $0x0  }
0x12: {  	s1 =	sld [smem:$0x3F99];
	s0 =	simm.s32 @p0 $0x1  }
0x13: {  	[smem:$0x3FB4] =	sst s0;
	s0 =	simm.s32 @!p1 $0x0  }
0x14: {  	s2 =	sld [smem:$0x3F98];
	s0 =	simm.s32 @p1 $0x1  }
0x15: {  	[smem:$0x3FB5] =	sst s0;
	s0 =	simm.s32 @!p2 $0x0  }
0x16: {  	s3 =	sld [smem:$0x3FDB];
	s0 =	simm.s32 @p2 $0x1  }
0x17: {  	s4 =	simm.s32 $0x1BF5;
	[smem:$0x3FB7] =	sst s0  }
0x18: {  	s0 =	sld [smem:$0x3F9A];
	_ =	swait.ge [sflag:s4], $0x0  }
0x19: {  	s7 =	sld [smem:$0x3F9B]  }
0x1a: {  	s8 =	sadd.s32 $0xFFFFE003, lr  }
0x1b: {  	s9 =	sadd.s32 $0xFFFFFEF7, lr;
	s5 =	simm.s32 $0xFFFFFFFF;
	p2 =	slt.u32 s8, $0xFFFFF086  }
0x1c: {  	p1 =	slt.u32 s9, $0xF7A;
	s5 =	simm.s32 @!p2 $0x0  }
0x1d: {  	s5 =	simm.s32 @p1 $0x1;
	p0 =	seq.s32 s7, s2  }
0x1e: {  	s7 =	smul.u32 @!p0 $0xF7A, s2;
	p2 =	seq.s32 @!p0 s5, $0x0  }
0x1f: {  	s9 =	smul.u32 $0xF7A, s1;
	s8 =	simm.s32 @!p0 $0x1BF5;
	p2 =	por !p2, p0  }
0x20: {  	[sflag:s8] =	ssyncset.s32 @!p0 $0xFFFFF086;
	s6 =	sadd.s32 @!p0 s3, s7;
	s7 =	simm.s32 @!p0 $0x108  }
0x21: {  	s3 =	sadd.s32 s3, s9;
	s6 =	sadd.s32 @!p0 $0x88, s6;
	s7 =	simm.s32 @p2 $0x1082  }
0x22: {  	[simem:s7], [sflag:s8] =	dma.local @!p0 [hbm:s6], $0xF7A  }
0x23: {  	s9 =	sor.u32 $0xD0000000, s2;
	s6 =	simm.s32 $0x108;
	_ =	swait.ge @!p0 [sflag:s8], $0x0  }
0x24: {  	s3 =	sadd.s32 $0x88, s3;
	s6 =	simm.s32 @!p1 $0x1082;
	[sflag:s4] =	ssyncset.s32 $0xFFFFF086  }
0x25: {  	[simem:s6], [sflag:s4] =	dma.local [hbm:s3], $0xF7A  }
0x26: {  	[smem:$0x3F9B] =	sst s1;
	(tag) =	ssettag s2;
	_ =	strace s9  }
0x27: {  	s1 =	sld [smem:$0x3FAB]  }
0x28: {  	s2 =	sld [smem:$0x3FAC]  }
0x29: {  	s4 =	sld [smem:$0x3FAE]  }
0x2a: {  	p0 =	seq.s32 s5, $0x0;
	s5 =	sld [smem:$0x3FAF]  }
0x2b: {  	s6 =	sld [smem:$0x3FB0]  }
0x2c: {  	s7 =	sld [smem:$0x3FB1]  }
0x2d: {  	s3 =	simm.s32 $0x108;
	s8 =	sld [smem:$0x3FB2]  }
0x2e: {  	s3 =	simm.s32 @!p0 $0x1082;
	s9 =	sld [smem:$0x3FB3]  }
0x2f: {  	lr =	sadd.s32 s0, s3;
	s0 =	sld [smem:$0x3FAA]  }
0x30: {  	s3 =	sld [smem:$0x3FAD]  }
0x31: {  	[smem:$0x3FB6] =	sst s10  }
0x32: {  	s10 =	sld [smem:$0x3FB4];
	_ =	sdelay $0x3  }
0x33: {  	p0 =	seq.s32 s10, $0x1;
	s10 =	sld [smem:$0x3FB6];
	_ =	sdelay $0x3  }
0x34: {  	[smem:$0x3FB6] =	sst s10  }
0x35: {  	s10 =	sld [smem:$0x3FB5];
	_ =	sdelay $0x3  }
0x36: {  	p1 =	seq.s32 s10, $0x1;
	s10 =	sld [smem:$0x3FB6];
	_ =	sdelay $0x3  }
0x37: {  	[smem:$0x3FB6] =	sst s10  }
0x38: {  	s10 =	sld [smem:$0x3FB7]  }
0x39: {  	_ = 	snop;
	(pc) =	sbr.ind lr, $3  }
0x3a: {  	_ = 	snop  }
0x3b: {  	_ = 	snop  }
0x3c: {  	p2 =	seq.s32 s10, $0x1;
	s10 =	sld [smem:$0x3FB6]  }
0x3d: {  	_ =	shalt  }
0x3e: {  	_ =	shalt  }
0x3f: {  	_ =	shalt  }
0x40: {  	_ =	shalt  }
0x41: {  	_ =	shalt  }
0x42: {  	_ =	shalt  }
0x43: {  	_ =	shalt  }
0x44: {  	_ =	shalt  }
0x45: {  	_ =	shalt  }
0x46: {  	_ =	shalt  }
0x47: {  	_ =	shalt  }
0x48: {  	_ =	shalt  }
0x49: {  	_ =	shalt  }
0x4a: {  	_ =	shalt  }
0x4b: {  	_ =	shalt  }
0x4c: {  	_ =	shalt  }
0x4d: {  	_ =	shalt  }
0x4e: {  	_ =	shalt  }
0x4f: {  	_ =	shalt  }
0x50: {  	_ =	shalt  }
0x51: {  	_ =	shalt  }
0x52: {  	_ =	shalt  }
0x53: {  	_ =	shalt  }
0x54: {  	_ =	shalt  }
0x55: {  	_ =	shalt  }
0x56: {  	_ =	shalt  }
0x57: {  	_ =	shalt  }
0x58: {  	_ =	shalt  }
0x59: {  	_ =	shalt  }
0x5a: {  	_ =	shalt  }
0x5b: {  	_ =	shalt  }
0x5c: {  	_ =	shalt  }
0x5d: {  	_ =	shalt  }
0x5e: {  	_ =	shalt  }
0x5f: {  	_ =	shalt  }
0x60: {  	_ =	shalt  }
0x61: {  	_ =	shalt  }
0x62: {  	_ =	shalt  }
0x63: {  	_ =	shalt  }
0x64: {  	_ =	shalt  }
0x65: {  	_ =	shalt  }
0x66: {  	_ =	shalt  }
0x67: {  	_ =	shalt  }
0x68: {  	_ =	shalt  }
0x69: {  	_ =	shalt  }
0x6a: {  	_ =	shalt  }
0x6b: {  	_ =	shalt  }
0x6c: {  	_ =	shalt  }
0x6d: {  	_ =	shalt  }
0x6e: {  	_ =	shalt  }
0x6f: {  	_ =	shalt  }
0x70: {  	_ =	shalt  }
0x71: {  	_ =	shalt  }
0x72: {  	_ =	shalt  }
0x73: {  	_ =	shalt  }
0x74: {  	_ =	shalt  }
0x75: {  	_ =	shalt  }
0x76: {  	_ =	shalt  }
0x77: {  	_ =	shalt  }
0x78: {  	_ =	shalt  }
0x79: {  	_ =	shalt  }
0x7a: {  	_ =	shalt  }
0x7b: {  	_ =	shalt  }
0x7c: {  	_ =	shalt  }
0x7d: {  	_ =	shalt  }
0x7e: {  	_ =	shalt  }
0x7f: {  	_ =	shalt  }
0x80: {  	_ =	shalt  }
0x81: {  	_ =	shalt  }
0x82: {  	_ =	shalt  }
0x83: {  	_ =	shalt  }
0x84: {  	_ =	shalt  }
0x85: {  	_ =	shalt  }
0x86: {  	_ =	shalt  }
0x87: {  	_ =	shalt  }
.Lfunc_end0:
.L_simem_size_0:
called_computation_lowered:
.L_overlay_start_0:
0x88: {  	s2 =	sld [smem:$0x3FD9]  }
0x89: {  	s3 =	sld [smem:$0x3FFE];
	_ =	sdelay $0x1  }
0x8a: {  	s1 =	srdreg.scid  }
0x8b: {  	s0 =	sand.u32 $0x1, s1  }
0x8c: {  	s14 =	sshll.u32 s0, $0xA;
	s2 =	sadd.s32 s3, s2  }
0x8d: {  	s2 =	sadd.s32 s2, s14  }
0x8e: {  	[smem:$0x3FC2] =	sst s2  }
0x8f: {  	_ = 	snop  }
0x90: {  	s2 =	sld [smem:$0x3FD0];
	_ =	sdelay $0x2  }
0x91: {  	s15 =	simm.s32 $0xA;
	s4 =	simm.s32 $0x10  }
0x92: {  	[smem:s4], [sflag:s15] =	dma.local [hbm:s2], $0x1  }
0x93: {  	_ =	swait.eq [sflag:s15], $0x1  }
0x94: {  	[sflag:s15] =	ssyncset.done $0x0  }
0x95: {  	[sflag:s15] =	ssyncadd.s32 $0xFFFFFFFF  }
0x96: {  	s16 =	sld [smem:$0x11];
	(tm) =	ssettm $0x1  }
0x97: {  	s17 =	sld [smem:$0x3FFB];
	_ =	sdelay $0x3  }
0x98: {  	_ =	strace s17  }
0x99: {  	s3 =	sld [smem:$0x3FFC];
	_ =	sdelay $0x3  }
0x9a: {  	_ =	strace s3  }
0x9b: {  	s3 =	sld [smem:$0x3FFD];
	_ =	sdelay $0x3  }
0x9c: {  	_ =	strace s3  }
0x9d: {  	_ =	strace $0x8FFFFFFF  }
0x9e: {  	s18 =	sld [smem:$0x3FDB];
	_ =	sdelay $0x1  }
0x9f: {  	s19 =	simm.s32 $_scs_section_size  }
0xa0: {  	s5 =	simm.s32 $_size__tile_overlayer_lowered;
	s6 =	simm.s32 $_tile_overlayer_lowered  }
0xa1: {  	s22 =	simm.s32 $0x1BFF;
	s21 =	sshll.u32 s6, $0x1;
	s3 =	sadd.s32 s19, s18  }
0xa2: {  	s7 =	simm.s32 $0x0;
	s20 =	sshll.u32 s5, $0x1;
	s5 =	sadd.s32 s21, s3  }
0xa3: {  	[timem:s7], [sflag:s22] =	dma.local [hbm:s5], s20  }
0xa4: {  	_ =	swait.ge [sflag:s22], s20  }
0xa5: {  	s4 =	ssub.s32 $0x0, s20;
	[sflag:s22] =	ssyncset.done $0x0  }
0xa6: {  	[sflag:s22] =	ssyncadd.s32 s4;
	_ =	sdelay $0x1  }
0xa7: {  	s23 =	simm.s32 $0x1B8B  }
0xa8: {  	_ =	swait.ge [sflag:s23], $0x1  }
0xa9: {  	[sflag:s23] =	ssyncset.done $0x0  }
0xaa: {  	s25 =	simm.s32 $0x1B8E;
	s24 =	sld [smem:$0x3FFE];
	[sflag:s23] =	ssyncadd.s32 $0xFFFFFFFF  }
0xab: {  	s26 =	simm.s32 $execute0_lowered;
	[smem:$0x3FD2] =	sst s25  }
0xac: {  	s5 =	sshll.u32 s26, $0x1;
	_ =	strace $0x80000046;
	[dreg:$0x1] =	wrdreg $0xFFFFFFFF  }
0xad: {  	s28 =	simm.s32 $_size_execute0_lowered;
	s3 =	sadd.s32 s3, s5;
	[dreg:$0x0] =	wrdreg $0x0  }
0xae: {  	s5 =	sshll.u32 s28, $0x1;
	[dreg:$0x2] =	wrdreg s3  }
0xaf: {  	[dreg:$0x3] =	wrdreg s5  }
0xb0: {  	[dreg:$0x4] =	wrdreg $0xC0  }
0xb1: {  	_ =	task [dreg:s7], $0x5FFFF  }
0xb2: {  	[dreg:$0x1] =	wrdreg $0xFFFFFFFF  }
0xb3: {  	[dreg:$0x0] =	wrdreg $0x60  }
0xb4: {  	[dreg:$0x2] =	wrdreg s24  }
0xb5: {  	[dreg:$0x3] =	wrdreg s16  }
0xb6: {  	[dreg:$0x4] =	wrdreg $0x9  }
0xb7: {  	_ =	task.clear_ibuf [dreg:s7], $0x5FFFF;
	_ =	strace $0x90000046  }
0xb8: {  	s29 =	simm.s32 $0x9;
	_ =	strace $0x80000048  }
0xb9: {  	_ =	swait.ge [sflag:s29], $0x1  }
0xba: {  	[sflag:s29] =	ssyncadd.s32 $0xFFFFFFFF  }
0xbb: {  	_ =	strace $0x90000048  }
0xbc: {  	_ =	sfence  }
0xbd: {  	s30 =	sld [smem:$0x0];
	_ =	sdelay $0x2  }
0xbe: {  	s31 =	sshll.u32 s1, $0xD;
	s1 =	sshrl.u32 s1, $0x2  }
0xbf: {  	s3 =	sand.u32 $0x4000, s31;
	s1 =	sadd.s32 s1, s30  }
0xc0: {  	s0 =	sor.u32 s3, s0;
	s1 =	sshll.u32 s1, $0x11  }
0xc1: {  	s0 =	sor.u32 s1, s0  }
0xc2: {  	s0 =	sadd.s32 $0x8F2B, s0  }
0xc3: {  	[sflag:s0] =	ssyncadd.remote.s32 $0x1  }
0xc4: {  	_ =	sfence.sel $0xFFFF  }
0xc5: {  	[dreg:$0x0] =	wrdreg $0xFFFFFFFF;
	(pc) =	sbr.abs _section_cstart, $3  }
0xc6: {  	[dreg:$0x1] =	wrdreg $0xFFFFFFFF  }
0xc7: {  	_ =	task.clear_ibuf [dreg:s7], $0x2FFFF;
	_ =	strace $0x9FFFFFFF  }
0xc8: {  	(tm) =	ssettm $0x7FFFFFFF  }
0xc9: {  	_ =	shalt  }
tec
execute0_lowered:
.L_overlay_start_1:
0x0: {  	(tag) =	ssettag $0x1  }
0x1: {  	v0 =	vimm.s32 $0x18  }
0x2: {  	vm5 =	vcmask $0x1300;
	vm0 =	vcmask $0x2714;
	v2 =	vimm.s32 $0x21043213  }
0x3: {  	vm1 =	vcmask $0x3B28;
	v3 =	vimm.s32 $0x4321040;
	vm2 =	vcmask $0xF00  }
0x4: {  	vm3 =	vcmask $0x2304;
	v7 =	vimm.s32 $0x43210;
	vm4 =	vcmask $0x1714  }
0x5: {  	v24 =	vimm.s32 $0x493E0;
	v26 =	vimm.s32 $0x61A84;
	v27 =	vimm.s32 $0x0  }
0x6: {  	v1 =	vsel vm5, $0x0, v0;
	v2 =	vunpack.c.l.s4.s8 v2;
	v20 =	vsel vm5, $0x0, v24  }
0x7: {  	s1 =	srdreg.scid;
	s0 =	stileid.u32;
	v10 =	vunpack.c.l.s4.s8 v7;
	v1 =	vsel vm0, $0x8, v1;
	v22 =	vsel vm0, $0x186A0, v20  }
0x8: {  	s3 =	sand.u32 $0x1, s1;
	s23 =	sshll.u32 s0, $0x1;
	v20 =	vimm.s32 $0x493E1;
	vm0 =	vcmask $0x704;
	v12 =	vsel vm1, $0x10, v1  }
0x9: {  	s4 =	sor.u32 s3, s23;
	v1 =	vunpack.c.l.s4.s8 v3;
	v3 =	vimm.s32 $0x20;
	v2 =	vunpack.c.0.s8.s32 v2  }
0xa: {  	s1 =	smul.u32 $0xA, s4;
	v14 =	vunpack.c.0.s8.s32 v10;
	v20 =	vsel vm0, $0x493E2, v20;
	v22 =	vsel vm1, $0x30D40, v22  }
0xb: {  	vm1 =	vmmov $0x1ff;
	v17 =	vsel vm2, $0x18, v3;
	vm2 =	vcmask $0x1F00  }
0xc: {  	s5 =	sshllo.u32 s4, $0x1;
	v0 =	vmov s1;
	v4 =	vunpack.c.0.s8.s32 v1;
	v1 =	vimm.s32 $0x32104321  }
0xd: {  	s24 =	smul.u32 $0x5, s5;
	v2 =	vnsel vm3, $0x0, v2;
	vm3 =	vcmask $0x3F24;
	v15 =	vnsel vm5, $0x493E0, v14  }
0xe: {  	vm5 =	vcmask $0x2320;
	v5 =	vshll.u32 v0, $0x3;
	v6 =	vunpack.c.l.s4.s8 v1  }
0xf: {  	v8 =	vmov s24;
	v15 =	vsel vm4, $0x186A0, v15;
	v1 =	vadd.s32 v12, v5  }
0x10: {  	v13 =	vsel vm3, v4, v2;
	v5 =	vadd.s32 v17, v5;
	v19 =	vshll.u32 v8, $0x3  }
0x11: {  	vm3 =	vcmask $0x1B18;
	v2 =	vor.u32 v13, v1;
	v3 =	vor.u32 $0x1, v1  }
0x12: {  	v6 =	vunpack.c.0.s8.s32 v6;
	v4 =	vor.u32 $0x2, v1;
	v9 =	vor.u32 $0x1, v5  }
0x13: {  	v10 =	vor.u32 $0x2, v5;
	v11 =	vor.u32 $0x3, v5;
	v12 =	vadd.s32 v12, v19  }
0x14: {  	v15 =	vsel vm3, $0x186A1, v15;
	v18 =	vnsel vm2, $0x4, v6;
	vm2 =	vcmask $0x1F1C  }
0x15: {  	s6 =	rddreg [dreg:$0x0];
	v17 =	vadd.s32 v17, v19;
	v13 =	vor.u32 v13, v12;
	v16 =	vsel vm2, $0x186A2, v15  }
0x16: {  	s7 =	rddreg [dreg:$0x1];
	s2 =	simm.s32 $0x0;
	s10 =	simm.s32 $0x2010;
	v14 =	vor.u32 $0x1, v12;
	v21 =	vsel vm5, $0x186A3, v16;
	vm5 =	vcmask $0x2724  }
0x17: {  	s9 =	simm.s32 $0x2000;
	s12 =	simm.s32 $0x2090;
	[smem:$0x7FF] =	sst s2;
	v6 =	vor.u32 $0x3, v1;
	v21 =	vsel vm5, $0x186A4, v21;
	vm5 =	vcmask $0x2B28  }
0x18: {  	s11 =	simm.s32 $0x2;
	s8 =	sadd.s32 $0x1000, s6;
	s1 =	rddreg [dreg:$0x2];
	v7 =	vor.u32 v18, v5;
	v19 =	vsel vm5, $0x30D40, v21;
	vm5 =	vcmask $0x2F2C  }
0x19: {  	s25 =	sadd.s32 $0xE00, s6;
	_ =	strace $0x80000047;
	[dreg:$0x3] =	wrdreg s8;
	v15 =	vor.u32 $0x2, v12;
	v19 =	vsel vm5, $0x30D41, v19;
	vm5 =	vcmask $0x3330  }
0x1a: {  	s26 =	sadd.s32 $0xC00, s6;
	s29 =	ssub.s32 $0x2, s3;
	[dreg:$0x4] =	wrdreg s25;
	v18 =	vor.u32 v18, v17;
	v23 =	vsel vm5, $0x30D42, v19;
	vm5 =	vcmask $0xB08  }
0x1b: {  	s3 =	sadd.s32 $0x1200, s6;
	s28 =	sshll.u32 s4, $0x6;
	[dreg:$0x5] =	wrdreg s26;
	v16 =	vor.u32 $0x3, v12;
	v21 =	vsel vm5, $0x493E3, v20;
	vm5 =	vcmask $0xF0C  }
0x1c: {  	s4 =	sshll.u32 s4, $0x4;
	s31 =	sshrl.u32 s29, $0x1;
	[dreg:$0xa] =	wrdreg s10;
	v19 =	vor.u32 $0x1, v17;
	v25 =	vsel vm5, $0x493E4, v21;
	vm5 =	vcmask $0x1310  }
0x1d: {  	s5 =	sshll.u32 s5, $0x5;
	s8 =	sadd.s32 s7, s28;
	[dreg:$0xb] =	wrdreg s12;
	v20 =	vor.u32 $0x2, v17;
	v25 =	vsel vm5, $0x61A80, v25;
	vm5 =	vcmask $0x3734  }
0x1e: {  	s4 =	sadd.s32 s4, s6;
	s5 =	sadd.s32 s7, s5;
	[dreg:$0x6] =	wrdreg s8;
	v21 =	vor.u32 $0x3, v17;
	v23 =	vsel vm5, $0x30D43, v23;
	vm5 =	vcmask $0x3B38  }
0x1f: {  	s6 =	simm.s32 $0x1400;
	s30 =	sadd.s32 $0x1A00, s4;
	[dreg:$0x7] =	wrdreg s5;
	v25 =	vsel vm4, $0x61A81, v25;
	vm4 =	vmmov $0x1f;
	v23 =	vsel vm5, $0x30D44, v23  }
0x20: {  	s4 =	sadd.s32 $0x1800, s4;
	s7 =	simm.s32 $0x1;
	[dreg:$0x8] =	wrdreg s30;
	v25 =	vsel vm3, $0x61A82, v25;
	vm3 =	vcmask $0x3F10;
	vm5 =	vcmask $0xF14  }
0x21: {  	s10 =	simm.s32 $0x1E00;
	s5 =	ssub.s32 s29, s31;
	[dreg:$0x9] =	wrdreg s4;
	v25 =	vsel vm2, $0x61A83, v25;
	v24 =	vsel vm3, $0x61A80, v24;
	vm2 =	vcmask $0x714  }
0x22: {  	s8 =	simm.s32 $0x10;
	s4 =	smax.u32 s5, $0x1;
	s5 =	simm.s32 $0xA00;
	vm3 =	vcmask $0xB14;
	v25 =	vcombine.low v25, v26;
	v26 =	vlaneseq.u32  }
.LBB2_1:
0x23: {  	s12 =	rddreg [dreg:$0x3]  }
0x24: {  	[tilespmem:s2], [sflag:$0x1] =	stream.linear.gather [hbm4b:s12+s2], $0xA00, $0x38;
	[tilespmem:$0x2110] =	vst v63  }
0x25: {  	s13 =	rddreg [dreg:$0x4]  }
0x26: {  	[tilespmem:s5], [sflag:$0x1] =	stream.linear.gather [hbm4b:s13+s2], $0xA00, $0x38;
	[tilespmem:$0x2110] =	vst v63  }
0x27: {  	s18 =	rddreg [dreg:$0x5]  }
0x28: {  	[tilespmem:s6], [sflag:$0x1] =	stream.linear.gather [hbm4b:s18+s2], $0xA00, $0x38;
	[tilespmem:$0x2110] =	vst v63  }
0x29: {  	_ =	swait.ge [sflag:s7], $0xA00  }
0x2a: {  	[sflag:s7] =	ssyncset.done $0x0  }
0x2b: {  	[sflag:s7] =	ssyncadd.s32 $0xFFFFF600  }
0x2c: {  	_ =	swait.ge [sflag:s7], $0xA00  }
0x2d: {  	[sflag:s7] =	ssyncset.done $0x0  }
0x2e: {  	[sflag:s7] =	ssyncadd.s32 $0xFFFFF600  }
0x2f: {  	_ =	swait.ge [sflag:s7], $0xA00  }
0x30: {  	[sflag:s7] =	ssyncset.done $0x0  }
0x31: {  	[sflag:s7] =	ssyncadd.s32 $0xFFFFF600  }
0x32: {  	v28 =	vld.idx.msk [tilespmem:v3+s6+$0x0], $0xffff  }
0x33: {  	v29 =	vld.idx.msk [tilespmem:v9+s6+$0x0], $0xffff;
	_ =	sdelay $0x1  }
0x34: {  	v30 =	vld.idx.msk [tilespmem:v2+s2+$0x0], $0xffff  }
0x35: {  	v31 =	vld.idx.msk [tilespmem:v1+s6+$0x0], $0xffff  }
0x36: {  	v32 =	vld.idx.msk [tilespmem:v4+s6+$0x0], $0xffff;
	(erf) = vrcp.f32 v28  }
0x37: {  	v33 =	vld.idx.msk [tilespmem:v5+s6+$0x0], $0xffff;
	(erf) = vrcp.f32 v29  }
0x38: {  	v34 =	vld.idx.msk [tilespmem:v11+s6+$0x0], $0xffff  }
0x39: {  	v29 =	vld.idx.msk [tilespmem:v7+s2+$0x0], $0xffff  }
0x3a: {  	v28 =	vld.idx.msk [tilespmem:v6+s6+$0x0], $0xffff  }
0x3b: {  	v35 =	vld.idx.msk [tilespmem:v10+s6+$0x0], $0xffff;
	_ =	sdelay $0x2  }
0x3c: {  	v30 =	vadd.f32 v31, v30;
	v29 =	vadd.f32 v33, v29  }
0x3d: {  	vm7 =	vgt.f32 v34, $5.000000000e-01;
	vm6 =	vgt.f32 v28, $5.000000000e-01;
	v28 =	vpop (erf)  }
0x3e: {  	v30 =	vsel vm6, v32, v30;
	v29 =	vsel vm7, v35, v29;
	v63 =	vpop (erf)  }
0x3f: {  	v28 =	vmul.f32 v30, v28;
	v29 =	vmul.f32 v29, v63;
	_ =	sdelay $0x1  }
0x40: {  	(xrf0) =	vmax.scan.msk.f32 $0xffff, v28;
	v29 =	vnsel vm1, $0xFF800000, v29  }
0x41: {  	(xrf0) =	vmax.scan.msk.f32 $0xffff, v29;
	_ =	sdelay $0x4  }
0x42: {  	v33, _, _ =	vpop (xrf0)  }
0x43: {  	(v2sf) =	vpush v33, $0xF;
	v34, _, _ =	vpop (xrf0)  }
0x44: {  	(v2sf) =	vpush v34, $0xF;
	_ =	sdelay $0x9  }
0x45: {  	v36 =	vld.idx.msk [tilespmem:v7+s5+$0x0], $0xffff  }
0x46: {  	v35 =	vld.idx.msk [tilespmem:v2+s5+$0x0], $0xffff;
	_ =	sdelay $0x2  }
0x47: {  	s19 =	spop (v2sf)  }
0x48: {  	s20 =	spop (v2sf)  }
0x49: {  	v31 =	vadd.s32 v24, v36;
	v30 =	vadd.s32 v22, v35;
	s12 =	smax.f32 s19, s20  }
0x4a: {  	v31 =	vsel vm7, v25, v31;
	v30 =	vsel vm6, v23, v30;
	vm6 =	veq.f32 v28, s12  }
0x4b: {  	v31 =	vnsel vm1, $0x40000000, v31;
	v37 =	vnsel vm6, $0x40000000, v30;
	vm6 =	veq.f32 v29, s12  }
0x4c: {  	v38 =	vnsel vm6, $0x40000000, v31;
	v39 =	vxor.u32 $0x80000000, v37  }
0x4d: {  	(xrf0) =	vmin.scan.msk.u32 $0xffff, v39;
	v40 =	vxor.u32 $0x80000000, v38  }
0x4e: {  	(xrf0) =	vmin.scan.msk.u32 $0xffff, v40;
	_ =	sdelay $0x4  }
0x4f: {  	v41, _, _ =	vpop (xrf0)  }
0x50: {  	(v2sf) =	vpush v41, $0xF;
	v42, _, _ =	vpop (xrf0)  }
0x51: {  	(v2sf) =	vpush v42, $0xF;
	_ =	sdelay $0xd  }
0x52: {  	s21 =	spop (v2sf)  }
0x53: {  	s14 =	spop (v2sf)  }
0x54: {  	s13 =	sxor.u32 $0x80000000, s21;
	s14 =	sxor.u32 $0x80000000, s14  }
0x55: {  	p0 =	slt.s32 s13, s14  }
0x56: {  	s14 =	smov.u32 @p0 s13  }
0x57: {  	vm6 =	veq.s32 v37, s14  }
0x58: {  	v28 =	vsel vm6, $0xFF800000, v28;
	vm6 =	veq.s32 v38, s14  }
0x59: {  	v29 =	vsel vm6, $0xFF800000, v29;
	(xrf0) =	vmax.scan.msk.f32 $0xffff, v28  }
0x5a: {  	(xrf0) =	vmax.scan.msk.f32 $0xffff, v29;
	_ =	sdelay $0x4  }
0x5b: {  	v43, _, _ =	vpop (xrf0)  }
0x5c: {  	(v2sf) =	vpush v43, $0xF;
	v44, _, _ =	vpop (xrf0)  }
0x5d: {  	(v2sf) =	vpush v44, $0xF;
	_ =	sdelay $0xd  }
0x5e: {  	s22 =	spop (v2sf)  }
0x5f: {  	s15 =	spop (v2sf)  }
0x60: {  	s13 =	smax.f32 s22, s15  }
0x61: {  	vm6 =	veq.f32 v28, s13  }
0x62: {  	v45 =	vnsel vm6, $0x40000000, v30;
	vm6 =	veq.f32 v29, s13  }
0x63: {  	v46 =	vnsel vm6, $0x40000000, v31;
	v47 =	vxor.u32 $0x80000000, v45  }
0x64: {  	(xrf0) =	vmin.scan.msk.u32 $0xffff, v47;
	v48 =	vxor.u32 $0x80000000, v46  }
0x65: {  	(xrf0) =	vmin.scan.msk.u32 $0xffff, v48;
	_ =	sdelay $0x4  }
0x66: {  	v49, _, _ =	vpop (xrf0)  }
0x67: {  	(v2sf) =	vpush v49, $0xF;
	v50, _, _ =	vpop (xrf0)  }
0x68: {  	(v2sf) =	vpush v50, $0xF;
	_ =	sdelay $0xd  }
0x69: {  	s23 =	spop (v2sf)  }
0x6a: {  	s16 =	spop (v2sf)  }
0x6b: {  	s15 =	sxor.u32 $0x80000000, s23;
	s16 =	sxor.u32 $0x80000000, s16  }
0x6c: {  	p0 =	slt.s32 s15, s16  }
0x6d: {  	s16 =	smov.u32 @p0 s15  }
0x6e: {  	vm6 =	veq.s32 v45, s16  }
0x6f: {  	v28 =	vsel vm6, $0xFF800000, v28;
	vm6 =	veq.s32 v46, s16  }
0x70: {  	v29 =	vsel vm6, $0xFF800000, v29;
	(xrf0) =	vmax.scan.msk.f32 $0xffff, v28  }
0x71: {  	(xrf0) =	vmax.scan.msk.f32 $0xffff, v29;
	_ =	sdelay $0x4  }
0x72: {  	v51, _, _ =	vpop (xrf0)  }
0x73: {  	(v2sf) =	vpush v51, $0xF;
	v52, _, _ =	vpop (xrf0)  }
0x74: {  	(v2sf) =	vpush v52, $0xF;
	_ =	sdelay $0xd  }
0x75: {  	s24 =	spop (v2sf)  }
0x76: {  	s17 =	spop (v2sf)  }
0x77: {  	s15 =	smax.f32 s24, s17  }
0x78: {  	vm6 =	veq.f32 v28, s15  }
0x79: {  	v53 =	vnsel vm6, $0x40000000, v30;
	vm6 =	veq.f32 v29, s15  }
0x7a: {  	v54 =	vnsel vm6, $0x40000000, v31;
	v55 =	vxor.u32 $0x80000000, v53  }
0x7b: {  	(xrf0) =	vmin.scan.msk.u32 $0xffff, v55;
	v56 =	vxor.u32 $0x80000000, v54  }
0x7c: {  	(xrf0) =	vmin.scan.msk.u32 $0xffff, v56;
	_ =	sdelay $0x4  }
0x7d: {  	v57, _, _ =	vpop (xrf0)  }
0x7e: {  	(v2sf) =	vpush v57, $0xF;
	v58, _, _ =	vpop (xrf0)  }
0x7f: {  	(v2sf) =	vpush v58, $0xF;
	_ =	sdelay $0xd  }
0x80: {  	s25 =	spop (v2sf)  }
0x81: {  	s18 =	spop (v2sf)  }
0x82: {  	s17 =	sxor.u32 $0x80000000, s25;
	s18 =	sxor.u32 $0x80000000, s18  }
0x83: {  	p0 =	slt.s32 s17, s18  }
0x84: {  	s18 =	smov.u32 @p0 s17  }
0x85: {  	vm6 =	veq.s32 v53, s18  }
0x86: {  	v28 =	vsel vm6, $0xFF800000, v28;
	vm6 =	veq.s32 v54, s18  }
0x87: {  	v29 =	vsel vm6, $0xFF800000, v29;
	(xrf0) =	vmax.scan.msk.f32 $0xffff, v28  }
0x88: {  	(xrf0) =	vmax.scan.msk.f32 $0xffff, v29;
	_ =	sdelay $0x4  }
0x89: {  	v59, _, _ =	vpop (xrf0)  }
0x8a: {  	(v2sf) =	vpush v59, $0xF;
	v60, _, _ =	vpop (xrf0)  }
0x8b: {  	(v2sf) =	vpush v60, $0xF;
	_ =	sdelay $0xd  }
0x8c: {  	s26 =	spop (v2sf)  }
0x8d: {  	s19 =	spop (v2sf)  }
0x8e: {  	s17 =	smax.f32 s26, s19  }
0x8f: {  	vm6 =	veq.f32 v28, s17  }
0x90: {  	v61 =	vnsel vm6, $0x40000000, v30;
	vm6 =	veq.f32 v29, s17  }
0x91: {  	v62 =	vnsel vm6, $0x40000000, v31;
	v63 =	vxor.u32 $0x80000000, v61  }
0x92: {  	(xrf0) =	vmin.scan.msk.u32 $0xffff, v63;
	v36 =	vxor.u32 $0x80000000, v62  }
0x93: {  	(xrf0) =	vmin.scan.msk.u32 $0xffff, v36;
	_ =	sdelay $0x4  }
0x94: {  	v37, _, _ =	vpop (xrf0)  }
0x95: {  	(v2sf) =	vpush v37, $0xF;
	v38, _, _ =	vpop (xrf0)  }
0x96: {  	(v2sf) =	vpush v38, $0xF;
	_ =	sdelay $0xd  }
0x97: {  	s28 =	spop (v2sf)  }
0x98: {  	s20 =	spop (v2sf)  }
0x99: {  	s19 =	sxor.u32 $0x80000000, s28;
	s20 =	sxor.u32 $0x80000000, s20  }
0x9a: {  	p0 =	slt.s32 s19, s20  }
0x9b: {  	s20 =	smov.u32 @p0 s19  }
0x9c: {  	vm6 =	veq.s32 v61, s20  }
0x9d: {  	v28 =	vsel vm6, $0xFF800000, v28;
	vm6 =	veq.s32 v62, s20  }
0x9e: {  	v29 =	vsel vm6, $0xFF800000, v29;
	(xrf0) =	vmax.scan.msk.f32 $0xffff, v28  }
0x9f: {  	(xrf0) =	vmax.scan.msk.f32 $0xffff, v29;
	_ =	sdelay $0x4  }
0xa0: {  	v39, _, _ =	vpop (xrf0)  }
0xa1: {  	(v2sf) =	vpush v39, $0xF;
	v40, _, _ =	vpop (xrf0)  }
0xa2: {  	(v2sf) =	vpush v40, $0xF;
	_ =	sdelay $0xd  }
0xa3: {  	s29 =	spop (v2sf)  }
0xa4: {  	s21 =	spop (v2sf)  }
0xa5: {  	s19 =	smax.f32 s29, s21  }
0xa6: {  	vm6 =	veq.f32 v28, s19;
	v28 =	vxor.u32 $0x80000000, v30  }
0xa7: {  	vm7 =	veq.f32 v29, s19;
	v29 =	vxor.u32 $0x80000000, v31;
	v28 =	vnsel vm6, $0xC0000000, v28  }
0xa8: {  	(xrf0) =	vmin.scan.msk.u32 $0xffff, v28;
	v28 =	vnsel vm7, $0xC0000000, v29  }
0xa9: {  	(xrf0) =	vmin.scan.msk.u32 $0xffff, v28;
	_ =	sdelay $0x4  }
0xaa: {  	v28, _, _ =	vpop (xrf0)  }
0xab: {  	(v2sf) =	vpush v28, $0xF;
	v28, _, _ =	vpop (xrf0)  }
0xac: {  	(v2sf) =	vpush v28, $0xF;
	_ =	sdelay $0xd  }
0xad: {  	vm6 =	veq.s32 v26, $0x0;
	v28 =	vmov s14;
	s30 =	spop (v2sf)  }
0xae: {  	v28 =	vnsel vm6, $0x0, v28;
	s31 =	spop (v2sf)  }
0xaf: {  	v28 =	vsel vm0, s16, v28;
	s14 =	sxor.u32 $0x80000000, s30;
	s16 =	sxor.u32 $0x80000000, s31  }
0xb0: {  	v28 =	vnsel vm2, s18, v28;
	p0 =	slt.s32 s14, s16  }
0xb1: {  	vm7 =	veq.s32 v26, $0x4;
	v28 =	vnsel vm3, s20, v28;
	s16 =	smov.u32 @p0 s14  }
0xb2: {  	v28 =	vsel vm7, s16, v28  }
0xb3: {  	vm8 =	vgt.s32 v28, $0x1869F;
	vm9 =	vgt.s32 v28, $0x30D3F  }
0xb4: {  	vm13 =	vgt.s32 v28, $0x493DF;
	v29 =	vsel vm8, $0x1, v27;
	v41 =	vsel vm9, $0x1, v27  }
0xb5: {  	vm14 =	vgt.s32 v28, $0x61A7F;
	v42 =	vsel vm13, $0x1, v27;
	v29 =	vadd.s32 v41, v29  }
0xb6: {  	v43 =	vsel vm14, $0x1, v27;
	v29 =	vadd.s32 v42, v29  }
0xb7: {  	v29 =	vadd.s32 v43, v29  }
0xb8: {  	v30 =	vadd.s32 v0, v29  }
0xb9: {  	v30 =	vnsel vm4, $0x0, v30  }
0xba: {  	[tilespmem:$0x2000] =	vst v30  }
0xbb: {  	[tilespmem:s10], [sflag:$0x1] =	stream.indirect.gather [hbm4b:s3+s8], $0x20, s9, s8, $0xb8;
	[tilespmem:$0x2110] =	vst v63  }
0xbc: {  	_ =	swait.ge [sflag:s7], $0x200  }
0xbd: {  	v44 =	vmov s12;
	[sflag:s7] =	ssyncset.done $0x0  }
0xbe: {  	v30 =	vnsel vm6, $0x0, v44;
	s16 =	rddreg [dreg:$0x6];
	[sflag:s7] =	ssyncadd.s32 $0xFFFFFE00  }
0xbf: {  	v30 =	vsel vm0, s13, v30;
	[hbm4b:s16+s2] =	stream.linear.scatter [tilespmem:s10], [sflag:$0x2], $0x100, $0x38;
	[tilespmem:$0x2110] =	vst v63  }
0xc0: {  	v30 =	vnsel vm2, s15, v30;
	_ =	swait.ge [sflag:s11], $0x100  }
0xc1: {  	v29 =	vmul.u32 $0xFFFE7960, v29;
	v30 =	vnsel vm3, s17, v30;
	[sflag:s11] =	ssyncset.done $0x0  }
0xc2: {  	v30 =	vnsel vm5, s19, v30;
	[sflag:s11] =	ssyncadd.s32 $0xFFFFFF00  }
0xc3: {  	v28 =	vadd.s32 v28, v29;
	[tilespmem:$0x2010] =	vst v30  }
0xc4: {  	[tilespmem:$0x2090] =	vst v28  }
0xc5: {  	v28 =	vld.idx.msk [tilespmem:v14+s6+$0x0], $0xffff  }
0xc6: {  	v29 =	vld.idx.msk [tilespmem:v19+s6+$0x0], $0xffff;
	_ =	sdelay $0x1  }
0xc7: {  	v30 =	vld.idx.msk [tilespmem:v13+s2+$0x0], $0xffff  }
0xc8: {  	v45 =	vld.idx.msk [tilespmem:v12+s6+$0x0], $0xffff  }
0xc9: {  	v46 =	vld.idx.msk [tilespmem:v15+s6+$0x0], $0xffff;
	(erf) = vrcp.f32 v28  }
0xca: {  	v47 =	vld.idx.msk [tilespmem:v17+s6+$0x0], $0xffff;
	(erf) = vrcp.f32 v29  }
0xcb: {  	v48 =	vld.idx.msk [tilespmem:v21+s6+$0x0], $0xffff  }
0xcc: {  	v29 =	vld.idx.msk [tilespmem:v18+s2+$0x0], $0xffff  }
0xcd: {  	v28 =	vld.idx.msk [tilespmem:v16+s6+$0x0], $0xffff  }
0xce: {  	v49 =	vld.idx.msk [tilespmem:v20+s6+$0x0], $0xffff;
	_ =	sdelay $0x2  }
0xcf: {  	v30 =	vadd.f32 v45, v30;
	v29 =	vadd.f32 v47, v29  }
0xd0: {  	vm12 =	vgt.f32 v48, $5.000000000e-01;
	vm15 =	vgt.f32 v28, $5.000000000e-01;
	v50 =	vpop (erf)  }
0xd1: {  	v28 =	vsel vm15, v46, v30;
	v29 =	vsel vm12, v49, v29;
	v51 =	vpop (erf)  }
0xd2: {  	v28 =	vmul.f32 v28, v50;
	v29 =	vmul.f32 v29, v51;
	_ =	sdelay $0x1  }
0xd3: {  	(xrf0) =	vmax.scan.msk.f32 $0xffff, v28;
	v29 =	vnsel vm1, $0xFF800000, v29  }
0xd4: {  	(xrf0) =	vmax.scan.msk.f32 $0xffff, v29;
	_ =	sdelay $0x4  }
0xd5: {  	v52, _, _ =	vpop (xrf0)  }
0xd6: {  	(v2sf) =	vpush v52, $0xF;
	v53, _, _ =	vpop (xrf0)  }
0xd7: {  	(v2sf) =	vpush v53, $0xF;
	_ =	sdelay $0x9  }
0xd8: {  	v54 =	vld.idx.msk [tilespmem:v13+s5+$0x0], $0xffff  }
0xd9: {  	v55 =	vld.idx.msk [tilespmem:v18+s5+$0x0], $0xffff;
	_ =	sdelay $0x2  }
0xda: {  	s17 =	spop (v2sf)  }
0xdb: {  	s18 =	spop (v2sf)  }
0xdc: {  	v31 =	vadd.s32 v24, v55;
	v30 =	vadd.s32 v22, v54;
	s12 =	smax.f32 s17, s18  }
0xdd: {  	v31 =	vsel vm12, v25, v31;
	v30 =	vsel vm15, v23, v30;
	vm13 =	veq.f32 v28, s12  }
0xde: {  	v31 =	vnsel vm1, $0x40000000, v31;
	vm14 =	veq.f32 v29, s12;
	v56 =	vnsel vm13, $0x40000000, v30  }
0xdf: {  	v57 =	vnsel vm14, $0x40000000, v31;
	v58 =	vxor.u32 $0x80000000, v56  }
0xe0: {  	v59 =	vxor.u32 $0x80000000, v57;
	(xrf0) =	vmin.scan.msk.u32 $0xffff, v58  }
0xe1: {  	(xrf0) =	vmin.scan.msk.u32 $0xffff, v59;
	_ =	sdelay $0x4  }
0xe2: {  	v60, _, _ =	vpop (xrf0)  }
0xe3: {  	(v2sf) =	vpush v60, $0xF;
	v61, _, _ =	vpop (xrf0)  }
0xe4: {  	(v2sf) =	vpush v61, $0xF;
	_ =	sdelay $0xd  }
0xe5: {  	s19 =	spop (v2sf)  }
0xe6: {  	s20 =	spop (v2sf)  }
0xe7: {  	s13 =	sxor.u32 $0x80000000, s19;
	s14 =	sxor.u32 $0x80000000, s20  }
0xe8: {  	p0 =	slt.s32 s13, s14  }
0xe9: {  	s14 =	smov.u32 @p0 s13  }
0xea: {  	vm15 =	veq.s32 v56, s14  }
0xeb: {  	vm12 =	veq.s32 v57, s14;
	v28 =	vsel vm15, $0xFF800000, v28  }
0xec: {  	v29 =	vsel vm12, $0xFF800000, v29;
	(xrf0) =	vmax.scan.msk.f32 $0xffff, v28  }
0xed: {  	(xrf0) =	vmax.scan.msk.f32 $0xffff, v29;
	_ =	sdelay $0x4  }
0xee: {  	v62, _, _ =	vpop (xrf0)  }
0xef: {  	(v2sf) =	vpush v62, $0xF;
	v63, _, _ =	vpop (xrf0)  }
0xf0: {  	(v2sf) =	vpush v63, $0xF;
	_ =	sdelay $0xd  }
0xf1: {  	s21 =	spop (v2sf)  }
0xf2: {  	s22 =	spop (v2sf)  }
0xf3: {  	s13 =	smax.f32 s21, s22  }
0xf4: {  	vm13 =	veq.f32 v28, s13  }
0xf5: {  	vm14 =	veq.f32 v29, s13;
	v36 =	vnsel vm13, $0x40000000, v30  }
0xf6: {  	v37 =	vnsel vm14, $0x40000000, v31;
	v38 =	vxor.u32 $0x80000000, v36  }
0xf7: {  	v39 =	vxor.u32 $0x80000000, v37;
	(xrf0) =	vmin.scan.msk.u32 $0xffff, v38  }
0xf8: {  	(xrf0) =	vmin.scan.msk.u32 $0xffff, v39;
	_ =	sdelay $0x4  }
0xf9: {  	v40, _, _ =	vpop (xrf0)  }
0xfa: {  	(v2sf) =	vpush v40, $0xF;
	v41, _, _ =	vpop (xrf0)  }
0xfb: {  	(v2sf) =	vpush v41, $0xF;
	_ =	sdelay $0xd  }
0xfc: {  	s23 =	spop (v2sf)  }
0xfd: {  	s24 =	spop (v2sf)  }
0xfe: {  	s15 =	sxor.u32 $0x80000000, s23;
	s16 =	sxor.u32 $0x80000000, s24  }
0xff: {  	p0 =	slt.s32 s15, s16  }
0x100: {  	s16 =	smov.u32 @p0 s15  }
0x101: {  	vm15 =	veq.s32 v36, s16  }
0x102: {  	vm12 =	veq.s32 v37, s16;
	v28 =	vsel vm15, $0xFF800000, v28  }
0x103: {  	v29 =	vsel vm12, $0xFF800000, v29;
	(xrf0) =	vmax.scan.msk.f32 $0xffff, v28  }
0x104: {  	(xrf0) =	vmax.scan.msk.f32 $0xffff, v29;
	_ =	sdelay $0x4  }
0x105: {  	v42, _, _ =	vpop (xrf0)  }
0x106: {  	(v2sf) =	vpush v42, $0xF;
	v43, _, _ =	vpop (xrf0)  }
0x107: {  	(v2sf) =	vpush v43, $0xF;
	_ =	sdelay $0xd  }
0x108: {  	s25 =	spop (v2sf)  }
0x109: {  	s26 =	spop (v2sf)  }
0x10a: {  	s15 =	smax.f32 s25, s26  }
0x10b: {  	vm13 =	veq.f32 v28, s15  }
0x10c: {  	vm14 =	veq.f32 v29, s15;
	v44 =	vnsel vm13, $0x40000000, v30  }
0x10d: {  	v45 =	vnsel vm14, $0x40000000, v31;
	v46 =	vxor.u32 $0x80000000, v44  }
0x10e: {  	v47 =	vxor.u32 $0x80000000, v45;
	(xrf0) =	vmin.scan.msk.u32 $0xffff, v46  }
0x10f: {  	(xrf0) =	vmin.scan.msk.u32 $0xffff, v47;
	_ =	sdelay $0x4  }
0x110: {  	v48, _, _ =	vpop (xrf0)  }
0x111: {  	(v2sf) =	vpush v48, $0xF;
	v49, _, _ =	vpop (xrf0)  }
0x112: {  	(v2sf) =	vpush v49, $0xF;
	_ =	sdelay $0xd  }
0x113: {  	s28 =	spop (v2sf)  }
0x114: {  	s29 =	spop (v2sf)  }
0x115: {  	s17 =	sxor.u32 $0x80000000, s28;
	s18 =	sxor.u32 $0x80000000, s29  }
0x116: {  	p0 =	slt.s32 s17, s18  }
0x117: {  	s18 =	smov.u32 @p0 s17  }
0x118: {  	vm15 =	veq.s32 v44, s18  }
0x119: {  	vm12 =	veq.s32 v45, s18;
	v28 =	vsel vm15, $0xFF800000, v28  }
0x11a: {  	v29 =	vsel vm12, $0xFF800000, v29;
	(xrf0) =	vmax.scan.msk.f32 $0xffff, v28  }
0x11b: {  	(xrf0) =	vmax.scan.msk.f32 $0xffff, v29;
	_ =	sdelay $0x4  }
0x11c: {  	v50, _, _ =	vpop (xrf0)  }
0x11d: {  	(v2sf) =	vpush v50, $0xF;
	v51, _, _ =	vpop (xrf0)  }
0x11e: {  	(v2sf) =	vpush v51, $0xF;
	_ =	sdelay $0xd  }
0x11f: {  	s30 =	spop (v2sf)  }
0x120: {  	s31 =	spop (v2sf)  }
0x121: {  	s17 =	smax.f32 s30, s31  }
0x122: {  	vm13 =	veq.f32 v28, s17  }
0x123: {  	vm14 =	veq.f32 v29, s17;
	v52 =	vnsel vm13, $0x40000000, v30  }
0x124: {  	v53 =	vnsel vm14, $0x40000000, v31;
	v54 =	vxor.u32 $0x80000000, v52  }
0x125: {  	v55 =	vxor.u32 $0x80000000, v53;
	(xrf0) =	vmin.scan.msk.u32 $0xffff, v54  }
0x126: {  	(xrf0) =	vmin.scan.msk.u32 $0xffff, v55;
	_ =	sdelay $0x4  }
0x127: {  	v56, _, _ =	vpop (xrf0)  }
0x128: {  	(v2sf) =	vpush v56, $0xF;
	v57, _, _ =	vpop (xrf0)  }
0x129: {  	(v2sf) =	vpush v57, $0xF;
	_ =	sdelay $0xd  }
0x12a: {  	s20 =	spop (v2sf)  }
0x12b: {  	s21 =	spop (v2sf)  }
0x12c: {  	s19 =	sxor.u32 $0x80000000, s20;
	s20 =	sxor.u32 $0x80000000, s21  }
0x12d: {  	p0 =	slt.s32 s19, s20  }
0x12e: {  	s20 =	smov.u32 @p0 s19  }
0x12f: {  	vm15 =	veq.s32 v52, s20  }
0x130: {  	vm12 =	veq.s32 v53, s20;
	v28 =	vsel vm15, $0xFF800000, v28  }
0x131: {  	v29 =	vsel vm12, $0xFF800000, v29;
	(xrf0) =	vmax.scan.msk.f32 $0xffff, v28  }
0x132: {  	(xrf0) =	vmax.scan.msk.f32 $0xffff, v29;
	_ =	sdelay $0x4  }
0x133: {  	v58, _, _ =	vpop (xrf0)  }
0x134: {  	(v2sf) =	vpush v58, $0xF;
	v59, _, _ =	vpop (xrf0)  }
0x135: {  	(v2sf) =	vpush v59, $0xF;
	_ =	sdelay $0xd  }
0x136: {  	s22 =	spop (v2sf)  }
0x137: {  	s23 =	spop (v2sf)  }
0x138: {  	s19 =	smax.f32 s22, s23  }
0x139: {  	vm13 =	veq.f32 v28, s19;
	v28 =	vxor.u32 $0x80000000, v30  }
0x13a: {  	vm14 =	veq.f32 v29, s19;
	v29 =	vxor.u32 $0x80000000, v31;
	v28 =	vnsel vm13, $0xC0000000, v28  }
0x13b: {  	(xrf0) =	vmin.scan.msk.u32 $0xffff, v28;
	v28 =	vnsel vm14, $0xC0000000, v29  }
0x13c: {  	(xrf0) =	vmin.scan.msk.u32 $0xffff, v28;
	_ =	sdelay $0x4  }
0x13d: {  	v28, _, _ =	vpop (xrf0)  }
0x13e: {  	(v2sf) =	vpush v28, $0xF;
	v28, _, _ =	vpop (xrf0)  }
0x13f: {  	(v2sf) =	vpush v28, $0xF;
	_ =	sdelay $0xd  }
0x140: {  	v28 =	vmov s14;
	s24 =	spop (v2sf)  }
0x141: {  	v28 =	vnsel vm6, $0x0, v28;
	s25 =	spop (v2sf)  }
0x142: {  	v28 =	vsel vm0, s16, v28;
	s16 =	sxor.u32 $0x80000000, s24;
	s14 =	sxor.u32 $0x80000000, s25  }
0x143: {  	v28 =	vnsel vm2, s18, v28;
	p0 =	slt.s32 s16, s14  }
0x144: {  	v28 =	vnsel vm3, s20, v28;
	s14 =	smov.u32 @p0 s16  }
0x145: {  	v28 =	vsel vm7, s14, v28  }
0x146: {  	vm7 =	vgt.s32 v28, $0x1869F;
	vm15 =	vgt.s32 v28, $0x30D3F  }
0x147: {  	v29 =	vsel vm7, $0x1, v27;
	v60 =	vsel vm15, $0x1, v27;
	vm7 =	vgt.s32 v28, $0x493DF  }
0x148: {  	v29 =	vadd.s32 v60, v29;
	v61 =	vsel vm7, $0x1, v27;
	vm7 =	vgt.s32 v28, $0x61A7F  }
0x149: {  	v29 =	vadd.s32 v61, v29;
	v62 =	vsel vm7, $0x1, v27  }
0x14a: {  	v29 =	vadd.s32 v62, v29  }
0x14b: {  	v30 =	vadd.s32 v8, v29  }
0x14c: {  	v30 =	vnsel vm4, $0x0, v30  }
0x14d: {  	[tilespmem:$0x2000] =	vst v30  }
0x14e: {  	[tilespmem:s10], [sflag:$0x1] =	stream.indirect.gather [hbm4b:s3+s8], $0x20, s9, s8, $0xb8;
	[tilespmem:$0x2110] =	vst v63  }
0x14f: {  	_ =	swait.ge [sflag:s7], $0x200  }
0x150: {  	v63 =	vmov s12;
	[sflag:s7] =	ssyncset.done $0x0  }
0x151: {  	v30 =	vnsel vm6, $0x0, v63;
	s26 =	rddreg [dreg:$0x7];
	[sflag:s7] =	ssyncadd.s32 $0xFFFFFE00  }
0x152: {  	v30 =	vsel vm0, s13, v30;
	[hbm4b:s26+s2] =	stream.linear.scatter [tilespmem:s10], [sflag:$0x2], $0x100, $0x38;
	[tilespmem:$0x2110] =	vst v63  }
0x153: {  	v30 =	vnsel vm2, s15, v30;
	_ =	swait.ge [sflag:s11], $0x100  }
0x154: {  	v29 =	vmul.u32 $0xFFFE7960, v29;
	v30 =	vnsel vm3, s17, v30;
	[sflag:s11] =	ssyncset.done $0x0  }
0x155: {  	v30 =	vnsel vm5, s19, v30;
	[sflag:s11] =	ssyncadd.s32 $0xFFFFFF00  }
0x156: {  	v28 =	vadd.s32 v28, v29;
	s28 =	rddreg [dreg:$0x8];
	[tilespmem:$0x2020] =	vst v30  }
0x157: {  	s29 =	rddreg [dreg:$0xa];
	[tilespmem:$0x20A0] =	vst v28  }
0x158: {  	[hbm4b:s28+s2] =	stream.linear.scatter [tilespmem:s29], [sflag:$0x2], $0x80, $0x38;
	[tilespmem:$0x2110] =	vst v63  }
0x159: {  	_ =	swait.ge [sflag:s11], $0x80  }
0x15a: {  	p0 =	sne.s32 s4, $0x1;
	s30 =	rddreg [dreg:$0x9];
	[sflag:s11] =	ssyncset.done $0x0  }
.Ltmp0:
0x15b: {  	s31 =	rddreg [dreg:$0xb];
	[sflag:s11] =	ssyncadd.s32 $0xFFFFFF80;
	(pc) =	sbr.rel @p0 .LBB2_1-.Ltmp0, $4  }
0x15c: {  	[hbm4b:s30+s2] =	stream.linear.scatter [tilespmem:s31], [sflag:$0x2], $0x80, $0x38;
	[tilespmem:$0x2110] =	vst v63  }
0x15d: {  	_ =	swait.ge [sflag:s11], $0x80  }
0x15e: {  	[sflag:s11] =	ssyncset.done $0x0  }
0x15f: {  	s4 =	sadd.s32 $0xFFFFFFFF, s4;
	[sflag:s11] =	ssyncadd.s32 $0xFFFFFF80  }
0x160: {  	_ =	sfence.sel $0x180000  }
0x161: {  	[bflag:$0x0] =	sbarrier.arrive $0xFFFF  }
0x162: {  	p0 =	sne.s32 s0, $0x0;
	_ =	strace $0x90000047  }
0x163: {  	s0 =	sadd.s32 @!p0 $0x100000, s1;
	[bflag:$0x2] =	sbarrier.arrive $0xFFFF  }
0x164: {  	[sflag:s0] =	ssyncadd.tile.s32 @!p0 $0x1;
	_ =	shalt  }
.Lfunc_end2:
_tile_overlayer_lowered:
.L_overlay_start_2:
0x165: {  	(tag) =	ssettag $0x2  }
0x166: {  	s0 =	rddreg [dreg:$0x0];
	s2 =	stileid.u32  }
0x167: {  	s1 =	rddreg [dreg:$0x1];
	p0 =	sne.s32 s2, $0x0  }
0x168: {  	s3 =	rddreg [dreg:$0x2];
	[bflag:$0x3] =	sbarrier.arrive $0xFFFF;
	s2 =	simm.s32 @!p0 $0x1C02  }
0x169: {  	[timem:s3], [sflag:s2] =	dma.local @!p0 [hbm:s0], s1  }
0x16a: {  	s0 =	simm.s32 @!p0 $0x2  }
0x16b: {  	_ =	swait.ge @!p0 [sflag:s0], s1  }
0x16c: {  	s1 =	ssub.s32 @!p0 $0x0, s1;
	[sflag:s0] =	ssyncset.done @!p0 $0x0  }
0x16d: {  	[sflag:s0] =	ssyncadd.s32 @!p0 s1  }
0x16e: {  	[bflag:$0x3] =	sbarrier.arrive $0xFFFF  }
0x16f: {  	_ =	shalt  }

</sc_bundles>
